<compile_context>
chip_gen: v7x
topology: tpu7x:2x2x1
jax: 0.10.2.dev20260603
libtpu: 0.0.44.dev20260713+nightly
codegen_flags: <defaults>
</compile_context>

<pallas_src>
import functools

import jax
import jax.numpy as jnp
from jax import lax
from jax.experimental import pallas as pl
from jax.experimental.pallas import tpu as pltpu
from jax.experimental.pallas import tpu_sc as plsc



def _tc1_body(x_ref, lpg_ref, lpb_ref, w1t_ref, b1_ref, l1g_ref, l1b_ref,
              c1wt_ref, o_ref):
    xb = x_ref[0]
    mu = jnp.mean(xb, axis=-1, keepdims=True)
    var = jnp.mean((xb - mu) ** 2, axis=-1, keepdims=True)
    y = (xb - mu) / jnp.sqrt(var + 1e-5) * lpg_ref[0] + lpb_ref[0]
    y = jnp.maximum(y, 0.0)
    z = jnp.dot(y, w1t_ref[...], preferred_element_type=jnp.float32) + b1_ref[0]
    mu2 = jnp.mean(z, axis=-1, keepdims=True)
    var2 = jnp.mean((z - mu2) ** 2, axis=-1, keepdims=True)
    z = (z - mu2) / jnp.sqrt(var2 + 1e-5) * l1g_ref[0] + l1b_ref[0]
    z = jnp.maximum(z, 0.0)
    o_ref[0] = jnp.dot(z, c1wt_ref[...], preferred_element_type=jnp.float32)


def _tc2_body(w_ref, x_ref, c2wt_ref, b2_ref, l2g_ref, l2b_ref, w2t_ref,
              b2l_ref, o_ref):
    wb = w_ref[0]
    o2 = jnp.dot(wb, c2wt_ref[...], preferred_element_type=jnp.float32) + b2_ref[0]
    mu = jnp.mean(o2, axis=-1, keepdims=True)
    var = jnp.mean((o2 - mu) ** 2, axis=-1, keepdims=True)
    t = (o2 - mu) / jnp.sqrt(var + 1e-5) * l2g_ref[0] + l2b_ref[0]
    t = jnp.maximum(t, 0.0)
    y = jnp.dot(t, w2t_ref[...], preferred_element_type=jnp.float32) + b2l_ref[0]
    o_ref[0] = x_ref[0] + y



_NS = 16
_NC = 2
_CHUNK = 128
_RB = 64


def _make_sc_kernel(N, F, nch, rows_pad):
    chunks_per_tile = rows_pad // (_NS * _RB)
    mesh = plsc.VectorSubcoreMesh(core_axis_name="c", subcore_axis_name="s")

    @functools.partial(
        pl.kernel,
        out_type=(jax.ShapeDtypeStruct((_NC, rows_pad, F), jnp.float32),
                  jax.ShapeDtypeStruct((_NC, rows_pad, F), jnp.float32)),
        mesh=mesh,
        compiler_params=pltpu.CompilerParams(
            use_tc_tiling_on_sc=False, needs_layout_passes=False),
        scratch_types=[
            pltpu.VMEM((nch, _CHUNK), jnp.int32),
            pltpu.VMEM((nch, _CHUNK), jnp.int32),
            pltpu.VMEM((_CHUNK, F), jnp.float32),
            pltpu.VMEM((_CHUNK, F), jnp.float32),
            pltpu.VMEM((_CHUNK, F), jnp.float32),
            pltpu.VMEM((_CHUNK, F), jnp.float32),
            pltpu.VMEM((_RB, F), jnp.float32),
            pltpu.VMEM((rows_pad // _NS,), jnp.float32),
            pltpu.VMEM((rows_pad // _NS,), jnp.float32),
            pltpu.VMEM((_RB, F), jnp.float32),
            pltpu.VMEM((_CHUNK, F), jnp.float32),
            pltpu.VMEM((F,), jnp.float32),
            pltpu.VMEM_SHARED((rows_pad, F), jnp.float32),
            pltpu.SemaphoreType.DMA,
        ],
    )
    def sc_kernel(h1r, ni_h, ei_h, z64_h, ones_h, b1p_h,
                  out, tbl, ni, ei, gbuf0, gbuf1, gbuf2, gbuf3,
                  sbuf, inv_e, inv_n, zv, onesv, b1v, acc, sem):
        gbufs = (gbuf0, gbuf1, gbuf2, gbuf3)
        nring = len(gbufs)
        cid = lax.axis_index("c")
        sid = lax.axis_index("s")
        base = sid * (chunks_per_tile * _RB)

        pltpu.sync_copy(ni_h.at[sid], ni)
        pltpu.sync_copy(ei_h.at[sid], ei)
        pltpu.sync_copy(z64_h, zv)
        pltpu.sync_copy(ones_h, onesv)
        pltpu.sync_copy(b1p_h, b1v)

        def zero_rows(k, _):
            r0 = base + k * _RB
            pltpu.sync_copy(zv, acc.at[pl.ds(r0, _RB)])
            return 0
        lax.fori_loop(0, chunks_per_tile, zero_rows, 0)
        plsc.subcore_barrier()

        cwin = 8

        def count_pass(siv):
            def body(j, _):
                pltpu.async_copy(onesv, acc.at[siv.at[j]], sem, add=True)

                @pl.when(j >= cwin)
                def _():
                    pltpu.make_async_copy(onesv, acc.at[siv.at[0]],
                                          sem).wait()
                return 0
            lax.fori_loop(0, nch, body, 0)

            def drain(j, _):
                pltpu.make_async_copy(onesv, acc.at[siv.at[0]], sem).wait()
                return 0
            lax.fori_loop(0, min(cwin, nch), drain, 0)

        lane = lax.iota(jnp.int32, 16)
        lane0 = lane == 0

        def compress_invert(invt):
            def body(k, _):
                r0 = base + k * _RB
                pltpu.sync_copy(acc.at[pl.ds(r0, _RB)], sbuf)

                def row(i, _):
                    v = sbuf[i, pl.ds(0, 16)]
                    inv = jnp.where(v > 0.0, 1.0 / v, 0.0)
                    plsc.store_scatter(
                        invt, [jnp.full((16,), k * _RB + i, jnp.int32)], inv,
                        mask=lane0)
                    return 0
                lax.fori_loop(0, _RB, row, 0)
                pltpu.sync_copy(zv, acc.at[pl.ds(r0, _RB)])
                return 0
            lax.fori_loop(0, chunks_per_tile, body, 0)

        def agg_pass(src_tbl, giv, siv):
            for r in range(nring):
                pltpu.async_copy(src_tbl.at[giv.at[r]], gbufs[r], sem)

            def body(jj, _):
                for r in range(nring):
                    j = jj * nring + r
                    pltpu.make_async_copy(src_tbl.at[giv.at[0]], gbufs[r],
                                          sem).wait()
                    pltpu.sync_copy(gbufs[r], acc.at[siv.at[j]], add=True)

                    @pl.when(j + nring < nch)
                    def _():
                        pltpu.async_copy(src_tbl.at[giv.at[j + nring]],
                                         gbufs[r], sem)
                return 0
            lax.fori_loop(0, nch // nring, body, 0)

        def scale_rows(inv, add_bias, out_tbl):
            def body(k, _):
                r0 = base + k * _RB
                pltpu.sync_copy(acc.at[pl.ds(r0, _RB)], sbuf)

                def row(i, _):
                    s = plsc.load_gather(
                        inv, [jnp.full((16,), k * _RB + i, jnp.int32)])
                    for q in range(F // 16):
                        v = sbuf[i, pl.ds(q * 16, 16)] * s
                        if add_bias:
                            v = v + b1v[pl.ds(q * 16, 16)]
                        sbuf[i, pl.ds(q * 16, 16)] = v
                    return 0
                lax.fori_loop(0, _RB, row, 0)
                pltpu.sync_copy(sbuf, out_tbl.at[pl.ds(r0, _RB)])
                pltpu.sync_copy(zv, acc.at[pl.ds(r0, _RB)])
                return 0
            lax.fori_loop(0, chunks_per_tile, body, 0)

        h1c = h1r.at[cid]
        tblc = tbl.at[cid]
        outc = out.at[cid]

        count_pass(ei)
        plsc.subcore_barrier()
        compress_invert(inv_e)
        plsc.subcore_barrier()
        count_pass(ni)
        plsc.subcore_barrier()
        compress_invert(inv_n)
        plsc.subcore_barrier()

        agg_pass(h1c, ni, ei)
        plsc.subcore_barrier()
        scale_rows(inv_e, False, tblc)
        plsc.subcore_barrier()
        agg_pass(tblc, ei, ni)
        plsc.subcore_barrier()
        scale_rows(inv_n, True, tblc)
        plsc.subcore_barrier()
        agg_pass(tblc, ni, ei)
        plsc.subcore_barrier()
        scale_rows(inv_e, False, tblc)
        plsc.subcore_barrier()
        agg_pass(tblc, ei, ni)
        plsc.subcore_barrier()
        scale_rows(inv_n, False, outc)

    return sc_kernel




def kernel(x, incident_matrix, ln_pre_g, ln_pre_b, lin1_W, lin1_b, ln1_g,
           ln1_b, conv1_W, conv1_b, conv2_W, conv2_b, ln2_g, ln2_b, lin2_W,
           lin2_b):
    B, N, C = x.shape
    h2 = lin1_W.shape[0]
    h4 = conv1_W.shape[0]
    hidden = conv2_W.shape[0]
    nnz = incident_matrix.shape[1]
    F = (B // _NC) * h4
    BN = 1000

    node = incident_matrix[0].astype(jnp.int32)
    edge = incident_matrix[1].astype(jnp.int32)

    nch = -(-nnz // (_NS * _CHUNK))
    nch = -(-nch // 4) * 4
    nnz_pad = _NS * nch * _CHUNK
    rows_pad = -(-(N + 1) // (_NS * _RB)) * (_NS * _RB)

    def pad_idx(idx):
        p = jnp.full((nnz_pad - nnz,), N, dtype=jnp.int32)
        return jnp.concatenate([idx, p]).reshape(_NS, nch, _CHUNK)

    ni = pad_idx(node)
    ei = pad_idx(edge)

    grid1 = (B, N // BN)
    row2d = lambda a: a.reshape(1, -1)
    full = lambda shape: pl.BlockSpec(shape, lambda b, i: (0, 0))
    h1 = pl.pallas_call(
        _tc1_body,
        grid=grid1,
        in_specs=[
            pl.BlockSpec((1, BN, C), lambda b, i: (b, i, 0)),
            full((1, C)), full((1, C)),
            pl.BlockSpec((C, h2), lambda b, i: (0, 0)),
            full((1, h2)), full((1, h2)), full((1, h2)),
            pl.BlockSpec((h2, h4), lambda b, i: (0, 0)),
        ],
        out_specs=pl.BlockSpec((1, BN, h4), lambda b, i: (b, i, 0)),
        out_shape=jax.ShapeDtypeStruct((B, N, h4), jnp.float32),
    )(x, row2d(ln_pre_g), row2d(ln_pre_b), lin1_W.T, row2d(lin1_b),
      row2d(ln1_g), row2d(ln1_b), conv1_W.T)

    h1r = h1.reshape(_NC, B // _NC, N, h4).transpose(0, 2, 1, 3).reshape(
        _NC, N, F)
    b1p = jnp.tile(conv1_b, B // _NC)

    z64 = jnp.zeros((_RB, F), jnp.float32)
    ones64 = jnp.ones((_CHUNK, F), jnp.float32)

    h1p = jnp.zeros((_NC, rows_pad, F), jnp.float32).at[:, :N, :].set(h1r)

    sc = _make_sc_kernel(N, F, nch, rows_pad)
    w_pad, _ = sc(h1p, ni, ei, z64, ones64, b1p)

    w8 = w_pad[:, :N, :].reshape(_NC, N, B // _NC, h4).transpose(
        0, 2, 1, 3).reshape(B, N, h4)

    out = pl.pallas_call(
        _tc2_body,
        grid=grid1,
        in_specs=[
            pl.BlockSpec((1, BN, h4), lambda b, i: (b, i, 0)),
            pl.BlockSpec((1, BN, C), lambda b, i: (b, i, 0)),
            pl.BlockSpec((h4, hidden), lambda b, i: (0, 0)),
            full((1, hidden)), full((1, hidden)), full((1, hidden)),
            pl.BlockSpec((hidden, C), lambda b, i: (0, 0)),
            full((1, C)),
        ],
        out_specs=pl.BlockSpec((1, BN, C), lambda b, i: (b, i, 0)),
        out_shape=jax.ShapeDtypeStruct((B, N, C), jnp.float32),
    )(w8, x, conv2_W.T, row2d(conv2_b), row2d(ln2_g), row2d(ln2_b),
      lin2_W.T, row2d(lin2_b))

    return out

# --- scband reference (transcript-rebuilt; emitter-appended) ---
"""Pipeline reference for scband-hyper-graph-res-block-23476291240117 (READ-ONLY COPY).

The authoritative reference and input builder live on the scoring server;
editing this copy changes nothing except your own understanding.
"""

import jax, jax.numpy as jnp
import numpy as np


def setup_inputs(seed: int = 0) -> dict:
    key = jax.random.key(seed)
    ks = jax.random.split(key, 20)
    B, N, C = 8, 10000, 128
    NNZ = 160000
    hidden = 64
    h2 = hidden // 2   # 32
    h4 = hidden // 4   # 16
    s = 0.05
    inp = {}
    inp['x'] = jax.random.normal(ks[0], (B, N, C), dtype=jnp.float32)
    inp['incident_matrix'] = jax.random.randint(ks[1], (2, NNZ), 0, N)
    # pre_norm (LayerNorm over in_channels=128)
    inp['ln_pre_g'] = jnp.ones((C,), dtype=jnp.float32)
    inp['ln_pre_b'] = jnp.zeros((C,), dtype=jnp.float32)
    # lin1: GraphLinear(in=128 -> out=32), W [out,in], b [out]
    inp['lin1_W'] = jax.random.normal(ks[2], (h2, C), dtype=jnp.float32) * s
    inp['lin1_b'] = jax.random.normal(ks[3], (h2,), dtype=jnp.float32) * s
    inp['ln1_g'] = jnp.ones((h2,), dtype=jnp.float32)
    inp['ln1_b'] = jnp.zeros((h2,), dtype=jnp.float32)
    # HGCN: HypergraphConv(32 -> 16) then HypergraphConv(16 -> 64)
    inp['conv1_W'] = jax.random.normal(ks[4], (h4, h2), dtype=jnp.float32) * s
    inp['conv1_b'] = jax.random.normal(ks[5], (h4,), dtype=jnp.float32) * s
    inp['conv2_W'] = jax.random.normal(ks[6], (hidden, h4), dtype=jnp.float32) * s
    inp['conv2_b'] = jax.random.normal(ks[7], (hidden,), dtype=jnp.float32) * s
    inp['ln2_g'] = jnp.ones((hidden,), dtype=jnp.float32)
    inp['ln2_b'] = jnp.zeros((hidden,), dtype=jnp.float32)
    # lin2: GraphLinear(in=64 -> out=128)
    inp['lin2_W'] = jax.random.normal(ks[8], (C, hidden), dtype=jnp.float32) * s
    inp['lin2_b'] = jax.random.normal(ks[9], (C,), dtype=jnp.float32) * s
    return inp


def reference(x, incident_matrix, ln_pre_g, ln_pre_b, lin1_W, lin1_b, ln1_g, ln1_b,
              conv1_W, conv1_b, conv2_W, conv2_b, ln2_g, ln2_b, lin2_W, lin2_b):
    node_idx = incident_matrix[0]
    edge_idx = incident_matrix[1]
    N = x.shape[1]
    num_edges = N

    def layer_norm(v, g, b):
        mu = jnp.mean(v, axis=-1, keepdims=True)
        var = jnp.var(v, axis=-1, keepdims=True)
        return (v - mu) / jnp.sqrt(var + 1e-5) * g + b

    def graph_linear(v, W, b):  # v: [B, Cin, N] -> [B, Cout, N]
        return jnp.einsum('oc,bcn->bon', W, v) + b[None, :, None]

    ones_nnz = jnp.ones(node_idx.shape[0], dtype=x.dtype)
    Dn = jax.ops.segment_sum(ones_nnz, node_idx, num_segments=N)
    Dinv = jnp.where(Dn > 0, 1.0 / Dn, 0.0)
    Be = jax.ops.segment_sum(ones_nnz, edge_idx, num_segments=num_edges)
    Binv = jnp.where(Be > 0, 1.0 / Be, 0.0)

    def hconv(xi, W, b):  # xi: [N, Cin]; PyG HypergraphConv (no attention, unit edge weights)
        h = xi @ W.T
        m = jax.ops.segment_sum(h[node_idx], edge_idx, num_segments=num_edges) * Binv[:, None]
        o = jax.ops.segment_sum(m[edge_idx], node_idx, num_segments=N) * Dinv[:, None]
        return o + b

    y = jax.nn.relu(layer_norm(x, ln_pre_g, ln_pre_b))
    y = graph_linear(jnp.transpose(y, (0, 2, 1)), lin1_W, lin1_b)
    y = jnp.transpose(y, (0, 2, 1))
    y = jax.nn.relu(layer_norm(y, ln1_g, ln1_b))

    def hgcn(xi):
        h = hconv(xi, conv1_W, conv1_b)
        return hconv(h, conv2_W, conv2_b)

    y = jax.vmap(hgcn)(y)
    t = jax.nn.relu(layer_norm(y, ln2_g, ln2_b))
    y = graph_linear(jnp.transpose(t, (0, 2, 1)), lin2_W, lin2_b)
    y = jnp.transpose(y, (0, 2, 1))
    return x + y

if __name__ == "__main__":
    import jax
    _d = setup_inputs()
    print(jax.jit(kernel)(*tuple(_d.values())))

</pallas_src>

<mosaic_0001>
#map = affine_map<(d0, d1) -> (0, 0, 0)>
#map1 = affine_map<(d0, d1) -> (0, 0)>
#map2 = affine_map<(d0, d1) -> (0)>
module attributes {stable_mosaic.version = 14 : i64} {
  func.func @sc_kernel(%arg0: i32, %arg1: i32, %arg2: memref<2x10240x64xf32, #tpu.memory_space<hbm>>, %arg3: memref<16x80x128xi32, #tpu.memory_space<hbm>>, %arg4: memref<16x80x128xi32, #tpu.memory_space<hbm>>, %arg5: memref<64x64xf32, #tpu.memory_space<hbm>>, %arg6: memref<128x64xf32, #tpu.memory_space<hbm>>, %arg7: memref<64xf32, #tpu.memory_space<hbm>>, %arg8: memref<2x10240x64xf32, #tpu.memory_space<hbm>>, %arg9: memref<2x10240x64xf32, #tpu.memory_space<hbm>>, %arg10: memref<80x128xi32, #tpu.memory_space<vmem>>, %arg11: memref<80x128xi32, #tpu.memory_space<vmem>>, %arg12: memref<128x64xf32, #tpu.memory_space<vmem>>, %arg13: memref<128x64xf32, #tpu.memory_space<vmem>>, %arg14: memref<128x64xf32, #tpu.memory_space<vmem>>, %arg15: memref<128x64xf32, #tpu.memory_space<vmem>>, %arg16: memref<64x64xf32, #tpu.memory_space<vmem>>, %arg17: memref<640xf32, #tpu.memory_space<vmem>>, %arg18: memref<640xf32, #tpu.memory_space<vmem>>, %arg19: memref<64x64xf32, #tpu.memory_space<vmem>>, %arg20: memref<128x64xf32, #tpu.memory_space<vmem>>, %arg21: memref<64xf32, #tpu.memory_space<vmem>>, %arg22: memref<10240x64xf32, #tpu.memory_space<vmem_shared>>, %arg23: memref<!tpu.dma_semaphore, #tpu.memory_space<semaphore_mem>>) attributes {dimension_semantics = [#tpu.dimension_semantics<core_parallel>, #tpu.dimension_semantics<subcore_parallel>], iteration_bounds = array<i64: 2, 16>, scalar_prefetch = 0 : i64, scratch_operands = 14 : i64, tpu.core_type = #tpu.core_type<sc_vector_subcore>, window_params = [{transform_indices = #map}, {transform_indices = #map}, {transform_indices = #map}, {transform_indices = #map1}, {transform_indices = #map1}, {transform_indices = #map2}, {transform_indices = #map}, {transform_indices = #map}]} {
    %mul3A = arith.constant 640 : i32
    %mul3A_0 = arith.muli %arg1, %mul3A : i32
    "tpu.region"() ({
      %run_scoped3A = tpu.sem_alloc : memref<!tpu.dma_semaphore, #tpu.memory_space<semaphore_mem>>
      %dma_start3A_293 = arith.constant 0 : i32
      %dma_start3A_294 = arith.constant 0 : i32
      %dma_start3A_295 = tpu.memref_slice %arg3[%arg1, %dma_start3A_293, %dma_start3A_294] : memref<16x80x128xi32, #tpu.memory_space<hbm>> -> memref<1x80x128xi32, #tpu.memory_space<hbm>>
      %dma_start3A_296 = tpu.memref_squeeze %dma_start3A_295 : memref<1x80x128xi32, #tpu.memory_space<hbm>> -> memref<80x128xi32, #tpu.memory_space<hbm>>
      %dma_start3A_297 = arith.constant 0 : i32
      %dma_start3A_298 = arith.constant 0 : i32
      %dma_start3A_299 = tpu.memref_slice %arg3[%arg1, %dma_start3A_297, %dma_start3A_298] : memref<16x80x128xi32, #tpu.memory_space<hbm>> -> memref<1x80x128xi32, #tpu.memory_space<hbm>>
      %dma_start3A_300 = tpu.memref_squeeze %dma_start3A_299 : memref<1x80x128xi32, #tpu.memory_space<hbm>> -> memref<80x128xi32, #tpu.memory_space<hbm>>
      tpu.enqueue_dma source(%dma_start3A_300 : memref<80x128xi32, #tpu.memory_space<hbm>>) target(%arg10 : memref<80x128xi32, #tpu.memory_space<vmem>>) target_semaphore(%run_scoped3A : memref<!tpu.dma_semaphore, #tpu.memory_space<semaphore_mem>>)
      %dma_wait3A = arith.constant 0 : i32
      %dma_wait3A_301 = arith.constant 0 : i32
      %dma_wait3A_302 = tpu.memref_slice %arg3[%arg1, %dma_wait3A, %dma_wait3A_301] : memref<16x80x128xi32, #tpu.memory_space<hbm>> -> memref<1x80x128xi32, #tpu.memory_space<hbm>>
      %dma_wait3A_303 = tpu.memref_squeeze %dma_wait3A_302 : memref<1x80x128xi32, #tpu.memory_space<hbm>> -> memref<80x128xi32, #tpu.memory_space<hbm>>
      %dma_wait3A_304 = arith.constant 0 : i32
      %dma_wait3A_305 = arith.constant 0 : i32
      %dma_wait3A_306 = tpu.memref_slice %arg3[%arg1, %dma_wait3A_304, %dma_wait3A_305] : memref<16x80x128xi32, #tpu.memory_space<hbm>> -> memref<1x80x128xi32, #tpu.memory_space<hbm>>
      %dma_wait3A_307 = tpu.memref_squeeze %dma_wait3A_306 : memref<1x80x128xi32, #tpu.memory_space<hbm>> -> memref<80x128xi32, #tpu.memory_space<hbm>>
      tpu.wait_dma2 semaphore(%run_scoped3A : memref<!tpu.dma_semaphore, #tpu.memory_space<semaphore_mem>>) src(%dma_wait3A_307 : memref<80x128xi32, #tpu.memory_space<hbm>>) dst(%arg10 : memref<80x128xi32, #tpu.memory_space<vmem>>)
      tpu.yield
    }) : () -> ()
    "tpu.region"() ({
      %run_scoped3A = tpu.sem_alloc : memref<!tpu.dma_semaphore, #tpu.memory_space<semaphore_mem>>
      %dma_start3A_293 = arith.constant 0 : i32
      %dma_start3A_294 = arith.constant 0 : i32
      %dma_start3A_295 = tpu.memref_slice %arg4[%arg1, %dma_start3A_293, %dma_start3A_294] : memref<16x80x128xi32, #tpu.memory_space<hbm>> -> memref<1x80x128xi32, #tpu.memory_space<hbm>>
      %dma_start3A_296 = tpu.memref_squeeze %dma_start3A_295 : memref<1x80x128xi32, #tpu.memory_space<hbm>> -> memref<80x128xi32, #tpu.memory_space<hbm>>
      %dma_start3A_297 = arith.constant 0 : i32
      %dma_start3A_298 = arith.constant 0 : i32
      %dma_start3A_299 = tpu.memref_slice %arg4[%arg1, %dma_start3A_297, %dma_start3A_298] : memref<16x80x128xi32, #tpu.memory_space<hbm>> -> memref<1x80x128xi32, #tpu.memory_space<hbm>>
      %dma_start3A_300 = tpu.memref_squeeze %dma_start3A_299 : memref<1x80x128xi32, #tpu.memory_space<hbm>> -> memref<80x128xi32, #tpu.memory_space<hbm>>
      tpu.enqueue_dma source(%dma_start3A_300 : memref<80x128xi32, #tpu.memory_space<hbm>>) target(%arg11 : memref<80x128xi32, #tpu.memory_space<vmem>>) target_semaphore(%run_scoped3A : memref<!tpu.dma_semaphore, #tpu.memory_space<semaphore_mem>>)
      %dma_wait3A = arith.constant 0 : i32
      %dma_wait3A_301 = arith.constant 0 : i32
      %dma_wait3A_302 = tpu.memref_slice %arg4[%arg1, %dma_wait3A, %dma_wait3A_301] : memref<16x80x128xi32, #tpu.memory_space<hbm>> -> memref<1x80x128xi32, #tpu.memory_space<hbm>>
      %dma_wait3A_303 = tpu.memref_squeeze %dma_wait3A_302 : memref<1x80x128xi32, #tpu.memory_space<hbm>> -> memref<80x128xi32, #tpu.memory_space<hbm>>
      %dma_wait3A_304 = arith.constant 0 : i32
      %dma_wait3A_305 = arith.constant 0 : i32
      %dma_wait3A_306 = tpu.memref_slice %arg4[%arg1, %dma_wait3A_304, %dma_wait3A_305] : memref<16x80x128xi32, #tpu.memory_space<hbm>> -> memref<1x80x128xi32, #tpu.memory_space<hbm>>
      %dma_wait3A_307 = tpu.memref_squeeze %dma_wait3A_306 : memref<1x80x128xi32, #tpu.memory_space<hbm>> -> memref<80x128xi32, #tpu.memory_space<hbm>>
      tpu.wait_dma2 semaphore(%run_scoped3A : memref<!tpu.dma_semaphore, #tpu.memory_space<semaphore_mem>>) src(%dma_wait3A_307 : memref<80x128xi32, #tpu.memory_space<hbm>>) dst(%arg11 : memref<80x128xi32, #tpu.memory_space<vmem>>)
      tpu.yield
    }) : () -> ()
    "tpu.region"() ({
      %run_scoped3A = tpu.sem_alloc : memref<!tpu.dma_semaphore, #tpu.memory_space<semaphore_mem>>
      tpu.enqueue_dma source(%arg5 : memref<64x64xf32, #tpu.memory_space<hbm>>) target(%arg19 : memref<64x64xf32, #tpu.memory_space<vmem>>) target_semaphore(%run_scoped3A : memref<!tpu.dma_semaphore, #tpu.memory_space<semaphore_mem>>)
      tpu.wait_dma2 semaphore(%run_scoped3A : memref<!tpu.dma_semaphore, #tpu.memory_space<semaphore_mem>>) src(%arg5 : memref<64x64xf32, #tpu.memory_space<hbm>>) dst(%arg19 : memref<64x64xf32, #tpu.memory_space<vmem>>)
      tpu.yield
    }) : () -> ()
    "tpu.region"() ({
      %run_scoped3A = tpu.sem_alloc : memref<!tpu.dma_semaphore, #tpu.memory_space<semaphore_mem>>
      tpu.enqueue_dma source(%arg6 : memref<128x64xf32, #tpu.memory_space<hbm>>) target(%arg20 : memref<128x64xf32, #tpu.memory_space<vmem>>) target_semaphore(%run_scoped3A : memref<!tpu.dma_semaphore, #tpu.memory_space<semaphore_mem>>)
      tpu.wait_dma2 semaphore(%run_scoped3A : memref<!tpu.dma_semaphore, #tpu.memory_space<semaphore_mem>>) src(%arg6 : memref<128x64xf32, #tpu.memory_space<hbm>>) dst(%arg20 : memref<128x64xf32, #tpu.memory_space<vmem>>)
      tpu.yield
    }) : () -> ()
    "tpu.region"() ({
      %run_scoped3A = tpu.sem_alloc : memref<!tpu.dma_semaphore, #tpu.memory_space<semaphore_mem>>
      tpu.enqueue_dma source(%arg7 : memref<64xf32, #tpu.memory_space<hbm>>) target(%arg21 : memref<64xf32, #tpu.memory_space<vmem>>) target_semaphore(%run_scoped3A : memref<!tpu.dma_semaphore, #tpu.memory_space<semaphore_mem>>)
      tpu.wait_dma2 semaphore(%run_scoped3A : memref<!tpu.dma_semaphore, #tpu.memory_space<semaphore_mem>>) src(%arg7 : memref<64xf32, #tpu.memory_space<hbm>>) dst(%arg21 : memref<64xf32, #tpu.memory_space<vmem>>)
      tpu.yield
    }) : () -> ()
    %scan3A = arith.constant 0 : i32
    %scan3A_1 = arith.constant 0 : i32
    %scan3A_2 = arith.constant 10 : i32
    %scan3A_3 = arith.addi %scan3A_1, %scan3A_2 : i32
    %scan3A_4 = arith.constant 1 : i32
    %scan3A_5 = scf.for %scan3A_293 = %scan3A_1 to %scan3A_3 step %scan3A_4 iter_args(%scan3A_294 = %scan3A) -> (i32)  : i32 {
      %mul3A_295 = arith.constant 64 : i32
      %mul3A_296 = arith.muli %scan3A_293, %mul3A_295 : i32
      %add3A = arith.addi %mul3A_0, %mul3A_296 : i32
      "tpu.region"() ({
        %run_scoped3A = tpu.sem_alloc : memref<!tpu.dma_semaphore, #tpu.memory_space<semaphore_mem>>
        %dma_start3A_298 = arith.constant 0 : i32
        %dma_start3A_299 = tpu.memref_slice %arg22[%add3A, %dma_start3A_298] : memref<10240x64xf32, #tpu.memory_space<vmem_shared>> -> memref<64x64xf32, #tpu.memory_space<vmem_shared>>
        %dma_start3A_300 = arith.constant 0 : i32
        %dma_start3A_301 = tpu.memref_slice %arg22[%add3A, %dma_start3A_300] : memref<10240x64xf32, #tpu.memory_space<vmem_shared>> -> memref<64x64xf32, #tpu.memory_space<vmem_shared>>
        tpu.enqueue_dma source(%arg19 : memref<64x64xf32, #tpu.memory_space<vmem>>) target(%dma_start3A_301 : memref<64x64xf32, #tpu.memory_space<vmem_shared>>) target_semaphore(%run_scoped3A : memref<!tpu.dma_semaphore, #tpu.memory_space<semaphore_mem>>)
        %dma_wait3A = arith.constant 0 : i32
        %dma_wait3A_302 = tpu.memref_slice %arg22[%add3A, %dma_wait3A] : memref<10240x64xf32, #tpu.memory_space<vmem_shared>> -> memref<64x64xf32, #tpu.memory_space<vmem_shared>>
        %dma_wait3A_303 = arith.constant 0 : i32
        %dma_wait3A_304 = tpu.memref_slice %arg22[%add3A, %dma_wait3A_303] : memref<10240x64xf32, #tpu.memory_space<vmem_shared>> -> memref<64x64xf32, #tpu.memory_space<vmem_shared>>
        tpu.wait_dma2 semaphore(%run_scoped3A : memref<!tpu.dma_semaphore, #tpu.memory_space<semaphore_mem>>) src(%arg19 : memref<64x64xf32, #tpu.memory_space<vmem>>) dst(%dma_wait3A_304 : memref<64x64xf32, #tpu.memory_space<vmem_shared>>)
        tpu.yield
      }) : () -> ()
      %scan3A_297 = arith.constant 0 : i32
      scf.yield %scan3A_297 : i32
    }
    %scan3A_6 = arith.constant 10 : i32
    %barrier3A = arith.constant 0 : index
    tpu.barrier barrier_id(%barrier3A)
    %iota3A = tpu.iota {dimensions = array<i32: 0>} : vector<16xi32>
    %eq3A = arith.constant 0 : i32
    %eq3A_7 = vector.broadcast %eq3A : i32 to vector<16xi32>
    %eq3A_8 = arith.cmpi eq, %iota3A, %eq3A_7 : vector<16xi32>
    %scan3A_9 = arith.constant 0 : i32
    %scan3A_10 = arith.constant 0 : i32
    %scan3A_11 = arith.constant 80 : i32
    %scan3A_12 = arith.addi %scan3A_10, %scan3A_11 : i32
    %scan3A_13 = arith.constant 1 : i32
    %scan3A_14 = scf.for %scan3A_293 = %scan3A_10 to %scan3A_12 step %scan3A_13 iter_args(%scan3A_294 = %scan3A_9) -> (i32)  : i32 {
      %dma_start3A_295 = arith.constant 0 : i32
      %dma_start3A_296 = tpu.memref_slice %arg11[%scan3A_293, %dma_start3A_295] : memref<80x128xi32, #tpu.memory_space<vmem>> -> memref<1x128xi32, #tpu.memory_space<vmem>>
      %dma_start3A_297 = tpu.memref_squeeze %dma_start3A_296 : memref<1x128xi32, #tpu.memory_space<vmem>> -> memref<128xi32, #tpu.memory_space<vmem>>
      %dma_start3A_298 = arith.constant 0 : i32
      %dma_start3A_299 = arith.constant 0 : i32
      %dma_start3A_300 = tpu.memref_slice %arg22[%dma_start3A_298, %dma_start3A_299] : memref<10240x64xf32, #tpu.memory_space<vmem_shared>> -> memref<10240x64xf32, #tpu.memory_space<vmem_shared>>
      tpu.enqueue_indirect_dma source(%arg20 : memref<128x64xf32, #tpu.memory_space<vmem>>) target(%dma_start3A_300 : memref<10240x64xf32, #tpu.memory_space<vmem_shared>>) offsets(%dma_start3A_297 : memref<128xi32, #tpu.memory_space<vmem>>) semaphore(%arg23 : memref<!tpu.dma_semaphore, #tpu.memory_space<semaphore_mem>>) {add = true}
      %ge3A = arith.constant 8 : i32
      %ge3A_301 = arith.cmpi sge, %scan3A_293, %ge3A : i32
      %convert_element_type3A = arith.extui %ge3A_301 : i1 to i32
      %cond3A = arith.constant 0 : i32
      %cond3A_302 = arith.cmpi ne, %convert_element_type3A, %cond3A : i32
      scf.if %cond3A_302 {
        %dma_wait3A = arith.constant 0 : i32
        %dma_wait3A_304 = arith.constant 0 : i32
        %dma_wait3A_305 = tpu.memref_slice %arg11[%dma_wait3A, %dma_wait3A_304] : memref<80x128xi32, #tpu.memory_space<vmem>> -> memref<1x128xi32, #tpu.memory_space<vmem>>
        %dma_wait3A_306 = tpu.memref_squeeze %dma_wait3A_305 : memref<1x128xi32, #tpu.memory_space<vmem>> -> memref<128xi32, #tpu.memory_space<vmem>>
        %dma_wait3A_307 = arith.constant 0 : i32
        %dma_wait3A_308 = arith.constant 0 : i32
        %dma_wait3A_309 = tpu.memref_slice %arg22[%dma_wait3A_307, %dma_wait3A_308] : memref<10240x64xf32, #tpu.memory_space<vmem_shared>> -> memref<10240x64xf32, #tpu.memory_space<vmem_shared>>
        tpu.wait_indirect_dma semaphore(%arg23 : memref<!tpu.dma_semaphore, #tpu.memory_space<semaphore_mem>>) src(%arg20 : memref<128x64xf32, #tpu.memory_space<vmem>>) dst(%dma_wait3A_309 : memref<10240x64xf32, #tpu.memory_space<vmem_shared>>)
      } else {
      }
      %scan3A_303 = arith.constant 0 : i32
      scf.yield %scan3A_303 : i32
    }
    %scan3A_15 = arith.constant 80 : i32
    %scan3A_16 = arith.constant 0 : i32
    %scan3A_17 = arith.constant 0 : i32
    %scan3A_18 = arith.constant 8 : i32
    %scan3A_19 = arith.addi %scan3A_17, %scan3A_18 : i32
    %scan3A_20 = arith.constant 1 : i32
    %scan3A_21 = scf.for %scan3A_293 = %scan3A_17 to %scan3A_19 step %scan3A_20 iter_args(%scan3A_294 = %scan3A_16) -> (i32)  : i32 {
      %dma_wait3A = arith.constant 0 : i32
      %dma_wait3A_295 = arith.constant 0 : i32
      %dma_wait3A_296 = tpu.memref_slice %arg11[%dma_wait3A, %dma_wait3A_295] : memref<80x128xi32, #tpu.memory_space<vmem>> -> memref<1x128xi32, #tpu.memory_space<vmem>>
      %dma_wait3A_297 = tpu.memref_squeeze %dma_wait3A_296 : memref<1x128xi32, #tpu.memory_space<vmem>> -> memref<128xi32, #tpu.memory_space<vmem>>
      %dma_wait3A_298 = arith.constant 0 : i32
      %dma_wait3A_299 = arith.constant 0 : i32
      %dma_wait3A_300 = tpu.memref_slice %arg22[%dma_wait3A_298, %dma_wait3A_299] : memref<10240x64xf32, #tpu.memory_space<vmem_shared>> -> memref<10240x64xf32, #tpu.memory_space<vmem_shared>>
      tpu.wait_indirect_dma semaphore(%arg23 : memref<!tpu.dma_semaphore, #tpu.memory_space<semaphore_mem>>) src(%arg20 : memref<128x64xf32, #tpu.memory_space<vmem>>) dst(%dma_wait3A_300 : memref<10240x64xf32, #tpu.memory_space<vmem_shared>>)
      %scan3A_301 = arith.constant 0 : i32
      scf.yield %scan3A_301 : i32
    }
    %scan3A_22 = arith.constant 8 : i32
    %barrier3A_23 = arith.constant 0 : index
    tpu.barrier barrier_id(%barrier3A_23)
    %scan3A_24 = arith.constant 0 : i32
    %scan3A_25 = arith.constant 0 : i32
    %scan3A_26 = arith.constant 10 : i32
    %scan3A_27 = arith.addi %scan3A_25, %scan3A_26 : i32
    %scan3A_28 = arith.constant 1 : i32
    %scan3A_29 = scf.for %scan3A_293 = %scan3A_25 to %scan3A_27 step %scan3A_28 iter_args(%scan3A_294 = %scan3A_24) -> (i32)  : i32 {
      %mul3A_295 = arith.constant 64 : i32
      %mul3A_296 = arith.muli %scan3A_293, %mul3A_295 : i32
      %add3A = arith.addi %mul3A_0, %mul3A_296 : i32
      "tpu.region"() ({
        %run_scoped3A = tpu.sem_alloc : memref<!tpu.dma_semaphore, #tpu.memory_space<semaphore_mem>>
        %dma_start3A_305 = arith.constant 0 : i32
        %dma_start3A_306 = tpu.memref_slice %arg22[%add3A, %dma_start3A_305] : memref<10240x64xf32, #tpu.memory_space<vmem_shared>> -> memref<64x64xf32, #tpu.memory_space<vmem_shared>>
        %dma_start3A_307 = arith.constant 0 : i32
        %dma_start3A_308 = tpu.memref_slice %arg22[%add3A, %dma_start3A_307] : memref<10240x64xf32, #tpu.memory_space<vmem_shared>> -> memref<64x64xf32, #tpu.memory_space<vmem_shared>>
        tpu.enqueue_dma source(%dma_start3A_308 : memref<64x64xf32, #tpu.memory_space<vmem_shared>>) target(%arg16 : memref<64x64xf32, #tpu.memory_space<vmem>>) target_semaphore(%run_scoped3A : memref<!tpu.dma_semaphore, #tpu.memory_space<semaphore_mem>>)
        %dma_wait3A = arith.constant 0 : i32
        %dma_wait3A_309 = tpu.memref_slice %arg22[%add3A, %dma_wait3A] : memref<10240x64xf32, #tpu.memory_space<vmem_shared>> -> memref<64x64xf32, #tpu.memory_space<vmem_shared>>
        %dma_wait3A_310 = arith.constant 0 : i32
        %dma_wait3A_311 = tpu.memref_slice %arg22[%add3A, %dma_wait3A_310] : memref<10240x64xf32, #tpu.memory_space<vmem_shared>> -> memref<64x64xf32, #tpu.memory_space<vmem_shared>>
        tpu.wait_dma2 semaphore(%run_scoped3A : memref<!tpu.dma_semaphore, #tpu.memory_space<semaphore_mem>>) src(%dma_wait3A_311 : memref<64x64xf32, #tpu.memory_space<vmem_shared>>) dst(%arg16 : memref<64x64xf32, #tpu.memory_space<vmem>>)
        tpu.yield
      }) : () -> ()
      %scan3A_297 = arith.constant 0 : i32
      %scan3A_298 = arith.constant 0 : i32
      %scan3A_299 = arith.constant 64 : i32
      %scan3A_300 = arith.addi %scan3A_298, %scan3A_299 : i32
      %scan3A_301 = arith.constant 1 : i32
      %scan3A_302 = scf.for %scan3A_305 = %scan3A_298 to %scan3A_300 step %scan3A_301 iter_args(%scan3A_306 = %scan3A_297) -> (i32)  : i32 {
        %get3A = arith.index_cast %scan3A_305 : i32 to index
        %get3A_307 = arith.constant 0 : index
        %get3A_308 = tpu.vector_load %arg16[%get3A, %get3A_307] {strides = array<i32>} : memref<64x64xf32, #tpu.memory_space<vmem>>, vector<16xf32>,
        %gt3A = arith.constant 0.000000e+00 : f32
        %gt3A_309 = vector.broadcast %gt3A : f32 to vector<16xf32>
        %gt3A_310 = arith.cmpf ogt, %get3A_308, %gt3A_309 : vector<16xf32>
        %div3A = arith.constant 1.000000e+00 : f32
        %div3A_311 = vector.broadcast %div3A : f32 to vector<16xf32>
        %div3A_312 = arith.divf %div3A_311, %get3A_308 : vector<16xf32>
        %jit3A = arith.constant 0.000000e+00 : f32
        %broadcast_in_dim3A = vector.broadcast %jit3A : f32 to vector<16xf32>
        %select_n3A = arith.select %gt3A_310, %div3A_312, %broadcast_in_dim3A : vector<16xi1>, vector<16xf32>
        %mul3A_313 = arith.constant 64 : i32
        %mul3A_314 = arith.muli %scan3A_293, %mul3A_313 : i32
        %add3A_315 = arith.addi %mul3A_314, %scan3A_305 : i32
        %broadcast_in_dim3A_316 = vector.broadcast %add3A_315 : i32 to vector<16xi32>
        tpu.vector_store_idx %arg17[%broadcast_in_dim3A_316], %select_n3A masked %eq3A_8 : memref<640xf32, #tpu.memory_space<vmem>>[vector<16xi32>], vector<16xf32>, vector<16xi1>
        %scan3A_317 = arith.constant 0 : i32
        scf.yield %scan3A_317 : i32
      }
      %scan3A_303 = arith.constant 64 : i32
      "tpu.region"() ({
        %run_scoped3A = tpu.sem_alloc : memref<!tpu.dma_semaphore, #tpu.memory_space<semaphore_mem>>
        %dma_start3A_305 = arith.constant 0 : i32
        %dma_start3A_306 = tpu.memref_slice %arg22[%add3A, %dma_start3A_305] : memref<10240x64xf32, #tpu.memory_space<vmem_shared>> -> memref<64x64xf32, #tpu.memory_space<vmem_shared>>
        %dma_start3A_307 = arith.constant 0 : i32
        %dma_start3A_308 = tpu.memref_slice %arg22[%add3A, %dma_start3A_307] : memref<10240x64xf32, #tpu.memory_space<vmem_shared>> -> memref<64x64xf32, #tpu.memory_space<vmem_shared>>
        tpu.enqueue_dma source(%arg19 : memref<64x64xf32, #tpu.memory_space<vmem>>) target(%dma_start3A_308 : memref<64x64xf32, #tpu.memory_space<vmem_shared>>) target_semaphore(%run_scoped3A : memref<!tpu.dma_semaphore, #tpu.memory_space<semaphore_mem>>)
        %dma_wait3A = arith.constant 0 : i32
        %dma_wait3A_309 = tpu.memref_slice %arg22[%add3A, %dma_wait3A] : memref<10240x64xf32, #tpu.memory_space<vmem_shared>> -> memref<64x64xf32, #tpu.memory_space<vmem_shared>>
        %dma_wait3A_310 = arith.constant 0 : i32
        %dma_wait3A_311 = tpu.memref_slice %arg22[%add3A, %dma_wait3A_310] : memref<10240x64xf32, #tpu.memory_space<vmem_shared>> -> memref<64x64xf32, #tpu.memory_space<vmem_shared>>
        tpu.wait_dma2 semaphore(%run_scoped3A : memref<!tpu.dma_semaphore, #tpu.memory_space<semaphore_mem>>) src(%arg19 : memref<64x64xf32, #tpu.memory_space<vmem>>) dst(%dma_wait3A_311 : memref<64x64xf32, #tpu.memory_space<vmem_shared>>)
        tpu.yield
      }) : () -> ()
      %scan3A_304 = arith.constant 0 : i32
      scf.yield %scan3A_304 : i32
    }
    %scan3A_30 = arith.constant 10 : i32
    %barrier3A_31 = arith.constant 0 : index
    tpu.barrier barrier_id(%barrier3A_31)
    %scan3A_32 = arith.constant 0 : i32
    %scan3A_33 = arith.constant 0 : i32
    %scan3A_34 = arith.constant 80 : i32
    %scan3A_35 = arith.addi %scan3A_33, %scan3A_34 : i32
    %scan3A_36 = arith.constant 1 : i32
    %scan3A_37 = scf.for %scan3A_293 = %scan3A_33 to %scan3A_35 step %scan3A_36 iter_args(%scan3A_294 = %scan3A_32) -> (i32)  : i32 {
      %dma_start3A_295 = arith.constant 0 : i32
      %dma_start3A_296 = tpu.memref_slice %arg10[%scan3A_293, %dma_start3A_295] : memref<80x128xi32, #tpu.memory_space<vmem>> -> memref<1x128xi32, #tpu.memory_space<vmem>>
      %dma_start3A_297 = tpu.memref_squeeze %dma_start3A_296 : memref<1x128xi32, #tpu.memory_space<vmem>> -> memref<128xi32, #tpu.memory_space<vmem>>
      %dma_start3A_298 = arith.constant 0 : i32
      %dma_start3A_299 = arith.constant 0 : i32
      %dma_start3A_300 = tpu.memref_slice %arg22[%dma_start3A_298, %dma_start3A_299] : memref<10240x64xf32, #tpu.memory_space<vmem_shared>> -> memref<10240x64xf32, #tpu.memory_space<vmem_shared>>
      tpu.enqueue_indirect_dma source(%arg20 : memref<128x64xf32, #tpu.memory_space<vmem>>) target(%dma_start3A_300 : memref<10240x64xf32, #tpu.memory_space<vmem_shared>>) offsets(%dma_start3A_297 : memref<128xi32, #tpu.memory_space<vmem>>) semaphore(%arg23 : memref<!tpu.dma_semaphore, #tpu.memory_space<semaphore_mem>>) {add = true}
      %ge3A = arith.constant 8 : i32
      %ge3A_301 = arith.cmpi sge, %scan3A_293, %ge3A : i32
      %convert_element_type3A = arith.extui %ge3A_301 : i1 to i32
      %cond3A = arith.constant 0 : i32
      %cond3A_302 = arith.cmpi ne, %convert_element_type3A, %cond3A : i32
      scf.if %cond3A_302 {
        %dma_wait3A = arith.constant 0 : i32
        %dma_wait3A_304 = arith.constant 0 : i32
        %dma_wait3A_305 = tpu.memref_slice %arg10[%dma_wait3A, %dma_wait3A_304] : memref<80x128xi32, #tpu.memory_space<vmem>> -> memref<1x128xi32, #tpu.memory_space<vmem>>
        %dma_wait3A_306 = tpu.memref_squeeze %dma_wait3A_305 : memref<1x128xi32, #tpu.memory_space<vmem>> -> memref<128xi32, #tpu.memory_space<vmem>>
        %dma_wait3A_307 = arith.constant 0 : i32
        %dma_wait3A_308 = arith.constant 0 : i32
        %dma_wait3A_309 = tpu.memref_slice %arg22[%dma_wait3A_307, %dma_wait3A_308] : memref<10240x64xf32, #tpu.memory_space<vmem_shared>> -> memref<10240x64xf32, #tpu.memory_space<vmem_shared>>
        tpu.wait_indirect_dma semaphore(%arg23 : memref<!tpu.dma_semaphore, #tpu.memory_space<semaphore_mem>>) src(%arg20 : memref<128x64xf32, #tpu.memory_space<vmem>>) dst(%dma_wait3A_309 : memref<10240x64xf32, #tpu.memory_space<vmem_shared>>)
      } else {
      }
      %scan3A_303 = arith.constant 0 : i32
      scf.yield %scan3A_303 : i32
    }
    %scan3A_38 = arith.constant 80 : i32
    %scan3A_39 = arith.constant 0 : i32
    %scan3A_40 = arith.constant 0 : i32
    %scan3A_41 = arith.constant 8 : i32
    %scan3A_42 = arith.addi %scan3A_40, %scan3A_41 : i32
    %scan3A_43 = arith.constant 1 : i32
    %scan3A_44 = scf.for %scan3A_293 = %scan3A_40 to %scan3A_42 step %scan3A_43 iter_args(%scan3A_294 = %scan3A_39) -> (i32)  : i32 {
      %dma_wait3A = arith.constant 0 : i32
      %dma_wait3A_295 = arith.constant 0 : i32
      %dma_wait3A_296 = tpu.memref_slice %arg10[%dma_wait3A, %dma_wait3A_295] : memref<80x128xi32, #tpu.memory_space<vmem>> -> memref<1x128xi32, #tpu.memory_space<vmem>>
      %dma_wait3A_297 = tpu.memref_squeeze %dma_wait3A_296 : memref<1x128xi32, #tpu.memory_space<vmem>> -> memref<128xi32, #tpu.memory_space<vmem>>
      %dma_wait3A_298 = arith.constant 0 : i32
      %dma_wait3A_299 = arith.constant 0 : i32
      %dma_wait3A_300 = tpu.memref_slice %arg22[%dma_wait3A_298, %dma_wait3A_299] : memref<10240x64xf32, #tpu.memory_space<vmem_shared>> -> memref<10240x64xf32, #tpu.memory_space<vmem_shared>>
      tpu.wait_indirect_dma semaphore(%arg23 : memref<!tpu.dma_semaphore, #tpu.memory_space<semaphore_mem>>) src(%arg20 : memref<128x64xf32, #tpu.memory_space<vmem>>) dst(%dma_wait3A_300 : memref<10240x64xf32, #tpu.memory_space<vmem_shared>>)
      %scan3A_301 = arith.constant 0 : i32
      scf.yield %scan3A_301 : i32
    }
    %scan3A_45 = arith.constant 8 : i32
    %barrier3A_46 = arith.constant 0 : index
    tpu.barrier barrier_id(%barrier3A_46)
    %scan3A_47 = arith.constant 0 : i32
    %scan3A_48 = arith.constant 0 : i32
    %scan3A_49 = arith.constant 10 : i32
    %scan3A_50 = arith.addi %scan3A_48, %scan3A_49 : i32
    %scan3A_51 = arith.constant 1 : i32
    %scan3A_52 = scf.for %scan3A_293 = %scan3A_48 to %scan3A_50 step %scan3A_51 iter_args(%scan3A_294 = %scan3A_47) -> (i32)  : i32 {
      %mul3A_295 = arith.constant 64 : i32
      %mul3A_296 = arith.muli %scan3A_293, %mul3A_295 : i32
      %add3A = arith.addi %mul3A_0, %mul3A_296 : i32
      "tpu.region"() ({
        %run_scoped3A = tpu.sem_alloc : memref<!tpu.dma_semaphore, #tpu.memory_space<semaphore_mem>>
        %dma_start3A_305 = arith.constant 0 : i32
        %dma_start3A_306 = tpu.memref_slice %arg22[%add3A, %dma_start3A_305] : memref<10240x64xf32, #tpu.memory_space<vmem_shared>> -> memref<64x64xf32, #tpu.memory_space<vmem_shared>>
        %dma_start3A_307 = arith.constant 0 : i32
        %dma_start3A_308 = tpu.memref_slice %arg22[%add3A, %dma_start3A_307] : memref<10240x64xf32, #tpu.memory_space<vmem_shared>> -> memref<64x64xf32, #tpu.memory_space<vmem_shared>>
        tpu.enqueue_dma source(%dma_start3A_308 : memref<64x64xf32, #tpu.memory_space<vmem_shared>>) target(%arg16 : memref<64x64xf32, #tpu.memory_space<vmem>>) target_semaphore(%run_scoped3A : memref<!tpu.dma_semaphore, #tpu.memory_space<semaphore_mem>>)
        %dma_wait3A = arith.constant 0 : i32
        %dma_wait3A_309 = tpu.memref_slice %arg22[%add3A, %dma_wait3A] : memref<10240x64xf32, #tpu.memory_space<vmem_shared>> -> memref<64x64xf32, #tpu.memory_space<vmem_shared>>
        %dma_wait3A_310 = arith.constant 0 : i32
        %dma_wait3A_311 = tpu.memref_slice %arg22[%add3A, %dma_wait3A_310] : memref<10240x64xf32, #tpu.memory_space<vmem_shared>> -> memref<64x64xf32, #tpu.memory_space<vmem_shared>>
        tpu.wait_dma2 semaphore(%run_scoped3A : memref<!tpu.dma_semaphore, #tpu.memory_space<semaphore_mem>>) src(%dma_wait3A_311 : memref<64x64xf32, #tpu.memory_space<vmem_shared>>) dst(%arg16 : memref<64x64xf32, #tpu.memory_space<vmem>>)
        tpu.yield
      }) : () -> ()
      %scan3A_297 = arith.constant 0 : i32
      %scan3A_298 = arith.constant 0 : i32
      %scan3A_299 = arith.constant 64 : i32
      %scan3A_300 = arith.addi %scan3A_298, %scan3A_299 : i32
      %scan3A_301 = arith.constant 1 : i32
      %scan3A_302 = scf.for %scan3A_305 = %scan3A_298 to %scan3A_300 step %scan3A_301 iter_args(%scan3A_306 = %scan3A_297) -> (i32)  : i32 {
        %get3A = arith.index_cast %scan3A_305 : i32 to index
        %get3A_307 = arith.constant 0 : index
        %get3A_308 = tpu.vector_load %arg16[%get3A, %get3A_307] {strides = array<i32>} : memref<64x64xf32, #tpu.memory_space<vmem>>, vector<16xf32>,
        %gt3A = arith.constant 0.000000e+00 : f32
        %gt3A_309 = vector.broadcast %gt3A : f32 to vector<16xf32>
        %gt3A_310 = arith.cmpf ogt, %get3A_308, %gt3A_309 : vector<16xf32>
        %div3A = arith.constant 1.000000e+00 : f32
        %div3A_311 = vector.broadcast %div3A : f32 to vector<16xf32>
        %div3A_312 = arith.divf %div3A_311, %get3A_308 : vector<16xf32>
        %jit3A = arith.constant 0.000000e+00 : f32
        %broadcast_in_dim3A = vector.broadcast %jit3A : f32 to vector<16xf32>
        %select_n3A = arith.select %gt3A_310, %div3A_312, %broadcast_in_dim3A : vector<16xi1>, vector<16xf32>
        %mul3A_313 = arith.constant 64 : i32
        %mul3A_314 = arith.muli %scan3A_293, %mul3A_313 : i32
        %add3A_315 = arith.addi %mul3A_314, %scan3A_305 : i32
        %broadcast_in_dim3A_316 = vector.broadcast %add3A_315 : i32 to vector<16xi32>
        tpu.vector_store_idx %arg18[%broadcast_in_dim3A_316], %select_n3A masked %eq3A_8 : memref<640xf32, #tpu.memory_space<vmem>>[vector<16xi32>], vector<16xf32>, vector<16xi1>
        %scan3A_317 = arith.constant 0 : i32
        scf.yield %scan3A_317 : i32
      }
      %scan3A_303 = arith.constant 64 : i32
      "tpu.region"() ({
        %run_scoped3A = tpu.sem_alloc : memref<!tpu.dma_semaphore, #tpu.memory_space<semaphore_mem>>
        %dma_start3A_305 = arith.constant 0 : i32
        %dma_start3A_306 = tpu.memref_slice %arg22[%add3A, %dma_start3A_305] : memref<10240x64xf32, #tpu.memory_space<vmem_shared>> -> memref<64x64xf32, #tpu.memory_space<vmem_shared>>
        %dma_start3A_307 = arith.constant 0 : i32
        %dma_start3A_308 = tpu.memref_slice %arg22[%add3A, %dma_start3A_307] : memref<10240x64xf32, #tpu.memory_space<vmem_shared>> -> memref<64x64xf32, #tpu.memory_space<vmem_shared>>
        tpu.enqueue_dma source(%arg19 : memref<64x64xf32, #tpu.memory_space<vmem>>) target(%dma_start3A_308 : memref<64x64xf32, #tpu.memory_space<vmem_shared>>) target_semaphore(%run_scoped3A : memref<!tpu.dma_semaphore, #tpu.memory_space<semaphore_mem>>)
        %dma_wait3A = arith.constant 0 : i32
        %dma_wait3A_309 = tpu.memref_slice %arg22[%add3A, %dma_wait3A] : memref<10240x64xf32, #tpu.memory_space<vmem_shared>> -> memref<64x64xf32, #tpu.memory_space<vmem_shared>>
        %dma_wait3A_310 = arith.constant 0 : i32
        %dma_wait3A_311 = tpu.memref_slice %arg22[%add3A, %dma_wait3A_310] : memref<10240x64xf32, #tpu.memory_space<vmem_shared>> -> memref<64x64xf32, #tpu.memory_space<vmem_shared>>
        tpu.wait_dma2 semaphore(%run_scoped3A : memref<!tpu.dma_semaphore, #tpu.memory_space<semaphore_mem>>) src(%arg19 : memref<64x64xf32, #tpu.memory_space<vmem>>) dst(%dma_wait3A_311 : memref<64x64xf32, #tpu.memory_space<vmem_shared>>)
        tpu.yield
      }) : () -> ()
      %scan3A_304 = arith.constant 0 : i32
      scf.yield %scan3A_304 : i32
    }
    %scan3A_53 = arith.constant 10 : i32
    %barrier3A_54 = arith.constant 0 : index
    tpu.barrier barrier_id(%barrier3A_54)
    %dma_start3A = arith.constant 0 : i32
    %dma_start3A_55 = arith.constant 0 : i32
    %dma_start3A_56 = tpu.memref_slice %arg10[%dma_start3A, %dma_start3A_55] : memref<80x128xi32, #tpu.memory_space<vmem>> -> memref<1x128xi32, #tpu.memory_space<vmem>>
    %dma_start3A_57 = tpu.memref_squeeze %dma_start3A_56 : memref<1x128xi32, #tpu.memory_space<vmem>> -> memref<128xi32, #tpu.memory_space<vmem>>
    %dma_start3A_58 = arith.constant 0 : i32
    %dma_start3A_59 = arith.constant 0 : i32
    %dma_start3A_60 = tpu.memref_slice %arg2[%arg0, %dma_start3A_58, %dma_start3A_59] : memref<2x10240x64xf32, #tpu.memory_space<hbm>> -> memref<1x10240x64xf32, #tpu.memory_space<hbm>>
    %dma_start3A_61 = tpu.memref_squeeze %dma_start3A_60 : memref<1x10240x64xf32, #tpu.memory_space<hbm>> -> memref<10240x64xf32, #tpu.memory_space<hbm>>
    %dma_start3A_62 = arith.constant 0 : i32
    %dma_start3A_63 = arith.constant 0 : i32
    %dma_start3A_64 = tpu.memref_slice %dma_start3A_61[%dma_start3A_62, %dma_start3A_63] : memref<10240x64xf32, #tpu.memory_space<hbm>> -> memref<10240x64xf32, #tpu.memory_space<hbm>>
    tpu.enqueue_indirect_dma source(%dma_start3A_64 : memref<10240x64xf32, #tpu.memory_space<hbm>>) target(%arg12 : memref<128x64xf32, #tpu.memory_space<vmem>>) offsets(%dma_start3A_57 : memref<128xi32, #tpu.memory_space<vmem>>) semaphore(%arg23 : memref<!tpu.dma_semaphore, #tpu.memory_space<semaphore_mem>>)
    %dma_start3A_65 = arith.constant 1 : i32
    %dma_start3A_66 = arith.constant 0 : i32
    %dma_start3A_67 = tpu.memref_slice %arg10[%dma_start3A_65, %dma_start3A_66] : memref<80x128xi32, #tpu.memory_space<vmem>> -> memref<1x128xi32, #tpu.memory_space<vmem>>
    %dma_start3A_68 = tpu.memref_squeeze %dma_start3A_67 : memref<1x128xi32, #tpu.memory_space<vmem>> -> memref<128xi32, #tpu.memory_space<vmem>>
    %dma_start3A_69 = arith.constant 0 : i32
    %dma_start3A_70 = arith.constant 0 : i32
    %dma_start3A_71 = tpu.memref_slice %arg2[%arg0, %dma_start3A_69, %dma_start3A_70] : memref<2x10240x64xf32, #tpu.memory_space<hbm>> -> memref<1x10240x64xf32, #tpu.memory_space<hbm>>
    %dma_start3A_72 = tpu.memref_squeeze %dma_start3A_71 : memref<1x10240x64xf32, #tpu.memory_space<hbm>> -> memref<10240x64xf32, #tpu.memory_space<hbm>>
    %dma_start3A_73 = arith.constant 0 : i32
    %dma_start3A_74 = arith.constant 0 : i32
    %dma_start3A_75 = tpu.memref_slice %dma_start3A_72[%dma_start3A_73, %dma_start3A_74] : memref<10240x64xf32, #tpu.memory_space<hbm>> -> memref<10240x64xf32, #tpu.memory_space<hbm>>
    tpu.enqueue_indirect_dma source(%dma_start3A_75 : memref<10240x64xf32, #tpu.memory_space<hbm>>) target(%arg13 : memref<128x64xf32, #tpu.memory_space<vmem>>) offsets(%dma_start3A_68 : memref<128xi32, #tpu.memory_space<vmem>>) semaphore(%arg23 : memref<!tpu.dma_semaphore, #tpu.memory_space<semaphore_mem>>)
    %dma_start3A_76 = arith.constant 2 : i32
    %dma_start3A_77 = arith.constant 0 : i32
    %dma_start3A_78 = tpu.memref_slice %arg10[%dma_start3A_76, %dma_start3A_77] : memref<80x128xi32, #tpu.memory_space<vmem>> -> memref<1x128xi32, #tpu.memory_space<vmem>>
    %dma_start3A_79 = tpu.memref_squeeze %dma_start3A_78 : memref<1x128xi32, #tpu.memory_space<vmem>> -> memref<128xi32, #tpu.memory_space<vmem>>
    %dma_start3A_80 = arith.constant 0 : i32
    %dma_start3A_81 = arith.constant 0 : i32
    %dma_start3A_82 = tpu.memref_slice %arg2[%arg0, %dma_start3A_80, %dma_start3A_81] : memref<2x10240x64xf32, #tpu.memory_space<hbm>> -> memref<1x10240x64xf32, #tpu.memory_space<hbm>>
    %dma_start3A_83 = tpu.memref_squeeze %dma_start3A_82 : memref<1x10240x64xf32, #tpu.memory_space<hbm>> -> memref<10240x64xf32, #tpu.memory_space<hbm>>
    %dma_start3A_84 = arith.constant 0 : i32
    %dma_start3A_85 = arith.constant 0 : i32
    %dma_start3A_86 = tpu.memref_slice %dma_start3A_83[%dma_start3A_84, %dma_start3A_85] : memref<10240x64xf32, #tpu.memory_space<hbm>> -> memref<10240x64xf32, #tpu.memory_space<hbm>>
    tpu.enqueue_indirect_dma source(%dma_start3A_86 : memref<10240x64xf32, #tpu.memory_space<hbm>>) target(%arg14 : memref<128x64xf32, #tpu.memory_space<vmem>>) offsets(%dma_start3A_79 : memref<128xi32, #tpu.memory_space<vmem>>) semaphore(%arg23 : memref<!tpu.dma_semaphore, #tpu.memory_space<semaphore_mem>>)
    %dma_start3A_87 = arith.constant 3 : i32
    %dma_start3A_88 = arith.constant 0 : i32
    %dma_start3A_89 = tpu.memref_slice %arg10[%dma_start3A_87, %dma_start3A_88] : memref<80x128xi32, #tpu.memory_space<vmem>> -> memref<1x128xi32, #tpu.memory_space<vmem>>
    %dma_start3A_90 = tpu.memref_squeeze %dma_start3A_89 : memref<1x128xi32, #tpu.memory_space<vmem>> -> memref<128xi32, #tpu.memory_space<vmem>>
    %dma_start3A_91 = arith.constant 0 : i32
    %dma_start3A_92 = arith.constant 0 : i32
    %dma_start3A_93 = tpu.memref_slice %arg2[%arg0, %dma_start3A_91, %dma_start3A_92] : memref<2x10240x64xf32, #tpu.memory_space<hbm>> -> memref<1x10240x64xf32, #tpu.memory_space<hbm>>
    %dma_start3A_94 = tpu.memref_squeeze %dma_start3A_93 : memref<1x10240x64xf32, #tpu.memory_space<hbm>> -> memref<10240x64xf32, #tpu.memory_space<hbm>>
    %dma_start3A_95 = arith.constant 0 : i32
    %dma_start3A_96 = arith.constant 0 : i32
    %dma_start3A_97 = tpu.memref_slice %dma_start3A_94[%dma_start3A_95, %dma_start3A_96] : memref<10240x64xf32, #tpu.memory_space<hbm>> -> memref<10240x64xf32, #tpu.memory_space<hbm>>
    tpu.enqueue_indirect_dma source(%dma_start3A_97 : memref<10240x64xf32, #tpu.memory_space<hbm>>) target(%arg15 : memref<128x64xf32, #tpu.memory_space<vmem>>) offsets(%dma_start3A_90 : memref<128xi32, #tpu.memory_space<vmem>>) semaphore(%arg23 : memref<!tpu.dma_semaphore, #tpu.memory_space<semaphore_mem>>)
    %scan3A_98 = arith.constant 0 : i32
    %scan3A_99 = arith.constant 0 : i32
    %scan3A_100 = arith.constant 20 : i32
    %scan3A_101 = arith.addi %scan3A_99, %scan3A_100 : i32
    %scan3A_102 = arith.constant 1 : i32
    %scan3A_103 = scf.for %scan3A_293 = %scan3A_99 to %scan3A_101 step %scan3A_102 iter_args(%scan3A_294 = %scan3A_98) -> (i32)  : i32 {
      %mul3A_295 = arith.constant 4 : i32
      %mul3A_296 = arith.muli %scan3A_293, %mul3A_295 : i32
      %add3A = arith.constant 0 : i32
      %add3A_297 = arith.addi %mul3A_296, %add3A : i32
      %dma_wait3A = arith.constant 0 : i32
      %dma_wait3A_298 = arith.constant 0 : i32
      %dma_wait3A_299 = tpu.memref_slice %arg10[%dma_wait3A, %dma_wait3A_298] : memref<80x128xi32, #tpu.memory_space<vmem>> -> memref<1x128xi32, #tpu.memory_space<vmem>>
      %dma_wait3A_300 = tpu.memref_squeeze %dma_wait3A_299 : memref<1x128xi32, #tpu.memory_space<vmem>> -> memref<128xi32, #tpu.memory_space<vmem>>
      %dma_wait3A_301 = arith.constant 0 : i32
      %dma_wait3A_302 = arith.constant 0 : i32
      %dma_wait3A_303 = tpu.memref_slice %arg2[%arg0, %dma_wait3A_301, %dma_wait3A_302] : memref<2x10240x64xf32, #tpu.memory_space<hbm>> -> memref<1x10240x64xf32, #tpu.memory_space<hbm>>
      %dma_wait3A_304 = tpu.memref_squeeze %dma_wait3A_303 : memref<1x10240x64xf32, #tpu.memory_space<hbm>> -> memref<10240x64xf32, #tpu.memory_space<hbm>>
      %dma_wait3A_305 = arith.constant 0 : i32
      %dma_wait3A_306 = arith.constant 0 : i32
      %dma_wait3A_307 = tpu.memref_slice %dma_wait3A_304[%dma_wait3A_305, %dma_wait3A_306] : memref<10240x64xf32, #tpu.memory_space<hbm>> -> memref<10240x64xf32, #tpu.memory_space<hbm>>
      tpu.wait_indirect_dma semaphore(%arg23 : memref<!tpu.dma_semaphore, #tpu.memory_space<semaphore_mem>>) src(%dma_wait3A_307 : memref<10240x64xf32, #tpu.memory_space<hbm>>) dst(%arg12 : memref<128x64xf32, #tpu.memory_space<vmem>>)
      "tpu.region"() ({
        %run_scoped3A = tpu.sem_alloc : memref<!tpu.dma_semaphore, #tpu.memory_space<semaphore_mem>>
        %dma_start3A_379 = arith.constant 0 : i32
        %dma_start3A_380 = tpu.memref_slice %arg11[%add3A_297, %dma_start3A_379] : memref<80x128xi32, #tpu.memory_space<vmem>> -> memref<1x128xi32, #tpu.memory_space<vmem>>
        %dma_start3A_381 = tpu.memref_squeeze %dma_start3A_380 : memref<1x128xi32, #tpu.memory_space<vmem>> -> memref<128xi32, #tpu.memory_space<vmem>>
        %dma_start3A_382 = arith.constant 0 : i32
        %dma_start3A_383 = arith.constant 0 : i32
        %dma_start3A_384 = tpu.memref_slice %arg22[%dma_start3A_382, %dma_start3A_383] : memref<10240x64xf32, #tpu.memory_space<vmem_shared>> -> memref<10240x64xf32, #tpu.memory_space<vmem_shared>>
        tpu.enqueue_indirect_dma source(%arg12 : memref<128x64xf32, #tpu.memory_space<vmem>>) target(%dma_start3A_384 : memref<10240x64xf32, #tpu.memory_space<vmem_shared>>) offsets(%dma_start3A_381 : memref<128xi32, #tpu.memory_space<vmem>>) semaphore(%run_scoped3A : memref<!tpu.dma_semaphore, #tpu.memory_space<semaphore_mem>>) {add = true}
        %dma_wait3A_385 = arith.constant 0 : i32
        %dma_wait3A_386 = tpu.memref_slice %arg11[%add3A_297, %dma_wait3A_385] : memref<80x128xi32, #tpu.memory_space<vmem>> -> memref<1x128xi32, #tpu.memory_space<vmem>>
        %dma_wait3A_387 = tpu.memref_squeeze %dma_wait3A_386 : memref<1x128xi32, #tpu.memory_space<vmem>> -> memref<128xi32, #tpu.memory_space<vmem>>
        %dma_wait3A_388 = arith.constant 0 : i32
        %dma_wait3A_389 = arith.constant 0 : i32
        %dma_wait3A_390 = tpu.memref_slice %arg22[%dma_wait3A_388, %dma_wait3A_389] : memref<10240x64xf32, #tpu.memory_space<vmem_shared>> -> memref<10240x64xf32, #tpu.memory_space<vmem_shared>>
        tpu.wait_indirect_dma semaphore(%run_scoped3A : memref<!tpu.dma_semaphore, #tpu.memory_space<semaphore_mem>>) src(%arg12 : memref<128x64xf32, #tpu.memory_space<vmem>>) dst(%dma_wait3A_390 : memref<10240x64xf32, #tpu.memory_space<vmem_shared>>)
        tpu.yield
      }) : () -> ()
      %add3A_308 = arith.constant 4 : i32
      %add3A_309 = arith.addi %add3A_297, %add3A_308 : i32
      %lt3A = arith.constant 80 : i32
      %lt3A_310 = arith.cmpi slt, %add3A_309, %lt3A : i32
      %convert_element_type3A = arith.extui %lt3A_310 : i1 to i32
      %cond3A = arith.constant 0 : i32
      %cond3A_311 = arith.cmpi ne, %convert_element_type3A, %cond3A : i32
      scf.if %cond3A_311 {
        %add3A_379 = arith.constant 4 : i32
        %add3A_380 = arith.addi %add3A_297, %add3A_379 : i32
        %dma_start3A_381 = arith.constant 0 : i32
        %dma_start3A_382 = tpu.memref_slice %arg10[%add3A_380, %dma_start3A_381] : memref<80x128xi32, #tpu.memory_space<vmem>> -> memref<1x128xi32, #tpu.memory_space<vmem>>
        %dma_start3A_383 = tpu.memref_squeeze %dma_start3A_382 : memref<1x128xi32, #tpu.memory_space<vmem>> -> memref<128xi32, #tpu.memory_space<vmem>>
        %dma_start3A_384 = arith.constant 0 : i32
        %dma_start3A_385 = arith.constant 0 : i32
        %dma_start3A_386 = tpu.memref_slice %arg2[%arg0, %dma_start3A_384, %dma_start3A_385] : memref<2x10240x64xf32, #tpu.memory_space<hbm>> -> memref<1x10240x64xf32, #tpu.memory_space<hbm>>
        %dma_start3A_387 = tpu.memref_squeeze %dma_start3A_386 : memref<1x10240x64xf32, #tpu.memory_space<hbm>> -> memref<10240x64xf32, #tpu.memory_space<hbm>>
        %dma_start3A_388 = arith.constant 0 : i32
        %dma_start3A_389 = arith.constant 0 : i32
        %dma_start3A_390 = tpu.memref_slice %dma_start3A_387[%dma_start3A_388, %dma_start3A_389] : memref<10240x64xf32, #tpu.memory_space<hbm>> -> memref<10240x64xf32, #tpu.memory_space<hbm>>
        tpu.enqueue_indirect_dma source(%dma_start3A_390 : memref<10240x64xf32, #tpu.memory_space<hbm>>) target(%arg12 : memref<128x64xf32, #tpu.memory_space<vmem>>) offsets(%dma_start3A_383 : memref<128xi32, #tpu.memory_space<vmem>>) semaphore(%arg23 : memref<!tpu.dma_semaphore, #tpu.memory_space<semaphore_mem>>)
      } else {
      }
      %mul3A_312 = arith.constant 4 : i32
      %mul3A_313 = arith.muli %scan3A_293, %mul3A_312 : i32
      %add3A_314 = arith.constant 1 : i32
      %add3A_315 = arith.addi %mul3A_313, %add3A_314 : i32
      %dma_wait3A_316 = arith.constant 0 : i32
      %dma_wait3A_317 = arith.constant 0 : i32
      %dma_wait3A_318 = tpu.memref_slice %arg10[%dma_wait3A_316, %dma_wait3A_317] : memref<80x128xi32, #tpu.memory_space<vmem>> -> memref<1x128xi32, #tpu.memory_space<vmem>>
      %dma_wait3A_319 = tpu.memref_squeeze %dma_wait3A_318 : memref<1x128xi32, #tpu.memory_space<vmem>> -> memref<128xi32, #tpu.memory_space<vmem>>
      %dma_wait3A_320 = arith.constant 0 : i32
      %dma_wait3A_321 = arith.constant 0 : i32
      %dma_wait3A_322 = tpu.memref_slice %arg2[%arg0, %dma_wait3A_320, %dma_wait3A_321] : memref<2x10240x64xf32, #tpu.memory_space<hbm>> -> memref<1x10240x64xf32, #tpu.memory_space<hbm>>
      %dma_wait3A_323 = tpu.memref_squeeze %dma_wait3A_322 : memref<1x10240x64xf32, #tpu.memory_space<hbm>> -> memref<10240x64xf32, #tpu.memory_space<hbm>>
      %dma_wait3A_324 = arith.constant 0 : i32
      %dma_wait3A_325 = arith.constant 0 : i32
      %dma_wait3A_326 = tpu.memref_slice %dma_wait3A_323[%dma_wait3A_324, %dma_wait3A_325] : memref<10240x64xf32, #tpu.memory_space<hbm>> -> memref<10240x64xf32, #tpu.memory_space<hbm>>
      tpu.wait_indirect_dma semaphore(%arg23 : memref<!tpu.dma_semaphore, #tpu.memory_space<semaphore_mem>>) src(%dma_wait3A_326 : memref<10240x64xf32, #tpu.memory_space<hbm>>) dst(%arg13 : memref<128x64xf32, #tpu.memory_space<vmem>>)
      "tpu.region"() ({
        %run_scoped3A = tpu.sem_alloc : memref<!tpu.dma_semaphore, #tpu.memory_space<semaphore_mem>>
        %dma_start3A_379 = arith.constant 0 : i32
        %dma_start3A_380 = tpu.memref_slice %arg11[%add3A_315, %dma_start3A_379] : memref<80x128xi32, #tpu.memory_space<vmem>> -> memref<1x128xi32, #tpu.memory_space<vmem>>
        %dma_start3A_381 = tpu.memref_squeeze %dma_start3A_380 : memref<1x128xi32, #tpu.memory_space<vmem>> -> memref<128xi32, #tpu.memory_space<vmem>>
        %dma_start3A_382 = arith.constant 0 : i32
        %dma_start3A_383 = arith.constant 0 : i32
        %dma_start3A_384 = tpu.memref_slice %arg22[%dma_start3A_382, %dma_start3A_383] : memref<10240x64xf32, #tpu.memory_space<vmem_shared>> -> memref<10240x64xf32, #tpu.memory_space<vmem_shared>>
        tpu.enqueue_indirect_dma source(%arg13 : memref<128x64xf32, #tpu.memory_space<vmem>>) target(%dma_start3A_384 : memref<10240x64xf32, #tpu.memory_space<vmem_shared>>) offsets(%dma_start3A_381 : memref<128xi32, #tpu.memory_space<vmem>>) semaphore(%run_scoped3A : memref<!tpu.dma_semaphore, #tpu.memory_space<semaphore_mem>>) {add = true}
        %dma_wait3A_385 = arith.constant 0 : i32
        %dma_wait3A_386 = tpu.memref_slice %arg11[%add3A_315, %dma_wait3A_385] : memref<80x128xi32, #tpu.memory_space<vmem>> -> memref<1x128xi32, #tpu.memory_space<vmem>>
        %dma_wait3A_387 = tpu.memref_squeeze %dma_wait3A_386 : memref<1x128xi32, #tpu.memory_space<vmem>> -> memref<128xi32, #tpu.memory_space<vmem>>
        %dma_wait3A_388 = arith.constant 0 : i32
        %dma_wait3A_389 = arith.constant 0 : i32
        %dma_wait3A_390 = tpu.memref_slice %arg22[%dma_wait3A_388, %dma_wait3A_389] : memref<10240x64xf32, #tpu.memory_space<vmem_shared>> -> memref<10240x64xf32, #tpu.memory_space<vmem_shared>>
        tpu.wait_indirect_dma semaphore(%run_scoped3A : memref<!tpu.dma_semaphore, #tpu.memory_space<semaphore_mem>>) src(%arg13 : memref<128x64xf32, #tpu.memory_space<vmem>>) dst(%dma_wait3A_390 : memref<10240x64xf32, #tpu.memory_space<vmem_shared>>)
        tpu.yield
      }) : () -> ()
      %add3A_327 = arith.constant 4 : i32
      %add3A_328 = arith.addi %add3A_315, %add3A_327 : i32
      %lt3A_329 = arith.constant 80 : i32
      %lt3A_330 = arith.cmpi slt, %add3A_328, %lt3A_329 : i32
      %convert_element_type3A_331 = arith.extui %lt3A_330 : i1 to i32
      %cond3A_332 = arith.constant 0 : i32
      %cond3A_333 = arith.cmpi ne, %convert_element_type3A_331, %cond3A_332 : i32
      scf.if %cond3A_333 {
        %add3A_379 = arith.constant 4 : i32
        %add3A_380 = arith.addi %add3A_315, %add3A_379 : i32
        %dma_start3A_381 = arith.constant 0 : i32
        %dma_start3A_382 = tpu.memref_slice %arg10[%add3A_380, %dma_start3A_381] : memref<80x128xi32, #tpu.memory_space<vmem>> -> memref<1x128xi32, #tpu.memory_space<vmem>>
        %dma_start3A_383 = tpu.memref_squeeze %dma_start3A_382 : memref<1x128xi32, #tpu.memory_space<vmem>> -> memref<128xi32, #tpu.memory_space<vmem>>
        %dma_start3A_384 = arith.constant 0 : i32
        %dma_start3A_385 = arith.constant 0 : i32
        %dma_start3A_386 = tpu.memref_slice %arg2[%arg0, %dma_start3A_384, %dma_start3A_385] : memref<2x10240x64xf32, #tpu.memory_space<hbm>> -> memref<1x10240x64xf32, #tpu.memory_space<hbm>>
        %dma_start3A_387 = tpu.memref_squeeze %dma_start3A_386 : memref<1x10240x64xf32, #tpu.memory_space<hbm>> -> memref<10240x64xf32, #tpu.memory_space<hbm>>
        %dma_start3A_388 = arith.constant 0 : i32
        %dma_start3A_389 = arith.constant 0 : i32
        %dma_start3A_390 = tpu.memref_slice %dma_start3A_387[%dma_start3A_388, %dma_start3A_389] : memref<10240x64xf32, #tpu.memory_space<hbm>> -> memref<10240x64xf32, #tpu.memory_space<hbm>>
        tpu.enqueue_indirect_dma source(%dma_start3A_390 : memref<10240x64xf32, #tpu.memory_space<hbm>>) target(%arg13 : memref<128x64xf32, #tpu.memory_space<vmem>>) offsets(%dma_start3A_383 : memref<128xi32, #tpu.memory_space<vmem>>) semaphore(%arg23 : memref<!tpu.dma_semaphore, #tpu.memory_space<semaphore_mem>>)
      } else {
      }
      %mul3A_334 = arith.constant 4 : i32
      %mul3A_335 = arith.muli %scan3A_293, %mul3A_334 : i32
      %add3A_336 = arith.constant 2 : i32
      %add3A_337 = arith.addi %mul3A_335, %add3A_336 : i32
      %dma_wait3A_338 = arith.constant 0 : i32
      %dma_wait3A_339 = arith.constant 0 : i32
      %dma_wait3A_340 = tpu.memref_slice %arg10[%dma_wait3A_338, %dma_wait3A_339] : memref<80x128xi32, #tpu.memory_space<vmem>> -> memref<1x128xi32, #tpu.memory_space<vmem>>
      %dma_wait3A_341 = tpu.memref_squeeze %dma_wait3A_340 : memref<1x128xi32, #tpu.memory_space<vmem>> -> memref<128xi32, #tpu.memory_space<vmem>>
      %dma_wait3A_342 = arith.constant 0 : i32
      %dma_wait3A_343 = arith.constant 0 : i32
      %dma_wait3A_344 = tpu.memref_slice %arg2[%arg0, %dma_wait3A_342, %dma_wait3A_343] : memref<2x10240x64xf32, #tpu.memory_space<hbm>> -> memref<1x10240x64xf32, #tpu.memory_space<hbm>>
      %dma_wait3A_345 = tpu.memref_squeeze %dma_wait3A_344 : memref<1x10240x64xf32, #tpu.memory_space<hbm>> -> memref<10240x64xf32, #tpu.memory_space<hbm>>
      %dma_wait3A_346 = arith.constant 0 : i32
      %dma_wait3A_347 = arith.constant 0 : i32
      %dma_wait3A_348 = tpu.memref_slice %dma_wait3A_345[%dma_wait3A_346, %dma_wait3A_347] : memref<10240x64xf32, #tpu.memory_space<hbm>> -> memref<10240x64xf32, #tpu.memory_space<hbm>>
      tpu.wait_indirect_dma semaphore(%arg23 : memref<!tpu.dma_semaphore, #tpu.memory_space<semaphore_mem>>) src(%dma_wait3A_348 : memref<10240x64xf32, #tpu.memory_space<hbm>>) dst(%arg14 : memref<128x64xf32, #tpu.memory_space<vmem>>)
      "tpu.region"() ({
        %run_scoped3A = tpu.sem_alloc : memref<!tpu.dma_semaphore, #tpu.memory_space<semaphore_mem>>
        %dma_start3A_379 = arith.constant 0 : i32
        %dma_start3A_380 = tpu.memref_slice %arg11[%add3A_337, %dma_start3A_379] : memref<80x128xi32, #tpu.memory_space<vmem>> -> memref<1x128xi32, #tpu.memory_space<vmem>>
        %dma_start3A_381 = tpu.memref_squeeze %dma_start3A_380 : memref<1x128xi32, #tpu.memory_space<vmem>> -> memref<128xi32, #tpu.memory_space<vmem>>
        %dma_start3A_382 = arith.constant 0 : i32
        %dma_start3A_383 = arith.constant 0 : i32
        %dma_start3A_384 = tpu.memref_slice %arg22[%dma_start3A_382, %dma_start3A_383] : memref<10240x64xf32, #tpu.memory_space<vmem_shared>> -> memref<10240x64xf32, #tpu.memory_space<vmem_shared>>
        tpu.enqueue_indirect_dma source(%arg14 : memref<128x64xf32, #tpu.memory_space<vmem>>) target(%dma_start3A_384 : memref<10240x64xf32, #tpu.memory_space<vmem_shared>>) offsets(%dma_start3A_381 : memref<128xi32, #tpu.memory_space<vmem>>) semaphore(%run_scoped3A : memref<!tpu.dma_semaphore, #tpu.memory_space<semaphore_mem>>) {add = true}
        %dma_wait3A_385 = arith.constant 0 : i32
        %dma_wait3A_386 = tpu.memref_slice %arg11[%add3A_337, %dma_wait3A_385] : memref<80x128xi32, #tpu.memory_space<vmem>> -> memref<1x128xi32, #tpu.memory_space<vmem>>
        %dma_wait3A_387 = tpu.memref_squeeze %dma_wait3A_386 : memref<1x128xi32, #tpu.memory_space<vmem>> -> memref<128xi32, #tpu.memory_space<vmem>>
        %dma_wait3A_388 = arith.constant 0 : i32
        %dma_wait3A_389 = arith.constant 0 : i32
        %dma_wait3A_390 = tpu.memref_slice %arg22[%dma_wait3A_388, %dma_wait3A_389] : memref<10240x64xf32, #tpu.memory_space<vmem_shared>> -> memref<10240x64xf32, #tpu.memory_space<vmem_shared>>
        tpu.wait_indirect_dma semaphore(%run_scoped3A : memref<!tpu.dma_semaphore, #tpu.memory_space<semaphore_mem>>) src(%arg14 : memref<128x64xf32, #tpu.memory_space<vmem>>) dst(%dma_wait3A_390 : memref<10240x64xf32, #tpu.memory_space<vmem_shared>>)
        tpu.yield
      }) : () -> ()
      %add3A_349 = arith.constant 4 : i32
      %add3A_350 = arith.addi %add3A_337, %add3A_349 : i32
      %lt3A_351 = arith.constant 80 : i32
      %lt3A_352 = arith.cmpi slt, %add3A_350, %lt3A_351 : i32
      %convert_element_type3A_353 = arith.extui %lt3A_352 : i1 to i32
      %cond3A_354 = arith.constant 0 : i32
      %cond3A_355 = arith.cmpi ne, %convert_element_type3A_353, %cond3A_354 : i32
      scf.if %cond3A_355 {
        %add3A_379 = arith.constant 4 : i32
        %add3A_380 = arith.addi %add3A_337, %add3A_379 : i32
        %dma_start3A_381 = arith.constant 0 : i32
        %dma_start3A_382 = tpu.memref_slice %arg10[%add3A_380, %dma_start3A_381] : memref<80x128xi32, #tpu.memory_space<vmem>> -> memref<1x128xi32, #tpu.memory_space<vmem>>
        %dma_start3A_383 = tpu.memref_squeeze %dma_start3A_382 : memref<1x128xi32, #tpu.memory_space<vmem>> -> memref<128xi32, #tpu.memory_space<vmem>>
        %dma_start3A_384 = arith.constant 0 : i32
        %dma_start3A_385 = arith.constant 0 : i32
        %dma_start3A_386 = tpu.memref_slice %arg2[%arg0, %dma_start3A_384, %dma_start3A_385] : memref<2x10240x64xf32, #tpu.memory_space<hbm>> -> memref<1x10240x64xf32, #tpu.memory_space<hbm>>
        %dma_start3A_387 = tpu.memref_squeeze %dma_start3A_386 : memref<1x10240x64xf32, #tpu.memory_space<hbm>> -> memref<10240x64xf32, #tpu.memory_space<hbm>>
        %dma_start3A_388 = arith.constant 0 : i32
        %dma_start3A_389 = arith.constant 0 : i32
        %dma_start3A_390 = tpu.memref_slice %dma_start3A_387[%dma_start3A_388, %dma_start3A_389] : memref<10240x64xf32, #tpu.memory_space<hbm>> -> memref<10240x64xf32, #tpu.memory_space<hbm>>
        tpu.enqueue_indirect_dma source(%dma_start3A_390 : memref<10240x64xf32, #tpu.memory_space<hbm>>) target(%arg14 : memref<128x64xf32, #tpu.memory_space<vmem>>) offsets(%dma_start3A_383 : memref<128xi32, #tpu.memory_space<vmem>>) semaphore(%arg23 : memref<!tpu.dma_semaphore, #tpu.memory_space<semaphore_mem>>)
      } else {
      }
      %mul3A_356 = arith.constant 4 : i32
      %mul3A_357 = arith.muli %scan3A_293, %mul3A_356 : i32
      %add3A_358 = arith.constant 3 : i32
      %add3A_359 = arith.addi %mul3A_357, %add3A_358 : i32
      %dma_wait3A_360 = arith.constant 0 : i32
      %dma_wait3A_361 = arith.constant 0 : i32
      %dma_wait3A_362 = tpu.memref_slice %arg10[%dma_wait3A_360, %dma_wait3A_361] : memref<80x128xi32, #tpu.memory_space<vmem>> -> memref<1x128xi32, #tpu.memory_space<vmem>>
      %dma_wait3A_363 = tpu.memref_squeeze %dma_wait3A_362 : memref<1x128xi32, #tpu.memory_space<vmem>> -> memref<128xi32, #tpu.memory_space<vmem>>
      %dma_wait3A_364 = arith.constant 0 : i32
      %dma_wait3A_365 = arith.constant 0 : i32
      %dma_wait3A_366 = tpu.memref_slice %arg2[%arg0, %dma_wait3A_364, %dma_wait3A_365] : memref<2x10240x64xf32, #tpu.memory_space<hbm>> -> memref<1x10240x64xf32, #tpu.memory_space<hbm>>
      %dma_wait3A_367 = tpu.memref_squeeze %dma_wait3A_366 : memref<1x10240x64xf32, #tpu.memory_space<hbm>> -> memref<10240x64xf32, #tpu.memory_space<hbm>>
      %dma_wait3A_368 = arith.constant 0 : i32
      %dma_wait3A_369 = arith.constant 0 : i32
      %dma_wait3A_370 = tpu.memref_slice %dma_wait3A_367[%dma_wait3A_368, %dma_wait3A_369] : memref<10240x64xf32, #tpu.memory_space<hbm>> -> memref<10240x64xf32, #tpu.memory_space<hbm>>
      tpu.wait_indirect_dma semaphore(%arg23 : memref<!tpu.dma_semaphore, #tpu.memory_space<semaphore_mem>>) src(%dma_wait3A_370 : memref<10240x64xf32, #tpu.memory_space<hbm>>) dst(%arg15 : memref<128x64xf32, #tpu.memory_space<vmem>>)
      "tpu.region"() ({
        %run_scoped3A = tpu.sem_alloc : memref<!tpu.dma_semaphore, #tpu.memory_space<semaphore_mem>>
        %dma_start3A_379 = arith.constant 0 : i32
        %dma_start3A_380 = tpu.memref_slice %arg11[%add3A_359, %dma_start3A_379] : memref<80x128xi32, #tpu.memory_space<vmem>> -> memref<1x128xi32, #tpu.memory_space<vmem>>
        %dma_start3A_381 = tpu.memref_squeeze %dma_start3A_380 : memref<1x128xi32, #tpu.memory_space<vmem>> -> memref<128xi32, #tpu.memory_space<vmem>>
        %dma_start3A_382 = arith.constant 0 : i32
        %dma_start3A_383 = arith.constant 0 : i32
        %dma_start3A_384 = tpu.memref_slice %arg22[%dma_start3A_382, %dma_start3A_383] : memref<10240x64xf32, #tpu.memory_space<vmem_shared>> -> memref<10240x64xf32, #tpu.memory_space<vmem_shared>>
        tpu.enqueue_indirect_dma source(%arg15 : memref<128x64xf32, #tpu.memory_space<vmem>>) target(%dma_start3A_384 : memref<10240x64xf32, #tpu.memory_space<vmem_shared>>) offsets(%dma_start3A_381 : memref<128xi32, #tpu.memory_space<vmem>>) semaphore(%run_scoped3A : memref<!tpu.dma_semaphore, #tpu.memory_space<semaphore_mem>>) {add = true}
        %dma_wait3A_385 = arith.constant 0 : i32
        %dma_wait3A_386 = tpu.memref_slice %arg11[%add3A_359, %dma_wait3A_385] : memref<80x128xi32, #tpu.memory_space<vmem>> -> memref<1x128xi32, #tpu.memory_space<vmem>>
        %dma_wait3A_387 = tpu.memref_squeeze %dma_wait3A_386 : memref<1x128xi32, #tpu.memory_space<vmem>> -> memref<128xi32, #tpu.memory_space<vmem>>
        %dma_wait3A_388 = arith.constant 0 : i32
        %dma_wait3A_389 = arith.constant 0 : i32
        %dma_wait3A_390 = tpu.memref_slice %arg22[%dma_wait3A_388, %dma_wait3A_389] : memref<10240x64xf32, #tpu.memory_space<vmem_shared>> -> memref<10240x64xf32, #tpu.memory_space<vmem_shared>>
        tpu.wait_indirect_dma semaphore(%run_scoped3A : memref<!tpu.dma_semaphore, #tpu.memory_space<semaphore_mem>>) src(%arg15 : memref<128x64xf32, #tpu.memory_space<vmem>>) dst(%dma_wait3A_390 : memref<10240x64xf32, #tpu.memory_space<vmem_shared>>)
        tpu.yield
      }) : () -> ()
      %add3A_371 = arith.constant 4 : i32
      %add3A_372 = arith.addi %add3A_359, %add3A_371 : i32
      %lt3A_373 = arith.constant 80 : i32
      %lt3A_374 = arith.cmpi slt, %add3A_372, %lt3A_373 : i32
      %convert_element_type3A_375 = arith.extui %lt3A_374 : i1 to i32
      %cond3A_376 = arith.constant 0 : i32
      %cond3A_377 = arith.cmpi ne, %convert_element_type3A_375, %cond3A_376 : i32
      scf.if %cond3A_377 {
        %add3A_379 = arith.constant 4 : i32
        %add3A_380 = arith.addi %add3A_359, %add3A_379 : i32
        %dma_start3A_381 = arith.constant 0 : i32
        %dma_start3A_382 = tpu.memref_slice %arg10[%add3A_380, %dma_start3A_381] : memref<80x128xi32, #tpu.memory_space<vmem>> -> memref<1x128xi32, #tpu.memory_space<vmem>>
        %dma_start3A_383 = tpu.memref_squeeze %dma_start3A_382 : memref<1x128xi32, #tpu.memory_space<vmem>> -> memref<128xi32, #tpu.memory_space<vmem>>
        %dma_start3A_384 = arith.constant 0 : i32
        %dma_start3A_385 = arith.constant 0 : i32
        %dma_start3A_386 = tpu.memref_slice %arg2[%arg0, %dma_start3A_384, %dma_start3A_385] : memref<2x10240x64xf32, #tpu.memory_space<hbm>> -> memref<1x10240x64xf32, #tpu.memory_space<hbm>>
        %dma_start3A_387 = tpu.memref_squeeze %dma_start3A_386 : memref<1x10240x64xf32, #tpu.memory_space<hbm>> -> memref<10240x64xf32, #tpu.memory_space<hbm>>
        %dma_start3A_388 = arith.constant 0 : i32
        %dma_start3A_389 = arith.constant 0 : i32
        %dma_start3A_390 = tpu.memref_slice %dma_start3A_387[%dma_start3A_388, %dma_start3A_389] : memref<10240x64xf32, #tpu.memory_space<hbm>> -> memref<10240x64xf32, #tpu.memory_space<hbm>>
        tpu.enqueue_indirect_dma source(%dma_start3A_390 : memref<10240x64xf32, #tpu.memory_space<hbm>>) target(%arg15 : memref<128x64xf32, #tpu.memory_space<vmem>>) offsets(%dma_start3A_383 : memref<128xi32, #tpu.memory_space<vmem>>) semaphore(%arg23 : memref<!tpu.dma_semaphore, #tpu.memory_space<semaphore_mem>>)
      } else {
      }
      %scan3A_378 = arith.constant 0 : i32
      scf.yield %scan3A_378 : i32
    }
    %scan3A_104 = arith.constant 20 : i32
    %barrier3A_105 = arith.constant 0 : index
    tpu.barrier barrier_id(%barrier3A_105)
    %scan3A_106 = arith.constant 0 : i32
    %scan3A_107 = arith.constant 0 : i32
    %scan3A_108 = arith.constant 10 : i32
    %scan3A_109 = arith.addi %scan3A_107, %scan3A_108 : i32
    %scan3A_110 = arith.constant 1 : i32
    %scan3A_111 = scf.for %scan3A_293 = %scan3A_107 to %scan3A_109 step %scan3A_110 iter_args(%scan3A_294 = %scan3A_106) -> (i32)  : i32 {
      %mul3A_295 = arith.constant 64 : i32
      %mul3A_296 = arith.muli %scan3A_293, %mul3A_295 : i32
      %add3A = arith.addi %mul3A_0, %mul3A_296 : i32
      "tpu.region"() ({
        %run_scoped3A = tpu.sem_alloc : memref<!tpu.dma_semaphore, #tpu.memory_space<semaphore_mem>>
        %dma_start3A_305 = arith.constant 0 : i32
        %dma_start3A_306 = tpu.memref_slice %arg22[%add3A, %dma_start3A_305] : memref<10240x64xf32, #tpu.memory_space<vmem_shared>> -> memref<64x64xf32, #tpu.memory_space<vmem_shared>>
        %dma_start3A_307 = arith.constant 0 : i32
        %dma_start3A_308 = tpu.memref_slice %arg22[%add3A, %dma_start3A_307] : memref<10240x64xf32, #tpu.memory_space<vmem_shared>> -> memref<64x64xf32, #tpu.memory_space<vmem_shared>>
        tpu.enqueue_dma source(%dma_start3A_308 : memref<64x64xf32, #tpu.memory_space<vmem_shared>>) target(%arg16 : memref<64x64xf32, #tpu.memory_space<vmem>>) target_semaphore(%run_scoped3A : memref<!tpu.dma_semaphore, #tpu.memory_space<semaphore_mem>>)
        %dma_wait3A = arith.constant 0 : i32
        %dma_wait3A_309 = tpu.memref_slice %arg22[%add3A, %dma_wait3A] : memref<10240x64xf32, #tpu.memory_space<vmem_shared>> -> memref<64x64xf32, #tpu.memory_space<vmem_shared>>
        %dma_wait3A_310 = arith.constant 0 : i32
        %dma_wait3A_311 = tpu.memref_slice %arg22[%add3A, %dma_wait3A_310] : memref<10240x64xf32, #tpu.memory_space<vmem_shared>> -> memref<64x64xf32, #tpu.memory_space<vmem_shared>>
        tpu.wait_dma2 semaphore(%run_scoped3A : memref<!tpu.dma_semaphore, #tpu.memory_space<semaphore_mem>>) src(%dma_wait3A_311 : memref<64x64xf32, #tpu.memory_space<vmem_shared>>) dst(%arg16 : memref<64x64xf32, #tpu.memory_space<vmem>>)
        tpu.yield
      }) : () -> ()
      %scan3A_297 = arith.constant 0 : i32
      %scan3A_298 = arith.constant 0 : i32
      %scan3A_299 = arith.constant 64 : i32
      %scan3A_300 = arith.addi %scan3A_298, %scan3A_299 : i32
      %scan3A_301 = arith.constant 1 : i32
      %scan3A_302 = scf.for %scan3A_305 = %scan3A_298 to %scan3A_300 step %scan3A_301 iter_args(%scan3A_306 = %scan3A_297) -> (i32)  : i32 {
        %mul3A_307 = arith.constant 64 : i32
        %mul3A_308 = arith.muli %scan3A_293, %mul3A_307 : i32
        %add3A_309 = arith.addi %mul3A_308, %scan3A_305 : i32
        %broadcast_in_dim3A = vector.broadcast %add3A_309 : i32 to vector<16xi32>
        %gather3A = tpu.vector_load_idx %arg17[%broadcast_in_dim3A] : memref<640xf32, #tpu.memory_space<vmem>>[vector<16xi32>], vector<16xf32>,
        %get3A = arith.index_cast %scan3A_305 : i32 to index
        %get3A_310 = arith.constant 0 : index
        %get3A_311 = tpu.vector_load %arg16[%get3A, %get3A_310] {strides = array<i32>} : memref<64x64xf32, #tpu.memory_space<vmem>>, vector<16xf32>,
        %mul3A_312 = arith.mulf %get3A_311, %gather3A : vector<16xf32>
        %swap3A = arith.index_cast %scan3A_305 : i32 to index
        %swap3A_313 = arith.constant 0 : index
        %swap3A_314 = tpu.vector_load %arg16[%swap3A, %swap3A_313] {strides = array<i32>} : memref<64x64xf32, #tpu.memory_space<vmem>>, vector<16xf32>,
        tpu.vector_store %arg16[%swap3A, %swap3A_313], %mul3A_312 {strides = array<i32>} : memref<64x64xf32, #tpu.memory_space<vmem>>, vector<16xf32>,
        %get3A_315 = arith.index_cast %scan3A_305 : i32 to index
        %get3A_316 = arith.constant 16 : index
        %get3A_317 = tpu.vector_load %arg16[%get3A_315, %get3A_316] {strides = array<i32>} : memref<64x64xf32, #tpu.memory_space<vmem>>, vector<16xf32>,
        %mul3A_318 = arith.mulf %get3A_317, %gather3A : vector<16xf32>
        %swap3A_319 = arith.index_cast %scan3A_305 : i32 to index
        %swap3A_320 = arith.constant 16 : index
        %swap3A_321 = tpu.vector_load %arg16[%swap3A_319, %swap3A_320] {strides = array<i32>} : memref<64x64xf32, #tpu.memory_space<vmem>>, vector<16xf32>,
        tpu.vector_store %arg16[%swap3A_319, %swap3A_320], %mul3A_318 {strides = array<i32>} : memref<64x64xf32, #tpu.memory_space<vmem>>, vector<16xf32>,
        %get3A_322 = arith.index_cast %scan3A_305 : i32 to index
        %get3A_323 = arith.constant 32 : index
        %get3A_324 = tpu.vector_load %arg16[%get3A_322, %get3A_323] {strides = array<i32>} : memref<64x64xf32, #tpu.memory_space<vmem>>, vector<16xf32>,
        %mul3A_325 = arith.mulf %get3A_324, %gather3A : vector<16xf32>
        %swap3A_326 = arith.index_cast %scan3A_305 : i32 to index
        %swap3A_327 = arith.constant 32 : index
        %swap3A_328 = tpu.vector_load %arg16[%swap3A_326, %swap3A_327] {strides = array<i32>} : memref<64x64xf32, #tpu.memory_space<vmem>>, vector<16xf32>,
        tpu.vector_store %arg16[%swap3A_326, %swap3A_327], %mul3A_325 {strides = array<i32>} : memref<64x64xf32, #tpu.memory_space<vmem>>, vector<16xf32>,
        %get3A_329 = arith.index_cast %scan3A_305 : i32 to index
        %get3A_330 = arith.constant 48 : index
        %get3A_331 = tpu.vector_load %arg16[%get3A_329, %get3A_330] {strides = array<i32>} : memref<64x64xf32, #tpu.memory_space<vmem>>, vector<16xf32>,
        %mul3A_332 = arith.mulf %get3A_331, %gather3A : vector<16xf32>
        %swap3A_333 = arith.index_cast %scan3A_305 : i32 to index
        %swap3A_334 = arith.constant 48 : index
        %swap3A_335 = tpu.vector_load %arg16[%swap3A_333, %swap3A_334] {strides = array<i32>} : memref<64x64xf32, #tpu.memory_space<vmem>>, vector<16xf32>,
        tpu.vector_store %arg16[%swap3A_333, %swap3A_334], %mul3A_332 {strides = array<i32>} : memref<64x64xf32, #tpu.memory_space<vmem>>, vector<16xf32>,
        %scan3A_336 = arith.constant 0 : i32
        scf.yield %scan3A_336 : i32
      }
      %scan3A_303 = arith.constant 64 : i32
      "tpu.region"() ({
        %run_scoped3A = tpu.sem_alloc : memref<!tpu.dma_semaphore, #tpu.memory_space<semaphore_mem>>
        %dma_start3A_305 = arith.constant 0 : i32
        %dma_start3A_306 = arith.constant 0 : i32
        %dma_start3A_307 = tpu.memref_slice %arg9[%arg0, %dma_start3A_305, %dma_start3A_306] : memref<2x10240x64xf32, #tpu.memory_space<hbm>> -> memref<1x10240x64xf32, #tpu.memory_space<hbm>>
        %dma_start3A_308 = tpu.memref_squeeze %dma_start3A_307 : memref<1x10240x64xf32, #tpu.memory_space<hbm>> -> memref<10240x64xf32, #tpu.memory_space<hbm>>
        %dma_start3A_309 = arith.constant 0 : i32
        %dma_start3A_310 = tpu.memref_slice %dma_start3A_308[%add3A, %dma_start3A_309] : memref<10240x64xf32, #tpu.memory_space<hbm>> -> memref<64x64xf32, #tpu.memory_space<hbm>>
        %dma_start3A_311 = arith.constant 0 : i32
        %dma_start3A_312 = arith.constant 0 : i32
        %dma_start3A_313 = tpu.memref_slice %arg9[%arg0, %dma_start3A_311, %dma_start3A_312] : memref<2x10240x64xf32, #tpu.memory_space<hbm>> -> memref<1x10240x64xf32, #tpu.memory_space<hbm>>
        %dma_start3A_314 = tpu.memref_squeeze %dma_start3A_313 : memref<1x10240x64xf32, #tpu.memory_space<hbm>> -> memref<10240x64xf32, #tpu.memory_space<hbm>>
        %dma_start3A_315 = arith.constant 0 : i32
        %dma_start3A_316 = tpu.memref_slice %dma_start3A_314[%add3A, %dma_start3A_315] : memref<10240x64xf32, #tpu.memory_space<hbm>> -> memref<64x64xf32, #tpu.memory_space<hbm>>
        tpu.enqueue_dma source(%arg16 : memref<64x64xf32, #tpu.memory_space<vmem>>) target(%dma_start3A_316 : memref<64x64xf32, #tpu.memory_space<hbm>>) target_semaphore(%run_scoped3A : memref<!tpu.dma_semaphore, #tpu.memory_space<semaphore_mem>>)
        %dma_wait3A = arith.constant 0 : i32
        %dma_wait3A_317 = arith.constant 0 : i32
        %dma_wait3A_318 = tpu.memref_slice %arg9[%arg0, %dma_wait3A, %dma_wait3A_317] : memref<2x10240x64xf32, #tpu.memory_space<hbm>> -> memref<1x10240x64xf32, #tpu.memory_space<hbm>>
        %dma_wait3A_319 = tpu.memref_squeeze %dma_wait3A_318 : memref<1x10240x64xf32, #tpu.memory_space<hbm>> -> memref<10240x64xf32, #tpu.memory_space<hbm>>
        %dma_wait3A_320 = arith.constant 0 : i32
        %dma_wait3A_321 = tpu.memref_slice %dma_wait3A_319[%add3A, %dma_wait3A_320] : memref<10240x64xf32, #tpu.memory_space<hbm>> -> memref<64x64xf32, #tpu.memory_space<hbm>>
        %dma_wait3A_322 = arith.constant 0 : i32
        %dma_wait3A_323 = arith.constant 0 : i32
        %dma_wait3A_324 = tpu.memref_slice %arg9[%arg0, %dma_wait3A_322, %dma_wait3A_323] : memref<2x10240x64xf32, #tpu.memory_space<hbm>> -> memref<1x10240x64xf32, #tpu.memory_space<hbm>>
        %dma_wait3A_325 = tpu.memref_squeeze %dma_wait3A_324 : memref<1x10240x64xf32, #tpu.memory_space<hbm>> -> memref<10240x64xf32, #tpu.memory_space<hbm>>
        %dma_wait3A_326 = arith.constant 0 : i32
        %dma_wait3A_327 = tpu.memref_slice %dma_wait3A_325[%add3A, %dma_wait3A_326] : memref<10240x64xf32, #tpu.memory_space<hbm>> -> memref<64x64xf32, #tpu.memory_space<hbm>>
        tpu.wait_dma2 semaphore(%run_scoped3A : memref<!tpu.dma_semaphore, #tpu.memory_space<semaphore_mem>>) src(%arg16 : memref<64x64xf32, #tpu.memory_space<vmem>>) dst(%dma_wait3A_327 : memref<64x64xf32, #tpu.memory_space<hbm>>)
        tpu.yield
      }) : () -> ()
      "tpu.region"() ({
        %run_scoped3A = tpu.sem_alloc : memref<!tpu.dma_semaphore, #tpu.memory_space<semaphore_mem>>
        %dma_start3A_305 = arith.constant 0 : i32
        %dma_start3A_306 = tpu.memref_slice %arg22[%add3A, %dma_start3A_305] : memref<10240x64xf32, #tpu.memory_space<vmem_shared>> -> memref<64x64xf32, #tpu.memory_space<vmem_shared>>
        %dma_start3A_307 = arith.constant 0 : i32
        %dma_start3A_308 = tpu.memref_slice %arg22[%add3A, %dma_start3A_307] : memref<10240x64xf32, #tpu.memory_space<vmem_shared>> -> memref<64x64xf32, #tpu.memory_space<vmem_shared>>
        tpu.enqueue_dma source(%arg19 : memref<64x64xf32, #tpu.memory_space<vmem>>) target(%dma_start3A_308 : memref<64x64xf32, #tpu.memory_space<vmem_shared>>) target_semaphore(%run_scoped3A : memref<!tpu.dma_semaphore, #tpu.memory_space<semaphore_mem>>)
        %dma_wait3A = arith.constant 0 : i32
        %dma_wait3A_309 = tpu.memref_slice %arg22[%add3A, %dma_wait3A] : memref<10240x64xf32, #tpu.memory_space<vmem_shared>> -> memref<64x64xf32, #tpu.memory_space<vmem_shared>>
        %dma_wait3A_310 = arith.constant 0 : i32
        %dma_wait3A_311 = tpu.memref_slice %arg22[%add3A, %dma_wait3A_310] : memref<10240x64xf32, #tpu.memory_space<vmem_shared>> -> memref<64x64xf32, #tpu.memory_space<vmem_shared>>
        tpu.wait_dma2 semaphore(%run_scoped3A : memref<!tpu.dma_semaphore, #tpu.memory_space<semaphore_mem>>) src(%arg19 : memref<64x64xf32, #tpu.memory_space<vmem>>) dst(%dma_wait3A_311 : memref<64x64xf32, #tpu.memory_space<vmem_shared>>)
        tpu.yield
      }) : () -> ()
      %scan3A_304 = arith.constant 0 : i32
      scf.yield %scan3A_304 : i32
    }
    %scan3A_112 = arith.constant 10 : i32
    %barrier3A_113 = arith.constant 0 : index
    tpu.barrier barrier_id(%barrier3A_113)
    %dma_start3A_114 = arith.constant 0 : i32
    %dma_start3A_115 = arith.constant 0 : i32
    %dma_start3A_116 = tpu.memref_slice %arg11[%dma_start3A_114, %dma_start3A_115] : memref<80x128xi32, #tpu.memory_space<vmem>> -> memref<1x128xi32, #tpu.memory_space<vmem>>
    %dma_start3A_117 = tpu.memref_squeeze %dma_start3A_116 : memref<1x128xi32, #tpu.memory_space<vmem>> -> memref<128xi32, #tpu.memory_space<vmem>>
    %dma_start3A_118 = arith.constant 0 : i32
    %dma_start3A_119 = arith.constant 0 : i32
    %dma_start3A_120 = tpu.memref_slice %arg9[%arg0, %dma_start3A_118, %dma_start3A_119] : memref<2x10240x64xf32, #tpu.memory_space<hbm>> -> memref<1x10240x64xf32, #tpu.memory_space<hbm>>
    %dma_start3A_121 = tpu.memref_squeeze %dma_start3A_120 : memref<1x10240x64xf32, #tpu.memory_space<hbm>> -> memref<10240x64xf32, #tpu.memory_space<hbm>>
    %dma_start3A_122 = arith.constant 0 : i32
    %dma_start3A_123 = arith.constant 0 : i32
    %dma_start3A_124 = tpu.memref_slice %dma_start3A_121[%dma_start3A_122, %dma_start3A_123] : memref<10240x64xf32, #tpu.memory_space<hbm>> -> memref<10240x64xf32, #tpu.memory_space<hbm>>
    tpu.enqueue_indirect_dma source(%dma_start3A_124 : memref<10240x64xf32, #tpu.memory_space<hbm>>) target(%arg12 : memref<128x64xf32, #tpu.memory_space<vmem>>) offsets(%dma_start3A_117 : memref<128xi32, #tpu.memory_space<vmem>>) semaphore(%arg23 : memref<!tpu.dma_semaphore, #tpu.memory_space<semaphore_mem>>)
    %dma_start3A_125 = arith.constant 1 : i32
    %dma_start3A_126 = arith.constant 0 : i32
    %dma_start3A_127 = tpu.memref_slice %arg11[%dma_start3A_125, %dma_start3A_126] : memref<80x128xi32, #tpu.memory_space<vmem>> -> memref<1x128xi32, #tpu.memory_space<vmem>>
    %dma_start3A_128 = tpu.memref_squeeze %dma_start3A_127 : memref<1x128xi32, #tpu.memory_space<vmem>> -> memref<128xi32, #tpu.memory_space<vmem>>
    %dma_start3A_129 = arith.constant 0 : i32
    %dma_start3A_130 = arith.constant 0 : i32
    %dma_start3A_131 = tpu.memref_slice %arg9[%arg0, %dma_start3A_129, %dma_start3A_130] : memref<2x10240x64xf32, #tpu.memory_space<hbm>> -> memref<1x10240x64xf32, #tpu.memory_space<hbm>>
    %dma_start3A_132 = tpu.memref_squeeze %dma_start3A_131 : memref<1x10240x64xf32, #tpu.memory_space<hbm>> -> memref<10240x64xf32, #tpu.memory_space<hbm>>
    %dma_start3A_133 = arith.constant 0 : i32
    %dma_start3A_134 = arith.constant 0 : i32
    %dma_start3A_135 = tpu.memref_slice %dma_start3A_132[%dma_start3A_133, %dma_start3A_134] : memref<10240x64xf32, #tpu.memory_space<hbm>> -> memref<10240x64xf32, #tpu.memory_space<hbm>>
    tpu.enqueue_indirect_dma source(%dma_start3A_135 : memref<10240x64xf32, #tpu.memory_space<hbm>>) target(%arg13 : memref<128x64xf32, #tpu.memory_space<vmem>>) offsets(%dma_start3A_128 : memref<128xi32, #tpu.memory_space<vmem>>) semaphore(%arg23 : memref<!tpu.dma_semaphore, #tpu.memory_space<semaphore_mem>>)
    %dma_start3A_136 = arith.constant 2 : i32
    %dma_start3A_137 = arith.constant 0 : i32
    %dma_start3A_138 = tpu.memref_slice %arg11[%dma_start3A_136, %dma_start3A_137] : memref<80x128xi32, #tpu.memory_space<vmem>> -> memref<1x128xi32, #tpu.memory_space<vmem>>
    %dma_start3A_139 = tpu.memref_squeeze %dma_start3A_138 : memref<1x128xi32, #tpu.memory_space<vmem>> -> memref<128xi32, #tpu.memory_space<vmem>>
    %dma_start3A_140 = arith.constant 0 : i32
    %dma_start3A_141 = arith.constant 0 : i32
    %dma_start3A_142 = tpu.memref_slice %arg9[%arg0, %dma_start3A_140, %dma_start3A_141] : memref<2x10240x64xf32, #tpu.memory_space<hbm>> -> memref<1x10240x64xf32, #tpu.memory_space<hbm>>
    %dma_start3A_143 = tpu.memref_squeeze %dma_start3A_142 : memref<1x10240x64xf32, #tpu.memory_space<hbm>> -> memref<10240x64xf32, #tpu.memory_space<hbm>>
    %dma_start3A_144 = arith.constant 0 : i32
    %dma_start3A_145 = arith.constant 0 : i32
    %dma_start3A_146 = tpu.memref_slice %dma_start3A_143[%dma_start3A_144, %dma_start3A_145] : memref<10240x64xf32, #tpu.memory_space<hbm>> -> memref<10240x64xf32, #tpu.memory_space<hbm>>
    tpu.enqueue_indirect_dma source(%dma_start3A_146 : memref<10240x64xf32, #tpu.memory_space<hbm>>) target(%arg14 : memref<128x64xf32, #tpu.memory_space<vmem>>) offsets(%dma_start3A_139 : memref<128xi32, #tpu.memory_space<vmem>>) semaphore(%arg23 : memref<!tpu.dma_semaphore, #tpu.memory_space<semaphore_mem>>)
    %dma_start3A_147 = arith.constant 3 : i32
    %dma_start3A_148 = arith.constant 0 : i32
    %dma_start3A_149 = tpu.memref_slice %arg11[%dma_start3A_147, %dma_start3A_148] : memref<80x128xi32, #tpu.memory_space<vmem>> -> memref<1x128xi32, #tpu.memory_space<vmem>>
    %dma_start3A_150 = tpu.memref_squeeze %dma_start3A_149 : memref<1x128xi32, #tpu.memory_space<vmem>> -> memref<128xi32, #tpu.memory_space<vmem>>
    %dma_start3A_151 = arith.constant 0 : i32
    %dma_start3A_152 = arith.constant 0 : i32
    %dma_start3A_153 = tpu.memref_slice %arg9[%arg0, %dma_start3A_151, %dma_start3A_152] : memref<2x10240x64xf32, #tpu.memory_space<hbm>> -> memref<1x10240x64xf32, #tpu.memory_space<hbm>>
    %dma_start3A_154 = tpu.memref_squeeze %dma_start3A_153 : memref<1x10240x64xf32, #tpu.memory_space<hbm>> -> memref<10240x64xf32, #tpu.memory_space<hbm>>
    %dma_start3A_155 = arith.constant 0 : i32
    %dma_start3A_156 = arith.constant 0 : i32
    %dma_start3A_157 = tpu.memref_slice %dma_start3A_154[%dma_start3A_155, %dma_start3A_156] : memref<10240x64xf32, #tpu.memory_space<hbm>> -> memref<10240x64xf32, #tpu.memory_space<hbm>>
    tpu.enqueue_indirect_dma source(%dma_start3A_157 : memref<10240x64xf32, #tpu.memory_space<hbm>>) target(%arg15 : memref<128x64xf32, #tpu.memory_space<vmem>>) offsets(%dma_start3A_150 : memref<128xi32, #tpu.memory_space<vmem>>) semaphore(%arg23 : memref<!tpu.dma_semaphore, #tpu.memory_space<semaphore_mem>>)
    %scan3A_158 = arith.constant 0 : i32
    %scan3A_159 = arith.constant 0 : i32
    %scan3A_160 = arith.constant 20 : i32
    %scan3A_161 = arith.addi %scan3A_159, %scan3A_160 : i32
    %scan3A_162 = arith.constant 1 : i32
    %scan3A_163 = scf.for %scan3A_293 = %scan3A_159 to %scan3A_161 step %scan3A_162 iter_args(%scan3A_294 = %scan3A_158) -> (i32)  : i32 {
      %mul3A_295 = arith.constant 4 : i32
      %mul3A_296 = arith.muli %scan3A_293, %mul3A_295 : i32
      %add3A = arith.constant 0 : i32
      %add3A_297 = arith.addi %mul3A_296, %add3A : i32
      %dma_wait3A = arith.constant 0 : i32
      %dma_wait3A_298 = arith.constant 0 : i32
      %dma_wait3A_299 = tpu.memref_slice %arg11[%dma_wait3A, %dma_wait3A_298] : memref<80x128xi32, #tpu.memory_space<vmem>> -> memref<1x128xi32, #tpu.memory_space<vmem>>
      %dma_wait3A_300 = tpu.memref_squeeze %dma_wait3A_299 : memref<1x128xi32, #tpu.memory_space<vmem>> -> memref<128xi32, #tpu.memory_space<vmem>>
      %dma_wait3A_301 = arith.constant 0 : i32
      %dma_wait3A_302 = arith.constant 0 : i32
      %dma_wait3A_303 = tpu.memref_slice %arg9[%arg0, %dma_wait3A_301, %dma_wait3A_302] : memref<2x10240x64xf32, #tpu.memory_space<hbm>> -> memref<1x10240x64xf32, #tpu.memory_space<hbm>>
      %dma_wait3A_304 = tpu.memref_squeeze %dma_wait3A_303 : memref<1x10240x64xf32, #tpu.memory_space<hbm>> -> memref<10240x64xf32, #tpu.memory_space<hbm>>
      %dma_wait3A_305 = arith.constant 0 : i32
      %dma_wait3A_306 = arith.constant 0 : i32
      %dma_wait3A_307 = tpu.memref_slice %dma_wait3A_304[%dma_wait3A_305, %dma_wait3A_306] : memref<10240x64xf32, #tpu.memory_space<hbm>> -> memref<10240x64xf32, #tpu.memory_space<hbm>>
      tpu.wait_indirect_dma semaphore(%arg23 : memref<!tpu.dma_semaphore, #tpu.memory_space<semaphore_mem>>) src(%dma_wait3A_307 : memref<10240x64xf32, #tpu.memory_space<hbm>>) dst(%arg12 : memref<128x64xf32, #tpu.memory_space<vmem>>)
      "tpu.region"() ({
        %run_scoped3A = tpu.sem_alloc : memref<!tpu.dma_semaphore, #tpu.memory_space<semaphore_mem>>
        %dma_start3A_379 = arith.constant 0 : i32
        %dma_start3A_380 = tpu.memref_slice %arg10[%add3A_297, %dma_start3A_379] : memref<80x128xi32, #tpu.memory_space<vmem>> -> memref<1x128xi32, #tpu.memory_space<vmem>>
        %dma_start3A_381 = tpu.memref_squeeze %dma_start3A_380 : memref<1x128xi32, #tpu.memory_space<vmem>> -> memref<128xi32, #tpu.memory_space<vmem>>
        %dma_start3A_382 = arith.constant 0 : i32
        %dma_start3A_383 = arith.constant 0 : i32
        %dma_start3A_384 = tpu.memref_slice %arg22[%dma_start3A_382, %dma_start3A_383] : memref<10240x64xf32, #tpu.memory_space<vmem_shared>> -> memref<10240x64xf32, #tpu.memory_space<vmem_shared>>
        tpu.enqueue_indirect_dma source(%arg12 : memref<128x64xf32, #tpu.memory_space<vmem>>) target(%dma_start3A_384 : memref<10240x64xf32, #tpu.memory_space<vmem_shared>>) offsets(%dma_start3A_381 : memref<128xi32, #tpu.memory_space<vmem>>) semaphore(%run_scoped3A : memref<!tpu.dma_semaphore, #tpu.memory_space<semaphore_mem>>) {add = true}
        %dma_wait3A_385 = arith.constant 0 : i32
        %dma_wait3A_386 = tpu.memref_slice %arg10[%add3A_297, %dma_wait3A_385] : memref<80x128xi32, #tpu.memory_space<vmem>> -> memref<1x128xi32, #tpu.memory_space<vmem>>
        %dma_wait3A_387 = tpu.memref_squeeze %dma_wait3A_386 : memref<1x128xi32, #tpu.memory_space<vmem>> -> memref<128xi32, #tpu.memory_space<vmem>>
        %dma_wait3A_388 = arith.constant 0 : i32
        %dma_wait3A_389 = arith.constant 0 : i32
        %dma_wait3A_390 = tpu.memref_slice %arg22[%dma_wait3A_388, %dma_wait3A_389] : memref<10240x64xf32, #tpu.memory_space<vmem_shared>> -> memref<10240x64xf32, #tpu.memory_space<vmem_shared>>
        tpu.wait_indirect_dma semaphore(%run_scoped3A : memref<!tpu.dma_semaphore, #tpu.memory_space<semaphore_mem>>) src(%arg12 : memref<128x64xf32, #tpu.memory_space<vmem>>) dst(%dma_wait3A_390 : memref<10240x64xf32, #tpu.memory_space<vmem_shared>>)
        tpu.yield
      }) : () -> ()
      %add3A_308 = arith.constant 4 : i32
      %add3A_309 = arith.addi %add3A_297, %add3A_308 : i32
      %lt3A = arith.constant 80 : i32
      %lt3A_310 = arith.cmpi slt, %add3A_309, %lt3A : i32
      %convert_element_type3A = arith.extui %lt3A_310 : i1 to i32
      %cond3A = arith.constant 0 : i32
      %cond3A_311 = arith.cmpi ne, %convert_element_type3A, %cond3A : i32
      scf.if %cond3A_311 {
        %add3A_379 = arith.constant 4 : i32
        %add3A_380 = arith.addi %add3A_297, %add3A_379 : i32
        %dma_start3A_381 = arith.constant 0 : i32
        %dma_start3A_382 = tpu.memref_slice %arg11[%add3A_380, %dma_start3A_381] : memref<80x128xi32, #tpu.memory_space<vmem>> -> memref<1x128xi32, #tpu.memory_space<vmem>>
        %dma_start3A_383 = tpu.memref_squeeze %dma_start3A_382 : memref<1x128xi32, #tpu.memory_space<vmem>> -> memref<128xi32, #tpu.memory_space<vmem>>
        %dma_start3A_384 = arith.constant 0 : i32
        %dma_start3A_385 = arith.constant 0 : i32
        %dma_start3A_386 = tpu.memref_slice %arg9[%arg0, %dma_start3A_384, %dma_start3A_385] : memref<2x10240x64xf32, #tpu.memory_space<hbm>> -> memref<1x10240x64xf32, #tpu.memory_space<hbm>>
        %dma_start3A_387 = tpu.memref_squeeze %dma_start3A_386 : memref<1x10240x64xf32, #tpu.memory_space<hbm>> -> memref<10240x64xf32, #tpu.memory_space<hbm>>
        %dma_start3A_388 = arith.constant 0 : i32
        %dma_start3A_389 = arith.constant 0 : i32
        %dma_start3A_390 = tpu.memref_slice %dma_start3A_387[%dma_start3A_388, %dma_start3A_389] : memref<10240x64xf32, #tpu.memory_space<hbm>> -> memref<10240x64xf32, #tpu.memory_space<hbm>>
        tpu.enqueue_indirect_dma source(%dma_start3A_390 : memref<10240x64xf32, #tpu.memory_space<hbm>>) target(%arg12 : memref<128x64xf32, #tpu.memory_space<vmem>>) offsets(%dma_start3A_383 : memref<128xi32, #tpu.memory_space<vmem>>) semaphore(%arg23 : memref<!tpu.dma_semaphore, #tpu.memory_space<semaphore_mem>>)
      } else {
      }
      %mul3A_312 = arith.constant 4 : i32
      %mul3A_313 = arith.muli %scan3A_293, %mul3A_312 : i32
      %add3A_314 = arith.constant 1 : i32
      %add3A_315 = arith.addi %mul3A_313, %add3A_314 : i32
      %dma_wait3A_316 = arith.constant 0 : i32
      %dma_wait3A_317 = arith.constant 0 : i32
      %dma_wait3A_318 = tpu.memref_slice %arg11[%dma_wait3A_316, %dma_wait3A_317] : memref<80x128xi32, #tpu.memory_space<vmem>> -> memref<1x128xi32, #tpu.memory_space<vmem>>
      %dma_wait3A_319 = tpu.memref_squeeze %dma_wait3A_318 : memref<1x128xi32, #tpu.memory_space<vmem>> -> memref<128xi32, #tpu.memory_space<vmem>>
      %dma_wait3A_320 = arith.constant 0 : i32
      %dma_wait3A_321 = arith.constant 0 : i32
      %dma_wait3A_322 = tpu.memref_slice %arg9[%arg0, %dma_wait3A_320, %dma_wait3A_321] : memref<2x10240x64xf32, #tpu.memory_space<hbm>> -> memref<1x10240x64xf32, #tpu.memory_space<hbm>>
      %dma_wait3A_323 = tpu.memref_squeeze %dma_wait3A_322 : memref<1x10240x64xf32, #tpu.memory_space<hbm>> -> memref<10240x64xf32, #tpu.memory_space<hbm>>
      %dma_wait3A_324 = arith.constant 0 : i32
      %dma_wait3A_325 = arith.constant 0 : i32
      %dma_wait3A_326 = tpu.memref_slice %dma_wait3A_323[%dma_wait3A_324, %dma_wait3A_325] : memref<10240x64xf32, #tpu.memory_space<hbm>> -> memref<10240x64xf32, #tpu.memory_space<hbm>>
      tpu.wait_indirect_dma semaphore(%arg23 : memref<!tpu.dma_semaphore, #tpu.memory_space<semaphore_mem>>) src(%dma_wait3A_326 : memref<10240x64xf32, #tpu.memory_space<hbm>>) dst(%arg13 : memref<128x64xf32, #tpu.memory_space<vmem>>)
      "tpu.region"() ({
        %run_scoped3A = tpu.sem_alloc : memref<!tpu.dma_semaphore, #tpu.memory_space<semaphore_mem>>
        %dma_start3A_379 = arith.constant 0 : i32
        %dma_start3A_380 = tpu.memref_slice %arg10[%add3A_315, %dma_start3A_379] : memref<80x128xi32, #tpu.memory_space<vmem>> -> memref<1x128xi32, #tpu.memory_space<vmem>>
        %dma_start3A_381 = tpu.memref_squeeze %dma_start3A_380 : memref<1x128xi32, #tpu.memory_space<vmem>> -> memref<128xi32, #tpu.memory_space<vmem>>
        %dma_start3A_382 = arith.constant 0 : i32
        %dma_start3A_383 = arith.constant 0 : i32
        %dma_start3A_384 = tpu.memref_slice %arg22[%dma_start3A_382, %dma_start3A_383] : memref<10240x64xf32, #tpu.memory_space<vmem_shared>> -> memref<10240x64xf32, #tpu.memory_space<vmem_shared>>
        tpu.enqueue_indirect_dma source(%arg13 : memref<128x64xf32, #tpu.memory_space<vmem>>) target(%dma_start3A_384 : memref<10240x64xf32, #tpu.memory_space<vmem_shared>>) offsets(%dma_start3A_381 : memref<128xi32, #tpu.memory_space<vmem>>) semaphore(%run_scoped3A : memref<!tpu.dma_semaphore, #tpu.memory_space<semaphore_mem>>) {add = true}
        %dma_wait3A_385 = arith.constant 0 : i32
        %dma_wait3A_386 = tpu.memref_slice %arg10[%add3A_315, %dma_wait3A_385] : memref<80x128xi32, #tpu.memory_space<vmem>> -> memref<1x128xi32, #tpu.memory_space<vmem>>
        %dma_wait3A_387 = tpu.memref_squeeze %dma_wait3A_386 : memref<1x128xi32, #tpu.memory_space<vmem>> -> memref<128xi32, #tpu.memory_space<vmem>>
        %dma_wait3A_388 = arith.constant 0 : i32
        %dma_wait3A_389 = arith.constant 0 : i32
        %dma_wait3A_390 = tpu.memref_slice %arg22[%dma_wait3A_388, %dma_wait3A_389] : memref<10240x64xf32, #tpu.memory_space<vmem_shared>> -> memref<10240x64xf32, #tpu.memory_space<vmem_shared>>
        tpu.wait_indirect_dma semaphore(%run_scoped3A : memref<!tpu.dma_semaphore, #tpu.memory_space<semaphore_mem>>) src(%arg13 : memref<128x64xf32, #tpu.memory_space<vmem>>) dst(%dma_wait3A_390 : memref<10240x64xf32, #tpu.memory_space<vmem_shared>>)
        tpu.yield
      }) : () -> ()
      %add3A_327 = arith.constant 4 : i32
      %add3A_328 = arith.addi %add3A_315, %add3A_327 : i32
      %lt3A_329 = arith.constant 80 : i32
      %lt3A_330 = arith.cmpi slt, %add3A_328, %lt3A_329 : i32
      %convert_element_type3A_331 = arith.extui %lt3A_330 : i1 to i32
      %cond3A_332 = arith.constant 0 : i32
      %cond3A_333 = arith.cmpi ne, %convert_element_type3A_331, %cond3A_332 : i32
      scf.if %cond3A_333 {
        %add3A_379 = arith.constant 4 : i32
        %add3A_380 = arith.addi %add3A_315, %add3A_379 : i32
        %dma_start3A_381 = arith.constant 0 : i32
        %dma_start3A_382 = tpu.memref_slice %arg11[%add3A_380, %dma_start3A_381] : memref<80x128xi32, #tpu.memory_space<vmem>> -> memref<1x128xi32, #tpu.memory_space<vmem>>
        %dma_start3A_383 = tpu.memref_squeeze %dma_start3A_382 : memref<1x128xi32, #tpu.memory_space<vmem>> -> memref<128xi32, #tpu.memory_space<vmem>>
        %dma_start3A_384 = arith.constant 0 : i32
        %dma_start3A_385 = arith.constant 0 : i32
        %dma_start3A_386 = tpu.memref_slice %arg9[%arg0, %dma_start3A_384, %dma_start3A_385] : memref<2x10240x64xf32, #tpu.memory_space<hbm>> -> memref<1x10240x64xf32, #tpu.memory_space<hbm>>
        %dma_start3A_387 = tpu.memref_squeeze %dma_start3A_386 : memref<1x10240x64xf32, #tpu.memory_space<hbm>> -> memref<10240x64xf32, #tpu.memory_space<hbm>>
        %dma_start3A_388 = arith.constant 0 : i32
        %dma_start3A_389 = arith.constant 0 : i32
        %dma_start3A_390 = tpu.memref_slice %dma_start3A_387[%dma_start3A_388, %dma_start3A_389] : memref<10240x64xf32, #tpu.memory_space<hbm>> -> memref<10240x64xf32, #tpu.memory_space<hbm>>
        tpu.enqueue_indirect_dma source(%dma_start3A_390 : memref<10240x64xf32, #tpu.memory_space<hbm>>) target(%arg13 : memref<128x64xf32, #tpu.memory_space<vmem>>) offsets(%dma_start3A_383 : memref<128xi32, #tpu.memory_space<vmem>>) semaphore(%arg23 : memref<!tpu.dma_semaphore, #tpu.memory_space<semaphore_mem>>)
      } else {
      }
      %mul3A_334 = arith.constant 4 : i32
      %mul3A_335 = arith.muli %scan3A_293, %mul3A_334 : i32
      %add3A_336 = arith.constant 2 : i32
      %add3A_337 = arith.addi %mul3A_335, %add3A_336 : i32
      %dma_wait3A_338 = arith.constant 0 : i32
      %dma_wait3A_339 = arith.constant 0 : i32
      %dma_wait3A_340 = tpu.memref_slice %arg11[%dma_wait3A_338, %dma_wait3A_339] : memref<80x128xi32, #tpu.memory_space<vmem>> -> memref<1x128xi32, #tpu.memory_space<vmem>>
      %dma_wait3A_341 = tpu.memref_squeeze %dma_wait3A_340 : memref<1x128xi32, #tpu.memory_space<vmem>> -> memref<128xi32, #tpu.memory_space<vmem>>
      %dma_wait3A_342 = arith.constant 0 : i32
      %dma_wait3A_343 = arith.constant 0 : i32
      %dma_wait3A_344 = tpu.memref_slice %arg9[%arg0, %dma_wait3A_342, %dma_wait3A_343] : memref<2x10240x64xf32, #tpu.memory_space<hbm>> -> memref<1x10240x64xf32, #tpu.memory_space<hbm>>
      %dma_wait3A_345 = tpu.memref_squeeze %dma_wait3A_344 : memref<1x10240x64xf32, #tpu.memory_space<hbm>> -> memref<10240x64xf32, #tpu.memory_space<hbm>>
      %dma_wait3A_346 = arith.constant 0 : i32
      %dma_wait3A_347 = arith.constant 0 : i32
      %dma_wait3A_348 = tpu.memref_slice %dma_wait3A_345[%dma_wait3A_346, %dma_wait3A_347] : memref<10240x64xf32, #tpu.memory_space<hbm>> -> memref<10240x64xf32, #tpu.memory_space<hbm>>
      tpu.wait_indirect_dma semaphore(%arg23 : memref<!tpu.dma_semaphore, #tpu.memory_space<semaphore_mem>>) src(%dma_wait3A_348 : memref<10240x64xf32, #tpu.memory_space<hbm>>) dst(%arg14 : memref<128x64xf32, #tpu.memory_space<vmem>>)
      "tpu.region"() ({
        %run_scoped3A = tpu.sem_alloc : memref<!tpu.dma_semaphore, #tpu.memory_space<semaphore_mem>>
        %dma_start3A_379 = arith.constant 0 : i32
        %dma_start3A_380 = tpu.memref_slice %arg10[%add3A_337, %dma_start3A_379] : memref<80x128xi32, #tpu.memory_space<vmem>> -> memref<1x128xi32, #tpu.memory_space<vmem>>
        %dma_start3A_381 = tpu.memref_squeeze %dma_start3A_380 : memref<1x128xi32, #tpu.memory_space<vmem>> -> memref<128xi32, #tpu.memory_space<vmem>>
        %dma_start3A_382 = arith.constant 0 : i32
        %dma_start3A_383 = arith.constant 0 : i32
        %dma_start3A_384 = tpu.memref_slice %arg22[%dma_start3A_382, %dma_start3A_383] : memref<10240x64xf32, #tpu.memory_space<vmem_shared>> -> memref<10240x64xf32, #tpu.memory_space<vmem_shared>>
        tpu.enqueue_indirect_dma source(%arg14 : memref<128x64xf32, #tpu.memory_space<vmem>>) target(%dma_start3A_384 : memref<10240x64xf32, #tpu.memory_space<vmem_shared>>) offsets(%dma_start3A_381 : memref<128xi32, #tpu.memory_space<vmem>>) semaphore(%run_scoped3A : memref<!tpu.dma_semaphore, #tpu.memory_space<semaphore_mem>>) {add = true}
        %dma_wait3A_385 = arith.constant 0 : i32
        %dma_wait3A_386 = tpu.memref_slice %arg10[%add3A_337, %dma_wait3A_385] : memref<80x128xi32, #tpu.memory_space<vmem>> -> memref<1x128xi32, #tpu.memory_space<vmem>>
        %dma_wait3A_387 = tpu.memref_squeeze %dma_wait3A_386 : memref<1x128xi32, #tpu.memory_space<vmem>> -> memref<128xi32, #tpu.memory_space<vmem>>
        %dma_wait3A_388 = arith.constant 0 : i32
        %dma_wait3A_389 = arith.constant 0 : i32
        %dma_wait3A_390 = tpu.memref_slice %arg22[%dma_wait3A_388, %dma_wait3A_389] : memref<10240x64xf32, #tpu.memory_space<vmem_shared>> -> memref<10240x64xf32, #tpu.memory_space<vmem_shared>>
        tpu.wait_indirect_dma semaphore(%run_scoped3A : memref<!tpu.dma_semaphore, #tpu.memory_space<semaphore_mem>>) src(%arg14 : memref<128x64xf32, #tpu.memory_space<vmem>>) dst(%dma_wait3A_390 : memref<10240x64xf32, #tpu.memory_space<vmem_shared>>)
        tpu.yield
      }) : () -> ()
      %add3A_349 = arith.constant 4 : i32
      %add3A_350 = arith.addi %add3A_337, %add3A_349 : i32
      %lt3A_351 = arith.constant 80 : i32
      %lt3A_352 = arith.cmpi slt, %add3A_350, %lt3A_351 : i32
      %convert_element_type3A_353 = arith.extui %lt3A_352 : i1 to i32
      %cond3A_354 = arith.constant 0 : i32
      %cond3A_355 = arith.cmpi ne, %convert_element_type3A_353, %cond3A_354 : i32
      scf.if %cond3A_355 {
        %add3A_379 = arith.constant 4 : i32
        %add3A_380 = arith.addi %add3A_337, %add3A_379 : i32
        %dma_start3A_381 = arith.constant 0 : i32
        %dma_start3A_382 = tpu.memref_slice %arg11[%add3A_380, %dma_start3A_381] : memref<80x128xi32, #tpu.memory_space<vmem>> -> memref<1x128xi32, #tpu.memory_space<vmem>>
        %dma_start3A_383 = tpu.memref_squeeze %dma_start3A_382 : memref<1x128xi32, #tpu.memory_space<vmem>> -> memref<128xi32, #tpu.memory_space<vmem>>
        %dma_start3A_384 = arith.constant 0 : i32
        %dma_start3A_385 = arith.constant 0 : i32
        %dma_start3A_386 = tpu.memref_slice %arg9[%arg0, %dma_start3A_384, %dma_start3A_385] : memref<2x10240x64xf32, #tpu.memory_space<hbm>> -> memref<1x10240x64xf32, #tpu.memory_space<hbm>>
        %dma_start3A_387 = tpu.memref_squeeze %dma_start3A_386 : memref<1x10240x64xf32, #tpu.memory_space<hbm>> -> memref<10240x64xf32, #tpu.memory_space<hbm>>
        %dma_start3A_388 = arith.constant 0 : i32
        %dma_start3A_389 = arith.constant 0 : i32
        %dma_start3A_390 = tpu.memref_slice %dma_start3A_387[%dma_start3A_388, %dma_start3A_389] : memref<10240x64xf32, #tpu.memory_space<hbm>> -> memref<10240x64xf32, #tpu.memory_space<hbm>>
        tpu.enqueue_indirect_dma source(%dma_start3A_390 : memref<10240x64xf32, #tpu.memory_space<hbm>>) target(%arg14 : memref<128x64xf32, #tpu.memory_space<vmem>>) offsets(%dma_start3A_383 : memref<128xi32, #tpu.memory_space<vmem>>) semaphore(%arg23 : memref<!tpu.dma_semaphore, #tpu.memory_space<semaphore_mem>>)
      } else {
      }
      %mul3A_356 = arith.constant 4 : i32
      %mul3A_357 = arith.muli %scan3A_293, %mul3A_356 : i32
      %add3A_358 = arith.constant 3 : i32
      %add3A_359 = arith.addi %mul3A_357, %add3A_358 : i32
      %dma_wait3A_360 = arith.constant 0 : i32
      %dma_wait3A_361 = arith.constant 0 : i32
      %dma_wait3A_362 = tpu.memref_slice %arg11[%dma_wait3A_360, %dma_wait3A_361] : memref<80x128xi32, #tpu.memory_space<vmem>> -> memref<1x128xi32, #tpu.memory_space<vmem>>
      %dma_wait3A_363 = tpu.memref_squeeze %dma_wait3A_362 : memref<1x128xi32, #tpu.memory_space<vmem>> -> memref<128xi32, #tpu.memory_space<vmem>>
      %dma_wait3A_364 = arith.constant 0 : i32
      %dma_wait3A_365 = arith.constant 0 : i32
      %dma_wait3A_366 = tpu.memref_slice %arg9[%arg0, %dma_wait3A_364, %dma_wait3A_365] : memref<2x10240x64xf32, #tpu.memory_space<hbm>> -> memref<1x10240x64xf32, #tpu.memory_space<hbm>>
      %dma_wait3A_367 = tpu.memref_squeeze %dma_wait3A_366 : memref<1x10240x64xf32, #tpu.memory_space<hbm>> -> memref<10240x64xf32, #tpu.memory_space<hbm>>
      %dma_wait3A_368 = arith.constant 0 : i32
      %dma_wait3A_369 = arith.constant 0 : i32
      %dma_wait3A_370 = tpu.memref_slice %dma_wait3A_367[%dma_wait3A_368, %dma_wait3A_369] : memref<10240x64xf32, #tpu.memory_space<hbm>> -> memref<10240x64xf32, #tpu.memory_space<hbm>>
      tpu.wait_indirect_dma semaphore(%arg23 : memref<!tpu.dma_semaphore, #tpu.memory_space<semaphore_mem>>) src(%dma_wait3A_370 : memref<10240x64xf32, #tpu.memory_space<hbm>>) dst(%arg15 : memref<128x64xf32, #tpu.memory_space<vmem>>)
      "tpu.region"() ({
        %run_scoped3A = tpu.sem_alloc : memref<!tpu.dma_semaphore, #tpu.memory_space<semaphore_mem>>
        %dma_start3A_379 = arith.constant 0 : i32
        %dma_start3A_380 = tpu.memref_slice %arg10[%add3A_359, %dma_start3A_379] : memref<80x128xi32, #tpu.memory_space<vmem>> -> memref<1x128xi32, #tpu.memory_space<vmem>>
        %dma_start3A_381 = tpu.memref_squeeze %dma_start3A_380 : memref<1x128xi32, #tpu.memory_space<vmem>> -> memref<128xi32, #tpu.memory_space<vmem>>
        %dma_start3A_382 = arith.constant 0 : i32
        %dma_start3A_383 = arith.constant 0 : i32
        %dma_start3A_384 = tpu.memref_slice %arg22[%dma_start3A_382, %dma_start3A_383] : memref<10240x64xf32, #tpu.memory_space<vmem_shared>> -> memref<10240x64xf32, #tpu.memory_space<vmem_shared>>
        tpu.enqueue_indirect_dma source(%arg15 : memref<128x64xf32, #tpu.memory_space<vmem>>) target(%dma_start3A_384 : memref<10240x64xf32, #tpu.memory_space<vmem_shared>>) offsets(%dma_start3A_381 : memref<128xi32, #tpu.memory_space<vmem>>) semaphore(%run_scoped3A : memref<!tpu.dma_semaphore, #tpu.memory_space<semaphore_mem>>) {add = true}
        %dma_wait3A_385 = arith.constant 0 : i32
        %dma_wait3A_386 = tpu.memref_slice %arg10[%add3A_359, %dma_wait3A_385] : memref<80x128xi32, #tpu.memory_space<vmem>> -> memref<1x128xi32, #tpu.memory_space<vmem>>
        %dma_wait3A_387 = tpu.memref_squeeze %dma_wait3A_386 : memref<1x128xi32, #tpu.memory_space<vmem>> -> memref<128xi32, #tpu.memory_space<vmem>>
        %dma_wait3A_388 = arith.constant 0 : i32
        %dma_wait3A_389 = arith.constant 0 : i32
        %dma_wait3A_390 = tpu.memref_slice %arg22[%dma_wait3A_388, %dma_wait3A_389] : memref<10240x64xf32, #tpu.memory_space<vmem_shared>> -> memref<10240x64xf32, #tpu.memory_space<vmem_shared>>
        tpu.wait_indirect_dma semaphore(%run_scoped3A : memref<!tpu.dma_semaphore, #tpu.memory_space<semaphore_mem>>) src(%arg15 : memref<128x64xf32, #tpu.memory_space<vmem>>) dst(%dma_wait3A_390 : memref<10240x64xf32, #tpu.memory_space<vmem_shared>>)
        tpu.yield
      }) : () -> ()
      %add3A_371 = arith.constant 4 : i32
      %add3A_372 = arith.addi %add3A_359, %add3A_371 : i32
      %lt3A_373 = arith.constant 80 : i32
      %lt3A_374 = arith.cmpi slt, %add3A_372, %lt3A_373 : i32
      %convert_element_type3A_375 = arith.extui %lt3A_374 : i1 to i32
      %cond3A_376 = arith.constant 0 : i32
      %cond3A_377 = arith.cmpi ne, %convert_element_type3A_375, %cond3A_376 : i32
      scf.if %cond3A_377 {
        %add3A_379 = arith.constant 4 : i32
        %add3A_380 = arith.addi %add3A_359, %add3A_379 : i32
        %dma_start3A_381 = arith.constant 0 : i32
        %dma_start3A_382 = tpu.memref_slice %arg11[%add3A_380, %dma_start3A_381] : memref<80x128xi32, #tpu.memory_space<vmem>> -> memref<1x128xi32, #tpu.memory_space<vmem>>
        %dma_start3A_383 = tpu.memref_squeeze %dma_start3A_382 : memref<1x128xi32, #tpu.memory_space<vmem>> -> memref<128xi32, #tpu.memory_space<vmem>>
        %dma_start3A_384 = arith.constant 0 : i32
        %dma_start3A_385 = arith.constant 0 : i32
        %dma_start3A_386 = tpu.memref_slice %arg9[%arg0, %dma_start3A_384, %dma_start3A_385] : memref<2x10240x64xf32, #tpu.memory_space<hbm>> -> memref<1x10240x64xf32, #tpu.memory_space<hbm>>
        %dma_start3A_387 = tpu.memref_squeeze %dma_start3A_386 : memref<1x10240x64xf32, #tpu.memory_space<hbm>> -> memref<10240x64xf32, #tpu.memory_space<hbm>>
        %dma_start3A_388 = arith.constant 0 : i32
        %dma_start3A_389 = arith.constant 0 : i32
        %dma_start3A_390 = tpu.memref_slice %dma_start3A_387[%dma_start3A_388, %dma_start3A_389] : memref<10240x64xf32, #tpu.memory_space<hbm>> -> memref<10240x64xf32, #tpu.memory_space<hbm>>
        tpu.enqueue_indirect_dma source(%dma_start3A_390 : memref<10240x64xf32, #tpu.memory_space<hbm>>) target(%arg15 : memref<128x64xf32, #tpu.memory_space<vmem>>) offsets(%dma_start3A_383 : memref<128xi32, #tpu.memory_space<vmem>>) semaphore(%arg23 : memref<!tpu.dma_semaphore, #tpu.memory_space<semaphore_mem>>)
      } else {
      }
      %scan3A_378 = arith.constant 0 : i32
      scf.yield %scan3A_378 : i32
    }
    %scan3A_164 = arith.constant 20 : i32
    %barrier3A_165 = arith.constant 0 : index
    tpu.barrier barrier_id(%barrier3A_165)
    %scan3A_166 = arith.constant 0 : i32
    %scan3A_167 = arith.constant 0 : i32
    %scan3A_168 = arith.constant 10 : i32
    %scan3A_169 = arith.addi %scan3A_167, %scan3A_168 : i32
    %scan3A_170 = arith.constant 1 : i32
    %scan3A_171 = scf.for %scan3A_293 = %scan3A_167 to %scan3A_169 step %scan3A_170 iter_args(%scan3A_294 = %scan3A_166) -> (i32)  : i32 {
      %mul3A_295 = arith.constant 64 : i32
      %mul3A_296 = arith.muli %scan3A_293, %mul3A_295 : i32
      %add3A = arith.addi %mul3A_0, %mul3A_296 : i32
      "tpu.region"() ({
        %run_scoped3A = tpu.sem_alloc : memref<!tpu.dma_semaphore, #tpu.memory_space<semaphore_mem>>
        %dma_start3A_305 = arith.constant 0 : i32
        %dma_start3A_306 = tpu.memref_slice %arg22[%add3A, %dma_start3A_305] : memref<10240x64xf32, #tpu.memory_space<vmem_shared>> -> memref<64x64xf32, #tpu.memory_space<vmem_shared>>
        %dma_start3A_307 = arith.constant 0 : i32
        %dma_start3A_308 = tpu.memref_slice %arg22[%add3A, %dma_start3A_307] : memref<10240x64xf32, #tpu.memory_space<vmem_shared>> -> memref<64x64xf32, #tpu.memory_space<vmem_shared>>
        tpu.enqueue_dma source(%dma_start3A_308 : memref<64x64xf32, #tpu.memory_space<vmem_shared>>) target(%arg16 : memref<64x64xf32, #tpu.memory_space<vmem>>) target_semaphore(%run_scoped3A : memref<!tpu.dma_semaphore, #tpu.memory_space<semaphore_mem>>)
        %dma_wait3A = arith.constant 0 : i32
        %dma_wait3A_309 = tpu.memref_slice %arg22[%add3A, %dma_wait3A] : memref<10240x64xf32, #tpu.memory_space<vmem_shared>> -> memref<64x64xf32, #tpu.memory_space<vmem_shared>>
        %dma_wait3A_310 = arith.constant 0 : i32
        %dma_wait3A_311 = tpu.memref_slice %arg22[%add3A, %dma_wait3A_310] : memref<10240x64xf32, #tpu.memory_space<vmem_shared>> -> memref<64x64xf32, #tpu.memory_space<vmem_shared>>
        tpu.wait_dma2 semaphore(%run_scoped3A : memref<!tpu.dma_semaphore, #tpu.memory_space<semaphore_mem>>) src(%dma_wait3A_311 : memref<64x64xf32, #tpu.memory_space<vmem_shared>>) dst(%arg16 : memref<64x64xf32, #tpu.memory_space<vmem>>)
        tpu.yield
      }) : () -> ()
      %scan3A_297 = arith.constant 0 : i32
      %scan3A_298 = arith.constant 0 : i32
      %scan3A_299 = arith.constant 64 : i32
      %scan3A_300 = arith.addi %scan3A_298, %scan3A_299 : i32
      %scan3A_301 = arith.constant 1 : i32
      %scan3A_302 = scf.for %scan3A_305 = %scan3A_298 to %scan3A_300 step %scan3A_301 iter_args(%scan3A_306 = %scan3A_297) -> (i32)  : i32 {
        %mul3A_307 = arith.constant 64 : i32
        %mul3A_308 = arith.muli %scan3A_293, %mul3A_307 : i32
        %add3A_309 = arith.addi %mul3A_308, %scan3A_305 : i32
        %broadcast_in_dim3A = vector.broadcast %add3A_309 : i32 to vector<16xi32>
        %gather3A = tpu.vector_load_idx %arg18[%broadcast_in_dim3A] : memref<640xf32, #tpu.memory_space<vmem>>[vector<16xi32>], vector<16xf32>,
        %get3A = arith.index_cast %scan3A_305 : i32 to index
        %get3A_310 = arith.constant 0 : index
        %get3A_311 = tpu.vector_load %arg16[%get3A, %get3A_310] {strides = array<i32>} : memref<64x64xf32, #tpu.memory_space<vmem>>, vector<16xf32>,
        %mul3A_312 = arith.mulf %get3A_311, %gather3A : vector<16xf32>
        %get3A_313 = arith.constant 0 : index
        %get3A_314 = tpu.vector_load %arg21[%get3A_313] {strides = array<i32>} : memref<64xf32, #tpu.memory_space<vmem>>, vector<16xf32>,
        %add3A_315 = arith.addf %mul3A_312, %get3A_314 : vector<16xf32>
        %swap3A = arith.index_cast %scan3A_305 : i32 to index
        %swap3A_316 = arith.constant 0 : index
        %swap3A_317 = tpu.vector_load %arg16[%swap3A, %swap3A_316] {strides = array<i32>} : memref<64x64xf32, #tpu.memory_space<vmem>>, vector<16xf32>,
        tpu.vector_store %arg16[%swap3A, %swap3A_316], %add3A_315 {strides = array<i32>} : memref<64x64xf32, #tpu.memory_space<vmem>>, vector<16xf32>,
        %get3A_318 = arith.index_cast %scan3A_305 : i32 to index
        %get3A_319 = arith.constant 16 : index
        %get3A_320 = tpu.vector_load %arg16[%get3A_318, %get3A_319] {strides = array<i32>} : memref<64x64xf32, #tpu.memory_space<vmem>>, vector<16xf32>,
        %mul3A_321 = arith.mulf %get3A_320, %gather3A : vector<16xf32>
        %get3A_322 = arith.constant 16 : index
        %get3A_323 = tpu.vector_load %arg21[%get3A_322] {strides = array<i32>} : memref<64xf32, #tpu.memory_space<vmem>>, vector<16xf32>,
        %add3A_324 = arith.addf %mul3A_321, %get3A_323 : vector<16xf32>
        %swap3A_325 = arith.index_cast %scan3A_305 : i32 to index
        %swap3A_326 = arith.constant 16 : index
        %swap3A_327 = tpu.vector_load %arg16[%swap3A_325, %swap3A_326] {strides = array<i32>} : memref<64x64xf32, #tpu.memory_space<vmem>>, vector<16xf32>,
        tpu.vector_store %arg16[%swap3A_325, %swap3A_326], %add3A_324 {strides = array<i32>} : memref<64x64xf32, #tpu.memory_space<vmem>>, vector<16xf32>,
        %get3A_328 = arith.index_cast %scan3A_305 : i32 to index
        %get3A_329 = arith.constant 32 : index
        %get3A_330 = tpu.vector_load %arg16[%get3A_328, %get3A_329] {strides = array<i32>} : memref<64x64xf32, #tpu.memory_space<vmem>>, vector<16xf32>,
        %mul3A_331 = arith.mulf %get3A_330, %gather3A : vector<16xf32>
        %get3A_332 = arith.constant 32 : index
        %get3A_333 = tpu.vector_load %arg21[%get3A_332] {strides = array<i32>} : memref<64xf32, #tpu.memory_space<vmem>>, vector<16xf32>,
        %add3A_334 = arith.addf %mul3A_331, %get3A_333 : vector<16xf32>
        %swap3A_335 = arith.index_cast %scan3A_305 : i32 to index
        %swap3A_336 = arith.constant 32 : index
        %swap3A_337 = tpu.vector_load %arg16[%swap3A_335, %swap3A_336] {strides = array<i32>} : memref<64x64xf32, #tpu.memory_space<vmem>>, vector<16xf32>,
        tpu.vector_store %arg16[%swap3A_335, %swap3A_336], %add3A_334 {strides = array<i32>} : memref<64x64xf32, #tpu.memory_space<vmem>>, vector<16xf32>,
        %get3A_338 = arith.index_cast %scan3A_305 : i32 to index
        %get3A_339 = arith.constant 48 : index
        %get3A_340 = tpu.vector_load %arg16[%get3A_338, %get3A_339] {strides = array<i32>} : memref<64x64xf32, #tpu.memory_space<vmem>>, vector<16xf32>,
        %mul3A_341 = arith.mulf %get3A_340, %gather3A : vector<16xf32>
        %get3A_342 = arith.constant 48 : index
        %get3A_343 = tpu.vector_load %arg21[%get3A_342] {strides = array<i32>} : memref<64xf32, #tpu.memory_space<vmem>>, vector<16xf32>,
        %add3A_344 = arith.addf %mul3A_341, %get3A_343 : vector<16xf32>
        %swap3A_345 = arith.index_cast %scan3A_305 : i32 to index
        %swap3A_346 = arith.constant 48 : index
        %swap3A_347 = tpu.vector_load %arg16[%swap3A_345, %swap3A_346] {strides = array<i32>} : memref<64x64xf32, #tpu.memory_space<vmem>>, vector<16xf32>,
        tpu.vector_store %arg16[%swap3A_345, %swap3A_346], %add3A_344 {strides = array<i32>} : memref<64x64xf32, #tpu.memory_space<vmem>>, vector<16xf32>,
        %scan3A_348 = arith.constant 0 : i32
        scf.yield %scan3A_348 : i32
      }
      %scan3A_303 = arith.constant 64 : i32
      "tpu.region"() ({
        %run_scoped3A = tpu.sem_alloc : memref<!tpu.dma_semaphore, #tpu.memory_space<semaphore_mem>>
        %dma_start3A_305 = arith.constant 0 : i32
        %dma_start3A_306 = arith.constant 0 : i32
        %dma_start3A_307 = tpu.memref_slice %arg9[%arg0, %dma_start3A_305, %dma_start3A_306] : memref<2x10240x64xf32, #tpu.memory_space<hbm>> -> memref<1x10240x64xf32, #tpu.memory_space<hbm>>
        %dma_start3A_308 = tpu.memref_squeeze %dma_start3A_307 : memref<1x10240x64xf32, #tpu.memory_space<hbm>> -> memref<10240x64xf32, #tpu.memory_space<hbm>>
        %dma_start3A_309 = arith.constant 0 : i32
        %dma_start3A_310 = tpu.memref_slice %dma_start3A_308[%add3A, %dma_start3A_309] : memref<10240x64xf32, #tpu.memory_space<hbm>> -> memref<64x64xf32, #tpu.memory_space<hbm>>
        %dma_start3A_311 = arith.constant 0 : i32
        %dma_start3A_312 = arith.constant 0 : i32
        %dma_start3A_313 = tpu.memref_slice %arg9[%arg0, %dma_start3A_311, %dma_start3A_312] : memref<2x10240x64xf32, #tpu.memory_space<hbm>> -> memref<1x10240x64xf32, #tpu.memory_space<hbm>>
        %dma_start3A_314 = tpu.memref_squeeze %dma_start3A_313 : memref<1x10240x64xf32, #tpu.memory_space<hbm>> -> memref<10240x64xf32, #tpu.memory_space<hbm>>
        %dma_start3A_315 = arith.constant 0 : i32
        %dma_start3A_316 = tpu.memref_slice %dma_start3A_314[%add3A, %dma_start3A_315] : memref<10240x64xf32, #tpu.memory_space<hbm>> -> memref<64x64xf32, #tpu.memory_space<hbm>>
        tpu.enqueue_dma source(%arg16 : memref<64x64xf32, #tpu.memory_space<vmem>>) target(%dma_start3A_316 : memref<64x64xf32, #tpu.memory_space<hbm>>) target_semaphore(%run_scoped3A : memref<!tpu.dma_semaphore, #tpu.memory_space<semaphore_mem>>)
        %dma_wait3A = arith.constant 0 : i32
        %dma_wait3A_317 = arith.constant 0 : i32
        %dma_wait3A_318 = tpu.memref_slice %arg9[%arg0, %dma_wait3A, %dma_wait3A_317] : memref<2x10240x64xf32, #tpu.memory_space<hbm>> -> memref<1x10240x64xf32, #tpu.memory_space<hbm>>
        %dma_wait3A_319 = tpu.memref_squeeze %dma_wait3A_318 : memref<1x10240x64xf32, #tpu.memory_space<hbm>> -> memref<10240x64xf32, #tpu.memory_space<hbm>>
        %dma_wait3A_320 = arith.constant 0 : i32
        %dma_wait3A_321 = tpu.memref_slice %dma_wait3A_319[%add3A, %dma_wait3A_320] : memref<10240x64xf32, #tpu.memory_space<hbm>> -> memref<64x64xf32, #tpu.memory_space<hbm>>
        %dma_wait3A_322 = arith.constant 0 : i32
        %dma_wait3A_323 = arith.constant 0 : i32
        %dma_wait3A_324 = tpu.memref_slice %arg9[%arg0, %dma_wait3A_322, %dma_wait3A_323] : memref<2x10240x64xf32, #tpu.memory_space<hbm>> -> memref<1x10240x64xf32, #tpu.memory_space<hbm>>
        %dma_wait3A_325 = tpu.memref_squeeze %dma_wait3A_324 : memref<1x10240x64xf32, #tpu.memory_space<hbm>> -> memref<10240x64xf32, #tpu.memory_space<hbm>>
        %dma_wait3A_326 = arith.constant 0 : i32
        %dma_wait3A_327 = tpu.memref_slice %dma_wait3A_325[%add3A, %dma_wait3A_326] : memref<10240x64xf32, #tpu.memory_space<hbm>> -> memref<64x64xf32, #tpu.memory_space<hbm>>
        tpu.wait_dma2 semaphore(%run_scoped3A : memref<!tpu.dma_semaphore, #tpu.memory_space<semaphore_mem>>) src(%arg16 : memref<64x64xf32, #tpu.memory_space<vmem>>) dst(%dma_wait3A_327 : memref<64x64xf32, #tpu.memory_space<hbm>>)
        tpu.yield
      }) : () -> ()
      "tpu.region"() ({
        %run_scoped3A = tpu.sem_alloc : memref<!tpu.dma_semaphore, #tpu.memory_space<semaphore_mem>>
        %dma_start3A_305 = arith.constant 0 : i32
        %dma_start3A_306 = tpu.memref_slice %arg22[%add3A, %dma_start3A_305] : memref<10240x64xf32, #tpu.memory_space<vmem_shared>> -> memref<64x64xf32, #tpu.memory_space<vmem_shared>>
        %dma_start3A_307 = arith.constant 0 : i32
        %dma_start3A_308 = tpu.memref_slice %arg22[%add3A, %dma_start3A_307] : memref<10240x64xf32, #tpu.memory_space<vmem_shared>> -> memref<64x64xf32, #tpu.memory_space<vmem_shared>>
        tpu.enqueue_dma source(%arg19 : memref<64x64xf32, #tpu.memory_space<vmem>>) target(%dma_start3A_308 : memref<64x64xf32, #tpu.memory_space<vmem_shared>>) target_semaphore(%run_scoped3A : memref<!tpu.dma_semaphore, #tpu.memory_space<semaphore_mem>>)
        %dma_wait3A = arith.constant 0 : i32
        %dma_wait3A_309 = tpu.memref_slice %arg22[%add3A, %dma_wait3A] : memref<10240x64xf32, #tpu.memory_space<vmem_shared>> -> memref<64x64xf32, #tpu.memory_space<vmem_shared>>
        %dma_wait3A_310 = arith.constant 0 : i32
        %dma_wait3A_311 = tpu.memref_slice %arg22[%add3A, %dma_wait3A_310] : memref<10240x64xf32, #tpu.memory_space<vmem_shared>> -> memref<64x64xf32, #tpu.memory_space<vmem_shared>>
        tpu.wait_dma2 semaphore(%run_scoped3A : memref<!tpu.dma_semaphore, #tpu.memory_space<semaphore_mem>>) src(%arg19 : memref<64x64xf32, #tpu.memory_space<vmem>>) dst(%dma_wait3A_311 : memref<64x64xf32, #tpu.memory_space<vmem_shared>>)
        tpu.yield
      }) : () -> ()
      %scan3A_304 = arith.constant 0 : i32
      scf.yield %scan3A_304 : i32
    }
    %scan3A_172 = arith.constant 10 : i32
    %barrier3A_173 = arith.constant 0 : index
    tpu.barrier barrier_id(%barrier3A_173)
    %dma_start3A_174 = arith.constant 0 : i32
    %dma_start3A_175 = arith.constant 0 : i32
    %dma_start3A_176 = tpu.memref_slice %arg10[%dma_start3A_174, %dma_start3A_175] : memref<80x128xi32, #tpu.memory_space<vmem>> -> memref<1x128xi32, #tpu.memory_space<vmem>>
    %dma_start3A_177 = tpu.memref_squeeze %dma_start3A_176 : memref<1x128xi32, #tpu.memory_space<vmem>> -> memref<128xi32, #tpu.memory_space<vmem>>
    %dma_start3A_178 = arith.constant 0 : i32
    %dma_start3A_179 = arith.constant 0 : i32
    %dma_start3A_180 = tpu.memref_slice %arg9[%arg0, %dma_start3A_178, %dma_start3A_179] : memref<2x10240x64xf32, #tpu.memory_space<hbm>> -> memref<1x10240x64xf32, #tpu.memory_space<hbm>>
    %dma_start3A_181 = tpu.memref_squeeze %dma_start3A_180 : memref<1x10240x64xf32, #tpu.memory_space<hbm>> -> memref<10240x64xf32, #tpu.memory_space<hbm>>
    %dma_start3A_182 = arith.constant 0 : i32
    %dma_start3A_183 = arith.constant 0 : i32
    %dma_start3A_184 = tpu.memref_slice %dma_start3A_181[%dma_start3A_182, %dma_start3A_183] : memref<10240x64xf32, #tpu.memory_space<hbm>> -> memref<10240x64xf32, #tpu.memory_space<hbm>>
    tpu.enqueue_indirect_dma source(%dma_start3A_184 : memref<10240x64xf32, #tpu.memory_space<hbm>>) target(%arg12 : memref<128x64xf32, #tpu.memory_space<vmem>>) offsets(%dma_start3A_177 : memref<128xi32, #tpu.memory_space<vmem>>) semaphore(%arg23 : memref<!tpu.dma_semaphore, #tpu.memory_space<semaphore_mem>>)
    %dma_start3A_185 = arith.constant 1 : i32
    %dma_start3A_186 = arith.constant 0 : i32
    %dma_start3A_187 = tpu.memref_slice %arg10[%dma_start3A_185, %dma_start3A_186] : memref<80x128xi32, #tpu.memory_space<vmem>> -> memref<1x128xi32, #tpu.memory_space<vmem>>
    %dma_start3A_188 = tpu.memref_squeeze %dma_start3A_187 : memref<1x128xi32, #tpu.memory_space<vmem>> -> memref<128xi32, #tpu.memory_space<vmem>>
    %dma_start3A_189 = arith.constant 0 : i32
    %dma_start3A_190 = arith.constant 0 : i32
    %dma_start3A_191 = tpu.memref_slice %arg9[%arg0, %dma_start3A_189, %dma_start3A_190] : memref<2x10240x64xf32, #tpu.memory_space<hbm>> -> memref<1x10240x64xf32, #tpu.memory_space<hbm>>
    %dma_start3A_192 = tpu.memref_squeeze %dma_start3A_191 : memref<1x10240x64xf32, #tpu.memory_space<hbm>> -> memref<10240x64xf32, #tpu.memory_space<hbm>>
    %dma_start3A_193 = arith.constant 0 : i32
    %dma_start3A_194 = arith.constant 0 : i32
    %dma_start3A_195 = tpu.memref_slice %dma_start3A_192[%dma_start3A_193, %dma_start3A_194] : memref<10240x64xf32, #tpu.memory_space<hbm>> -> memref<10240x64xf32, #tpu.memory_space<hbm>>
    tpu.enqueue_indirect_dma source(%dma_start3A_195 : memref<10240x64xf32, #tpu.memory_space<hbm>>) target(%arg13 : memref<128x64xf32, #tpu.memory_space<vmem>>) offsets(%dma_start3A_188 : memref<128xi32, #tpu.memory_space<vmem>>) semaphore(%arg23 : memref<!tpu.dma_semaphore, #tpu.memory_space<semaphore_mem>>)
    %dma_start3A_196 = arith.constant 2 : i32
    %dma_start3A_197 = arith.constant 0 : i32
    %dma_start3A_198 = tpu.memref_slice %arg10[%dma_start3A_196, %dma_start3A_197] : memref<80x128xi32, #tpu.memory_space<vmem>> -> memref<1x128xi32, #tpu.memory_space<vmem>>
    %dma_start3A_199 = tpu.memref_squeeze %dma_start3A_198 : memref<1x128xi32, #tpu.memory_space<vmem>> -> memref<128xi32, #tpu.memory_space<vmem>>
    %dma_start3A_200 = arith.constant 0 : i32
    %dma_start3A_201 = arith.constant 0 : i32
    %dma_start3A_202 = tpu.memref_slice %arg9[%arg0, %dma_start3A_200, %dma_start3A_201] : memref<2x10240x64xf32, #tpu.memory_space<hbm>> -> memref<1x10240x64xf32, #tpu.memory_space<hbm>>
    %dma_start3A_203 = tpu.memref_squeeze %dma_start3A_202 : memref<1x10240x64xf32, #tpu.memory_space<hbm>> -> memref<10240x64xf32, #tpu.memory_space<hbm>>
    %dma_start3A_204 = arith.constant 0 : i32
    %dma_start3A_205 = arith.constant 0 : i32
    %dma_start3A_206 = tpu.memref_slice %dma_start3A_203[%dma_start3A_204, %dma_start3A_205] : memref<10240x64xf32, #tpu.memory_space<hbm>> -> memref<10240x64xf32, #tpu.memory_space<hbm>>
    tpu.enqueue_indirect_dma source(%dma_start3A_206 : memref<10240x64xf32, #tpu.memory_space<hbm>>) target(%arg14 : memref<128x64xf32, #tpu.memory_space<vmem>>) offsets(%dma_start3A_199 : memref<128xi32, #tpu.memory_space<vmem>>) semaphore(%arg23 : memref<!tpu.dma_semaphore, #tpu.memory_space<semaphore_mem>>)
    %dma_start3A_207 = arith.constant 3 : i32
    %dma_start3A_208 = arith.constant 0 : i32
    %dma_start3A_209 = tpu.memref_slice %arg10[%dma_start3A_207, %dma_start3A_208] : memref<80x128xi32, #tpu.memory_space<vmem>> -> memref<1x128xi32, #tpu.memory_space<vmem>>
    %dma_start3A_210 = tpu.memref_squeeze %dma_start3A_209 : memref<1x128xi32, #tpu.memory_space<vmem>> -> memref<128xi32, #tpu.memory_space<vmem>>
    %dma_start3A_211 = arith.constant 0 : i32
    %dma_start3A_212 = arith.constant 0 : i32
    %dma_start3A_213 = tpu.memref_slice %arg9[%arg0, %dma_start3A_211, %dma_start3A_212] : memref<2x10240x64xf32, #tpu.memory_space<hbm>> -> memref<1x10240x64xf32, #tpu.memory_space<hbm>>
    %dma_start3A_214 = tpu.memref_squeeze %dma_start3A_213 : memref<1x10240x64xf32, #tpu.memory_space<hbm>> -> memref<10240x64xf32, #tpu.memory_space<hbm>>
    %dma_start3A_215 = arith.constant 0 : i32
    %dma_start3A_216 = arith.constant 0 : i32
    %dma_start3A_217 = tpu.memref_slice %dma_start3A_214[%dma_start3A_215, %dma_start3A_216] : memref<10240x64xf32, #tpu.memory_space<hbm>> -> memref<10240x64xf32, #tpu.memory_space<hbm>>
    tpu.enqueue_indirect_dma source(%dma_start3A_217 : memref<10240x64xf32, #tpu.memory_space<hbm>>) target(%arg15 : memref<128x64xf32, #tpu.memory_space<vmem>>) offsets(%dma_start3A_210 : memref<128xi32, #tpu.memory_space<vmem>>) semaphore(%arg23 : memref<!tpu.dma_semaphore, #tpu.memory_space<semaphore_mem>>)
    %scan3A_218 = arith.constant 0 : i32
    %scan3A_219 = arith.constant 0 : i32
    %scan3A_220 = arith.constant 20 : i32
    %scan3A_221 = arith.addi %scan3A_219, %scan3A_220 : i32
    %scan3A_222 = arith.constant 1 : i32
    %scan3A_223 = scf.for %scan3A_293 = %scan3A_219 to %scan3A_221 step %scan3A_222 iter_args(%scan3A_294 = %scan3A_218) -> (i32)  : i32 {
      %mul3A_295 = arith.constant 4 : i32
      %mul3A_296 = arith.muli %scan3A_293, %mul3A_295 : i32
      %add3A = arith.constant 0 : i32
      %add3A_297 = arith.addi %mul3A_296, %add3A : i32
      %dma_wait3A = arith.constant 0 : i32
      %dma_wait3A_298 = arith.constant 0 : i32
      %dma_wait3A_299 = tpu.memref_slice %arg10[%dma_wait3A, %dma_wait3A_298] : memref<80x128xi32, #tpu.memory_space<vmem>> -> memref<1x128xi32, #tpu.memory_space<vmem>>
      %dma_wait3A_300 = tpu.memref_squeeze %dma_wait3A_299 : memref<1x128xi32, #tpu.memory_space<vmem>> -> memref<128xi32, #tpu.memory_space<vmem>>
      %dma_wait3A_301 = arith.constant 0 : i32
      %dma_wait3A_302 = arith.constant 0 : i32
      %dma_wait3A_303 = tpu.memref_slice %arg9[%arg0, %dma_wait3A_301, %dma_wait3A_302] : memref<2x10240x64xf32, #tpu.memory_space<hbm>> -> memref<1x10240x64xf32, #tpu.memory_space<hbm>>
      %dma_wait3A_304 = tpu.memref_squeeze %dma_wait3A_303 : memref<1x10240x64xf32, #tpu.memory_space<hbm>> -> memref<10240x64xf32, #tpu.memory_space<hbm>>
      %dma_wait3A_305 = arith.constant 0 : i32
      %dma_wait3A_306 = arith.constant 0 : i32
      %dma_wait3A_307 = tpu.memref_slice %dma_wait3A_304[%dma_wait3A_305, %dma_wait3A_306] : memref<10240x64xf32, #tpu.memory_space<hbm>> -> memref<10240x64xf32, #tpu.memory_space<hbm>>
      tpu.wait_indirect_dma semaphore(%arg23 : memref<!tpu.dma_semaphore, #tpu.memory_space<semaphore_mem>>) src(%dma_wait3A_307 : memref<10240x64xf32, #tpu.memory_space<hbm>>) dst(%arg12 : memref<128x64xf32, #tpu.memory_space<vmem>>)
      "tpu.region"() ({
        %run_scoped3A = tpu.sem_alloc : memref<!tpu.dma_semaphore, #tpu.memory_space<semaphore_mem>>
        %dma_start3A_379 = arith.constant 0 : i32
        %dma_start3A_380 = tpu.memref_slice %arg11[%add3A_297, %dma_start3A_379] : memref<80x128xi32, #tpu.memory_space<vmem>> -> memref<1x128xi32, #tpu.memory_space<vmem>>
        %dma_start3A_381 = tpu.memref_squeeze %dma_start3A_380 : memref<1x128xi32, #tpu.memory_space<vmem>> -> memref<128xi32, #tpu.memory_space<vmem>>
        %dma_start3A_382 = arith.constant 0 : i32
        %dma_start3A_383 = arith.constant 0 : i32
        %dma_start3A_384 = tpu.memref_slice %arg22[%dma_start3A_382, %dma_start3A_383] : memref<10240x64xf32, #tpu.memory_space<vmem_shared>> -> memref<10240x64xf32, #tpu.memory_space<vmem_shared>>
        tpu.enqueue_indirect_dma source(%arg12 : memref<128x64xf32, #tpu.memory_space<vmem>>) target(%dma_start3A_384 : memref<10240x64xf32, #tpu.memory_space<vmem_shared>>) offsets(%dma_start3A_381 : memref<128xi32, #tpu.memory_space<vmem>>) semaphore(%run_scoped3A : memref<!tpu.dma_semaphore, #tpu.memory_space<semaphore_mem>>) {add = true}
        %dma_wait3A_385 = arith.constant 0 : i32
        %dma_wait3A_386 = tpu.memref_slice %arg11[%add3A_297, %dma_wait3A_385] : memref<80x128xi32, #tpu.memory_space<vmem>> -> memref<1x128xi32, #tpu.memory_space<vmem>>
        %dma_wait3A_387 = tpu.memref_squeeze %dma_wait3A_386 : memref<1x128xi32, #tpu.memory_space<vmem>> -> memref<128xi32, #tpu.memory_space<vmem>>
        %dma_wait3A_388 = arith.constant 0 : i32
        %dma_wait3A_389 = arith.constant 0 : i32
        %dma_wait3A_390 = tpu.memref_slice %arg22[%dma_wait3A_388, %dma_wait3A_389] : memref<10240x64xf32, #tpu.memory_space<vmem_shared>> -> memref<10240x64xf32, #tpu.memory_space<vmem_shared>>
        tpu.wait_indirect_dma semaphore(%run_scoped3A : memref<!tpu.dma_semaphore, #tpu.memory_space<semaphore_mem>>) src(%arg12 : memref<128x64xf32, #tpu.memory_space<vmem>>) dst(%dma_wait3A_390 : memref<10240x64xf32, #tpu.memory_space<vmem_shared>>)
        tpu.yield
      }) : () -> ()
      %add3A_308 = arith.constant 4 : i32
      %add3A_309 = arith.addi %add3A_297, %add3A_308 : i32
      %lt3A = arith.constant 80 : i32
      %lt3A_310 = arith.cmpi slt, %add3A_309, %lt3A : i32
      %convert_element_type3A = arith.extui %lt3A_310 : i1 to i32
      %cond3A = arith.constant 0 : i32
      %cond3A_311 = arith.cmpi ne, %convert_element_type3A, %cond3A : i32
      scf.if %cond3A_311 {
        %add3A_379 = arith.constant 4 : i32
        %add3A_380 = arith.addi %add3A_297, %add3A_379 : i32
        %dma_start3A_381 = arith.constant 0 : i32
        %dma_start3A_382 = tpu.memref_slice %arg10[%add3A_380, %dma_start3A_381] : memref<80x128xi32, #tpu.memory_space<vmem>> -> memref<1x128xi32, #tpu.memory_space<vmem>>
        %dma_start3A_383 = tpu.memref_squeeze %dma_start3A_382 : memref<1x128xi32, #tpu.memory_space<vmem>> -> memref<128xi32, #tpu.memory_space<vmem>>
        %dma_start3A_384 = arith.constant 0 : i32
        %dma_start3A_385 = arith.constant 0 : i32
        %dma_start3A_386 = tpu.memref_slice %arg9[%arg0, %dma_start3A_384, %dma_start3A_385] : memref<2x10240x64xf32, #tpu.memory_space<hbm>> -> memref<1x10240x64xf32, #tpu.memory_space<hbm>>
        %dma_start3A_387 = tpu.memref_squeeze %dma_start3A_386 : memref<1x10240x64xf32, #tpu.memory_space<hbm>> -> memref<10240x64xf32, #tpu.memory_space<hbm>>
        %dma_start3A_388 = arith.constant 0 : i32
        %dma_start3A_389 = arith.constant 0 : i32
        %dma_start3A_390 = tpu.memref_slice %dma_start3A_387[%dma_start3A_388, %dma_start3A_389] : memref<10240x64xf32, #tpu.memory_space<hbm>> -> memref<10240x64xf32, #tpu.memory_space<hbm>>
        tpu.enqueue_indirect_dma source(%dma_start3A_390 : memref<10240x64xf32, #tpu.memory_space<hbm>>) target(%arg12 : memref<128x64xf32, #tpu.memory_space<vmem>>) offsets(%dma_start3A_383 : memref<128xi32, #tpu.memory_space<vmem>>) semaphore(%arg23 : memref<!tpu.dma_semaphore, #tpu.memory_space<semaphore_mem>>)
      } else {
      }
      %mul3A_312 = arith.constant 4 : i32
      %mul3A_313 = arith.muli %scan3A_293, %mul3A_312 : i32
      %add3A_314 = arith.constant 1 : i32
      %add3A_315 = arith.addi %mul3A_313, %add3A_314 : i32
      %dma_wait3A_316 = arith.constant 0 : i32
      %dma_wait3A_317 = arith.constant 0 : i32
      %dma_wait3A_318 = tpu.memref_slice %arg10[%dma_wait3A_316, %dma_wait3A_317] : memref<80x128xi32, #tpu.memory_space<vmem>> -> memref<1x128xi32, #tpu.memory_space<vmem>>
      %dma_wait3A_319 = tpu.memref_squeeze %dma_wait3A_318 : memref<1x128xi32, #tpu.memory_space<vmem>> -> memref<128xi32, #tpu.memory_space<vmem>>
      %dma_wait3A_320 = arith.constant 0 : i32
      %dma_wait3A_321 = arith.constant 0 : i32
      %dma_wait3A_322 = tpu.memref_slice %arg9[%arg0, %dma_wait3A_320, %dma_wait3A_321] : memref<2x10240x64xf32, #tpu.memory_space<hbm>> -> memref<1x10240x64xf32, #tpu.memory_space<hbm>>
      %dma_wait3A_323 = tpu.memref_squeeze %dma_wait3A_322 : memref<1x10240x64xf32, #tpu.memory_space<hbm>> -> memref<10240x64xf32, #tpu.memory_space<hbm>>
      %dma_wait3A_324 = arith.constant 0 : i32
      %dma_wait3A_325 = arith.constant 0 : i32
      %dma_wait3A_326 = tpu.memref_slice %dma_wait3A_323[%dma_wait3A_324, %dma_wait3A_325] : memref<10240x64xf32, #tpu.memory_space<hbm>> -> memref<10240x64xf32, #tpu.memory_space<hbm>>
      tpu.wait_indirect_dma semaphore(%arg23 : memref<!tpu.dma_semaphore, #tpu.memory_space<semaphore_mem>>) src(%dma_wait3A_326 : memref<10240x64xf32, #tpu.memory_space<hbm>>) dst(%arg13 : memref<128x64xf32, #tpu.memory_space<vmem>>)
      "tpu.region"() ({
        %run_scoped3A = tpu.sem_alloc : memref<!tpu.dma_semaphore, #tpu.memory_space<semaphore_mem>>
        %dma_start3A_379 = arith.constant 0 : i32
        %dma_start3A_380 = tpu.memref_slice %arg11[%add3A_315, %dma_start3A_379] : memref<80x128xi32, #tpu.memory_space<vmem>> -> memref<1x128xi32, #tpu.memory_space<vmem>>
        %dma_start3A_381 = tpu.memref_squeeze %dma_start3A_380 : memref<1x128xi32, #tpu.memory_space<vmem>> -> memref<128xi32, #tpu.memory_space<vmem>>
        %dma_start3A_382 = arith.constant 0 : i32
        %dma_start3A_383 = arith.constant 0 : i32
        %dma_start3A_384 = tpu.memref_slice %arg22[%dma_start3A_382, %dma_start3A_383] : memref<10240x64xf32, #tpu.memory_space<vmem_shared>> -> memref<10240x64xf32, #tpu.memory_space<vmem_shared>>
        tpu.enqueue_indirect_dma source(%arg13 : memref<128x64xf32, #tpu.memory_space<vmem>>) target(%dma_start3A_384 : memref<10240x64xf32, #tpu.memory_space<vmem_shared>>) offsets(%dma_start3A_381 : memref<128xi32, #tpu.memory_space<vmem>>) semaphore(%run_scoped3A : memref<!tpu.dma_semaphore, #tpu.memory_space<semaphore_mem>>) {add = true}
        %dma_wait3A_385 = arith.constant 0 : i32
        %dma_wait3A_386 = tpu.memref_slice %arg11[%add3A_315, %dma_wait3A_385] : memref<80x128xi32, #tpu.memory_space<vmem>> -> memref<1x128xi32, #tpu.memory_space<vmem>>
        %dma_wait3A_387 = tpu.memref_squeeze %dma_wait3A_386 : memref<1x128xi32, #tpu.memory_space<vmem>> -> memref<128xi32, #tpu.memory_space<vmem>>
        %dma_wait3A_388 = arith.constant 0 : i32
        %dma_wait3A_389 = arith.constant 0 : i32
        %dma_wait3A_390 = tpu.memref_slice %arg22[%dma_wait3A_388, %dma_wait3A_389] : memref<10240x64xf32, #tpu.memory_space<vmem_shared>> -> memref<10240x64xf32, #tpu.memory_space<vmem_shared>>
        tpu.wait_indirect_dma semaphore(%run_scoped3A : memref<!tpu.dma_semaphore, #tpu.memory_space<semaphore_mem>>) src(%arg13 : memref<128x64xf32, #tpu.memory_space<vmem>>) dst(%dma_wait3A_390 : memref<10240x64xf32, #tpu.memory_space<vmem_shared>>)
        tpu.yield
      }) : () -> ()
      %add3A_327 = arith.constant 4 : i32
      %add3A_328 = arith.addi %add3A_315, %add3A_327 : i32
      %lt3A_329 = arith.constant 80 : i32
      %lt3A_330 = arith.cmpi slt, %add3A_328, %lt3A_329 : i32
      %convert_element_type3A_331 = arith.extui %lt3A_330 : i1 to i32
      %cond3A_332 = arith.constant 0 : i32
      %cond3A_333 = arith.cmpi ne, %convert_element_type3A_331, %cond3A_332 : i32
      scf.if %cond3A_333 {
        %add3A_379 = arith.constant 4 : i32
        %add3A_380 = arith.addi %add3A_315, %add3A_379 : i32
        %dma_start3A_381 = arith.constant 0 : i32
        %dma_start3A_382 = tpu.memref_slice %arg10[%add3A_380, %dma_start3A_381] : memref<80x128xi32, #tpu.memory_space<vmem>> -> memref<1x128xi32, #tpu.memory_space<vmem>>
        %dma_start3A_383 = tpu.memref_squeeze %dma_start3A_382 : memref<1x128xi32, #tpu.memory_space<vmem>> -> memref<128xi32, #tpu.memory_space<vmem>>
        %dma_start3A_384 = arith.constant 0 : i32
        %dma_start3A_385 = arith.constant 0 : i32
        %dma_start3A_386 = tpu.memref_slice %arg9[%arg0, %dma_start3A_384, %dma_start3A_385] : memref<2x10240x64xf32, #tpu.memory_space<hbm>> -> memref<1x10240x64xf32, #tpu.memory_space<hbm>>
        %dma_start3A_387 = tpu.memref_squeeze %dma_start3A_386 : memref<1x10240x64xf32, #tpu.memory_space<hbm>> -> memref<10240x64xf32, #tpu.memory_space<hbm>>
        %dma_start3A_388 = arith.constant 0 : i32
        %dma_start3A_389 = arith.constant 0 : i32
        %dma_start3A_390 = tpu.memref_slice %dma_start3A_387[%dma_start3A_388, %dma_start3A_389] : memref<10240x64xf32, #tpu.memory_space<hbm>> -> memref<10240x64xf32, #tpu.memory_space<hbm>>
        tpu.enqueue_indirect_dma source(%dma_start3A_390 : memref<10240x64xf32, #tpu.memory_space<hbm>>) target(%arg13 : memref<128x64xf32, #tpu.memory_space<vmem>>) offsets(%dma_start3A_383 : memref<128xi32, #tpu.memory_space<vmem>>) semaphore(%arg23 : memref<!tpu.dma_semaphore, #tpu.memory_space<semaphore_mem>>)
      } else {
      }
      %mul3A_334 = arith.constant 4 : i32
      %mul3A_335 = arith.muli %scan3A_293, %mul3A_334 : i32
      %add3A_336 = arith.constant 2 : i32
      %add3A_337 = arith.addi %mul3A_335, %add3A_336 : i32
      %dma_wait3A_338 = arith.constant 0 : i32
      %dma_wait3A_339 = arith.constant 0 : i32
      %dma_wait3A_340 = tpu.memref_slice %arg10[%dma_wait3A_338, %dma_wait3A_339] : memref<80x128xi32, #tpu.memory_space<vmem>> -> memref<1x128xi32, #tpu.memory_space<vmem>>
      %dma_wait3A_341 = tpu.memref_squeeze %dma_wait3A_340 : memref<1x128xi32, #tpu.memory_space<vmem>> -> memref<128xi32, #tpu.memory_space<vmem>>
      %dma_wait3A_342 = arith.constant 0 : i32
      %dma_wait3A_343 = arith.constant 0 : i32
      %dma_wait3A_344 = tpu.memref_slice %arg9[%arg0, %dma_wait3A_342, %dma_wait3A_343] : memref<2x10240x64xf32, #tpu.memory_space<hbm>> -> memref<1x10240x64xf32, #tpu.memory_space<hbm>>
      %dma_wait3A_345 = tpu.memref_squeeze %dma_wait3A_344 : memref<1x10240x64xf32, #tpu.memory_space<hbm>> -> memref<10240x64xf32, #tpu.memory_space<hbm>>
      %dma_wait3A_346 = arith.constant 0 : i32
      %dma_wait3A_347 = arith.constant 0 : i32
      %dma_wait3A_348 = tpu.memref_slice %dma_wait3A_345[%dma_wait3A_346, %dma_wait3A_347] : memref<10240x64xf32, #tpu.memory_space<hbm>> -> memref<10240x64xf32, #tpu.memory_space<hbm>>
      tpu.wait_indirect_dma semaphore(%arg23 : memref<!tpu.dma_semaphore, #tpu.memory_space<semaphore_mem>>) src(%dma_wait3A_348 : memref<10240x64xf32, #tpu.memory_space<hbm>>) dst(%arg14 : memref<128x64xf32, #tpu.memory_space<vmem>>)
      "tpu.region"() ({
        %run_scoped3A = tpu.sem_alloc : memref<!tpu.dma_semaphore, #tpu.memory_space<semaphore_mem>>
        %dma_start3A_379 = arith.constant 0 : i32
        %dma_start3A_380 = tpu.memref_slice %arg11[%add3A_337, %dma_start3A_379] : memref<80x128xi32, #tpu.memory_space<vmem>> -> memref<1x128xi32, #tpu.memory_space<vmem>>
        %dma_start3A_381 = tpu.memref_squeeze %dma_start3A_380 : memref<1x128xi32, #tpu.memory_space<vmem>> -> memref<128xi32, #tpu.memory_space<vmem>>
        %dma_start3A_382 = arith.constant 0 : i32
        %dma_start3A_383 = arith.constant 0 : i32
        %dma_start3A_384 = tpu.memref_slice %arg22[%dma_start3A_382, %dma_start3A_383] : memref<10240x64xf32, #tpu.memory_space<vmem_shared>> -> memref<10240x64xf32, #tpu.memory_space<vmem_shared>>
        tpu.enqueue_indirect_dma source(%arg14 : memref<128x64xf32, #tpu.memory_space<vmem>>) target(%dma_start3A_384 : memref<10240x64xf32, #tpu.memory_space<vmem_shared>>) offsets(%dma_start3A_381 : memref<128xi32, #tpu.memory_space<vmem>>) semaphore(%run_scoped3A : memref<!tpu.dma_semaphore, #tpu.memory_space<semaphore_mem>>) {add = true}
        %dma_wait3A_385 = arith.constant 0 : i32
        %dma_wait3A_386 = tpu.memref_slice %arg11[%add3A_337, %dma_wait3A_385] : memref<80x128xi32, #tpu.memory_space<vmem>> -> memref<1x128xi32, #tpu.memory_space<vmem>>
        %dma_wait3A_387 = tpu.memref_squeeze %dma_wait3A_386 : memref<1x128xi32, #tpu.memory_space<vmem>> -> memref<128xi32, #tpu.memory_space<vmem>>
        %dma_wait3A_388 = arith.constant 0 : i32
        %dma_wait3A_389 = arith.constant 0 : i32
        %dma_wait3A_390 = tpu.memref_slice %arg22[%dma_wait3A_388, %dma_wait3A_389] : memref<10240x64xf32, #tpu.memory_space<vmem_shared>> -> memref<10240x64xf32, #tpu.memory_space<vmem_shared>>
        tpu.wait_indirect_dma semaphore(%run_scoped3A : memref<!tpu.dma_semaphore, #tpu.memory_space<semaphore_mem>>) src(%arg14 : memref<128x64xf32, #tpu.memory_space<vmem>>) dst(%dma_wait3A_390 : memref<10240x64xf32, #tpu.memory_space<vmem_shared>>)
        tpu.yield
      }) : () -> ()
      %add3A_349 = arith.constant 4 : i32
      %add3A_350 = arith.addi %add3A_337, %add3A_349 : i32
      %lt3A_351 = arith.constant 80 : i32
      %lt3A_352 = arith.cmpi slt, %add3A_350, %lt3A_351 : i32
      %convert_element_type3A_353 = arith.extui %lt3A_352 : i1 to i32
      %cond3A_354 = arith.constant 0 : i32
      %cond3A_355 = arith.cmpi ne, %convert_element_type3A_353, %cond3A_354 : i32
      scf.if %cond3A_355 {
        %add3A_379 = arith.constant 4 : i32
        %add3A_380 = arith.addi %add3A_337, %add3A_379 : i32
        %dma_start3A_381 = arith.constant 0 : i32
        %dma_start3A_382 = tpu.memref_slice %arg10[%add3A_380, %dma_start3A_381] : memref<80x128xi32, #tpu.memory_space<vmem>> -> memref<1x128xi32, #tpu.memory_space<vmem>>
        %dma_start3A_383 = tpu.memref_squeeze %dma_start3A_382 : memref<1x128xi32, #tpu.memory_space<vmem>> -> memref<128xi32, #tpu.memory_space<vmem>>
        %dma_start3A_384 = arith.constant 0 : i32
        %dma_start3A_385 = arith.constant 0 : i32
        %dma_start3A_386 = tpu.memref_slice %arg9[%arg0, %dma_start3A_384, %dma_start3A_385] : memref<2x10240x64xf32, #tpu.memory_space<hbm>> -> memref<1x10240x64xf32, #tpu.memory_space<hbm>>
        %dma_start3A_387 = tpu.memref_squeeze %dma_start3A_386 : memref<1x10240x64xf32, #tpu.memory_space<hbm>> -> memref<10240x64xf32, #tpu.memory_space<hbm>>
        %dma_start3A_388 = arith.constant 0 : i32
        %dma_start3A_389 = arith.constant 0 : i32
        %dma_start3A_390 = tpu.memref_slice %dma_start3A_387[%dma_start3A_388, %dma_start3A_389] : memref<10240x64xf32, #tpu.memory_space<hbm>> -> memref<10240x64xf32, #tpu.memory_space<hbm>>
        tpu.enqueue_indirect_dma source(%dma_start3A_390 : memref<10240x64xf32, #tpu.memory_space<hbm>>) target(%arg14 : memref<128x64xf32, #tpu.memory_space<vmem>>) offsets(%dma_start3A_383 : memref<128xi32, #tpu.memory_space<vmem>>) semaphore(%arg23 : memref<!tpu.dma_semaphore, #tpu.memory_space<semaphore_mem>>)
      } else {
      }
      %mul3A_356 = arith.constant 4 : i32
      %mul3A_357 = arith.muli %scan3A_293, %mul3A_356 : i32
      %add3A_358 = arith.constant 3 : i32
      %add3A_359 = arith.addi %mul3A_357, %add3A_358 : i32
      %dma_wait3A_360 = arith.constant 0 : i32
      %dma_wait3A_361 = arith.constant 0 : i32
      %dma_wait3A_362 = tpu.memref_slice %arg10[%dma_wait3A_360, %dma_wait3A_361] : memref<80x128xi32, #tpu.memory_space<vmem>> -> memref<1x128xi32, #tpu.memory_space<vmem>>
      %dma_wait3A_363 = tpu.memref_squeeze %dma_wait3A_362 : memref<1x128xi32, #tpu.memory_space<vmem>> -> memref<128xi32, #tpu.memory_space<vmem>>
      %dma_wait3A_364 = arith.constant 0 : i32
      %dma_wait3A_365 = arith.constant 0 : i32
      %dma_wait3A_366 = tpu.memref_slice %arg9[%arg0, %dma_wait3A_364, %dma_wait3A_365] : memref<2x10240x64xf32, #tpu.memory_space<hbm>> -> memref<1x10240x64xf32, #tpu.memory_space<hbm>>
      %dma_wait3A_367 = tpu.memref_squeeze %dma_wait3A_366 : memref<1x10240x64xf32, #tpu.memory_space<hbm>> -> memref<10240x64xf32, #tpu.memory_space<hbm>>
      %dma_wait3A_368 = arith.constant 0 : i32
      %dma_wait3A_369 = arith.constant 0 : i32
      %dma_wait3A_370 = tpu.memref_slice %dma_wait3A_367[%dma_wait3A_368, %dma_wait3A_369] : memref<10240x64xf32, #tpu.memory_space<hbm>> -> memref<10240x64xf32, #tpu.memory_space<hbm>>
      tpu.wait_indirect_dma semaphore(%arg23 : memref<!tpu.dma_semaphore, #tpu.memory_space<semaphore_mem>>) src(%dma_wait3A_370 : memref<10240x64xf32, #tpu.memory_space<hbm>>) dst(%arg15 : memref<128x64xf32, #tpu.memory_space<vmem>>)
      "tpu.region"() ({
        %run_scoped3A = tpu.sem_alloc : memref<!tpu.dma_semaphore, #tpu.memory_space<semaphore_mem>>
        %dma_start3A_379 = arith.constant 0 : i32
        %dma_start3A_380 = tpu.memref_slice %arg11[%add3A_359, %dma_start3A_379] : memref<80x128xi32, #tpu.memory_space<vmem>> -> memref<1x128xi32, #tpu.memory_space<vmem>>
        %dma_start3A_381 = tpu.memref_squeeze %dma_start3A_380 : memref<1x128xi32, #tpu.memory_space<vmem>> -> memref<128xi32, #tpu.memory_space<vmem>>
        %dma_start3A_382 = arith.constant 0 : i32
        %dma_start3A_383 = arith.constant 0 : i32
        %dma_start3A_384 = tpu.memref_slice %arg22[%dma_start3A_382, %dma_start3A_383] : memref<10240x64xf32, #tpu.memory_space<vmem_shared>> -> memref<10240x64xf32, #tpu.memory_space<vmem_shared>>
        tpu.enqueue_indirect_dma source(%arg15 : memref<128x64xf32, #tpu.memory_space<vmem>>) target(%dma_start3A_384 : memref<10240x64xf32, #tpu.memory_space<vmem_shared>>) offsets(%dma_start3A_381 : memref<128xi32, #tpu.memory_space<vmem>>) semaphore(%run_scoped3A : memref<!tpu.dma_semaphore, #tpu.memory_space<semaphore_mem>>) {add = true}
        %dma_wait3A_385 = arith.constant 0 : i32
        %dma_wait3A_386 = tpu.memref_slice %arg11[%add3A_359, %dma_wait3A_385] : memref<80x128xi32, #tpu.memory_space<vmem>> -> memref<1x128xi32, #tpu.memory_space<vmem>>
        %dma_wait3A_387 = tpu.memref_squeeze %dma_wait3A_386 : memref<1x128xi32, #tpu.memory_space<vmem>> -> memref<128xi32, #tpu.memory_space<vmem>>
        %dma_wait3A_388 = arith.constant 0 : i32
        %dma_wait3A_389 = arith.constant 0 : i32
        %dma_wait3A_390 = tpu.memref_slice %arg22[%dma_wait3A_388, %dma_wait3A_389] : memref<10240x64xf32, #tpu.memory_space<vmem_shared>> -> memref<10240x64xf32, #tpu.memory_space<vmem_shared>>
        tpu.wait_indirect_dma semaphore(%run_scoped3A : memref<!tpu.dma_semaphore, #tpu.memory_space<semaphore_mem>>) src(%arg15 : memref<128x64xf32, #tpu.memory_space<vmem>>) dst(%dma_wait3A_390 : memref<10240x64xf32, #tpu.memory_space<vmem_shared>>)
        tpu.yield
      }) : () -> ()
      %add3A_371 = arith.constant 4 : i32
      %add3A_372 = arith.addi %add3A_359, %add3A_371 : i32
      %lt3A_373 = arith.constant 80 : i32
      %lt3A_374 = arith.cmpi slt, %add3A_372, %lt3A_373 : i32
      %convert_element_type3A_375 = arith.extui %lt3A_374 : i1 to i32
      %cond3A_376 = arith.constant 0 : i32
      %cond3A_377 = arith.cmpi ne, %convert_element_type3A_375, %cond3A_376 : i32
      scf.if %cond3A_377 {
        %add3A_379 = arith.constant 4 : i32
        %add3A_380 = arith.addi %add3A_359, %add3A_379 : i32
        %dma_start3A_381 = arith.constant 0 : i32
        %dma_start3A_382 = tpu.memref_slice %arg10[%add3A_380, %dma_start3A_381] : memref<80x128xi32, #tpu.memory_space<vmem>> -> memref<1x128xi32, #tpu.memory_space<vmem>>
        %dma_start3A_383 = tpu.memref_squeeze %dma_start3A_382 : memref<1x128xi32, #tpu.memory_space<vmem>> -> memref<128xi32, #tpu.memory_space<vmem>>
        %dma_start3A_384 = arith.constant 0 : i32
        %dma_start3A_385 = arith.constant 0 : i32
        %dma_start3A_386 = tpu.memref_slice %arg9[%arg0, %dma_start3A_384, %dma_start3A_385] : memref<2x10240x64xf32, #tpu.memory_space<hbm>> -> memref<1x10240x64xf32, #tpu.memory_space<hbm>>
        %dma_start3A_387 = tpu.memref_squeeze %dma_start3A_386 : memref<1x10240x64xf32, #tpu.memory_space<hbm>> -> memref<10240x64xf32, #tpu.memory_space<hbm>>
        %dma_start3A_388 = arith.constant 0 : i32
        %dma_start3A_389 = arith.constant 0 : i32
        %dma_start3A_390 = tpu.memref_slice %dma_start3A_387[%dma_start3A_388, %dma_start3A_389] : memref<10240x64xf32, #tpu.memory_space<hbm>> -> memref<10240x64xf32, #tpu.memory_space<hbm>>
        tpu.enqueue_indirect_dma source(%dma_start3A_390 : memref<10240x64xf32, #tpu.memory_space<hbm>>) target(%arg15 : memref<128x64xf32, #tpu.memory_space<vmem>>) offsets(%dma_start3A_383 : memref<128xi32, #tpu.memory_space<vmem>>) semaphore(%arg23 : memref<!tpu.dma_semaphore, #tpu.memory_space<semaphore_mem>>)
      } else {
      }
      %scan3A_378 = arith.constant 0 : i32
      scf.yield %scan3A_378 : i32
    }
    %scan3A_224 = arith.constant 20 : i32
    %barrier3A_225 = arith.constant 0 : index
    tpu.barrier barrier_id(%barrier3A_225)
    %scan3A_226 = arith.constant 0 : i32
    %scan3A_227 = arith.constant 0 : i32
    %scan3A_228 = arith.constant 10 : i32
    %scan3A_229 = arith.addi %scan3A_227, %scan3A_228 : i32
    %scan3A_230 = arith.constant 1 : i32
    %scan3A_231 = scf.for %scan3A_293 = %scan3A_227 to %scan3A_229 step %scan3A_230 iter_args(%scan3A_294 = %scan3A_226) -> (i32)  : i32 {
      %mul3A_295 = arith.constant 64 : i32
      %mul3A_296 = arith.muli %scan3A_293, %mul3A_295 : i32
      %add3A = arith.addi %mul3A_0, %mul3A_296 : i32
      "tpu.region"() ({
        %run_scoped3A = tpu.sem_alloc : memref<!tpu.dma_semaphore, #tpu.memory_space<semaphore_mem>>
        %dma_start3A_305 = arith.constant 0 : i32
        %dma_start3A_306 = tpu.memref_slice %arg22[%add3A, %dma_start3A_305] : memref<10240x64xf32, #tpu.memory_space<vmem_shared>> -> memref<64x64xf32, #tpu.memory_space<vmem_shared>>
        %dma_start3A_307 = arith.constant 0 : i32
        %dma_start3A_308 = tpu.memref_slice %arg22[%add3A, %dma_start3A_307] : memref<10240x64xf32, #tpu.memory_space<vmem_shared>> -> memref<64x64xf32, #tpu.memory_space<vmem_shared>>
        tpu.enqueue_dma source(%dma_start3A_308 : memref<64x64xf32, #tpu.memory_space<vmem_shared>>) target(%arg16 : memref<64x64xf32, #tpu.memory_space<vmem>>) target_semaphore(%run_scoped3A : memref<!tpu.dma_semaphore, #tpu.memory_space<semaphore_mem>>)
        %dma_wait3A = arith.constant 0 : i32
        %dma_wait3A_309 = tpu.memref_slice %arg22[%add3A, %dma_wait3A] : memref<10240x64xf32, #tpu.memory_space<vmem_shared>> -> memref<64x64xf32, #tpu.memory_space<vmem_shared>>
        %dma_wait3A_310 = arith.constant 0 : i32
        %dma_wait3A_311 = tpu.memref_slice %arg22[%add3A, %dma_wait3A_310] : memref<10240x64xf32, #tpu.memory_space<vmem_shared>> -> memref<64x64xf32, #tpu.memory_space<vmem_shared>>
        tpu.wait_dma2 semaphore(%run_scoped3A : memref<!tpu.dma_semaphore, #tpu.memory_space<semaphore_mem>>) src(%dma_wait3A_311 : memref<64x64xf32, #tpu.memory_space<vmem_shared>>) dst(%arg16 : memref<64x64xf32, #tpu.memory_space<vmem>>)
        tpu.yield
      }) : () -> ()
      %scan3A_297 = arith.constant 0 : i32
      %scan3A_298 = arith.constant 0 : i32
      %scan3A_299 = arith.constant 64 : i32
      %scan3A_300 = arith.addi %scan3A_298, %scan3A_299 : i32
      %scan3A_301 = arith.constant 1 : i32
      %scan3A_302 = scf.for %scan3A_305 = %scan3A_298 to %scan3A_300 step %scan3A_301 iter_args(%scan3A_306 = %scan3A_297) -> (i32)  : i32 {
        %mul3A_307 = arith.constant 64 : i32
        %mul3A_308 = arith.muli %scan3A_293, %mul3A_307 : i32
        %add3A_309 = arith.addi %mul3A_308, %scan3A_305 : i32
        %broadcast_in_dim3A = vector.broadcast %add3A_309 : i32 to vector<16xi32>
        %gather3A = tpu.vector_load_idx %arg17[%broadcast_in_dim3A] : memref<640xf32, #tpu.memory_space<vmem>>[vector<16xi32>], vector<16xf32>,
        %get3A = arith.index_cast %scan3A_305 : i32 to index
        %get3A_310 = arith.constant 0 : index
        %get3A_311 = tpu.vector_load %arg16[%get3A, %get3A_310] {strides = array<i32>} : memref<64x64xf32, #tpu.memory_space<vmem>>, vector<16xf32>,
        %mul3A_312 = arith.mulf %get3A_311, %gather3A : vector<16xf32>
        %swap3A = arith.index_cast %scan3A_305 : i32 to index
        %swap3A_313 = arith.constant 0 : index
        %swap3A_314 = tpu.vector_load %arg16[%swap3A, %swap3A_313] {strides = array<i32>} : memref<64x64xf32, #tpu.memory_space<vmem>>, vector<16xf32>,
        tpu.vector_store %arg16[%swap3A, %swap3A_313], %mul3A_312 {strides = array<i32>} : memref<64x64xf32, #tpu.memory_space<vmem>>, vector<16xf32>,
        %get3A_315 = arith.index_cast %scan3A_305 : i32 to index
        %get3A_316 = arith.constant 16 : index
        %get3A_317 = tpu.vector_load %arg16[%get3A_315, %get3A_316] {strides = array<i32>} : memref<64x64xf32, #tpu.memory_space<vmem>>, vector<16xf32>,
        %mul3A_318 = arith.mulf %get3A_317, %gather3A : vector<16xf32>
        %swap3A_319 = arith.index_cast %scan3A_305 : i32 to index
        %swap3A_320 = arith.constant 16 : index
        %swap3A_321 = tpu.vector_load %arg16[%swap3A_319, %swap3A_320] {strides = array<i32>} : memref<64x64xf32, #tpu.memory_space<vmem>>, vector<16xf32>,
        tpu.vector_store %arg16[%swap3A_319, %swap3A_320], %mul3A_318 {strides = array<i32>} : memref<64x64xf32, #tpu.memory_space<vmem>>, vector<16xf32>,
        %get3A_322 = arith.index_cast %scan3A_305 : i32 to index
        %get3A_323 = arith.constant 32 : index
        %get3A_324 = tpu.vector_load %arg16[%get3A_322, %get3A_323] {strides = array<i32>} : memref<64x64xf32, #tpu.memory_space<vmem>>, vector<16xf32>,
        %mul3A_325 = arith.mulf %get3A_324, %gather3A : vector<16xf32>
        %swap3A_326 = arith.index_cast %scan3A_305 : i32 to index
        %swap3A_327 = arith.constant 32 : index
        %swap3A_328 = tpu.vector_load %arg16[%swap3A_326, %swap3A_327] {strides = array<i32>} : memref<64x64xf32, #tpu.memory_space<vmem>>, vector<16xf32>,
        tpu.vector_store %arg16[%swap3A_326, %swap3A_327], %mul3A_325 {strides = array<i32>} : memref<64x64xf32, #tpu.memory_space<vmem>>, vector<16xf32>,
        %get3A_329 = arith.index_cast %scan3A_305 : i32 to index
        %get3A_330 = arith.constant 48 : index
        %get3A_331 = tpu.vector_load %arg16[%get3A_329, %get3A_330] {strides = array<i32>} : memref<64x64xf32, #tpu.memory_space<vmem>>, vector<16xf32>,
        %mul3A_332 = arith.mulf %get3A_331, %gather3A : vector<16xf32>
        %swap3A_333 = arith.index_cast %scan3A_305 : i32 to index
        %swap3A_334 = arith.constant 48 : index
        %swap3A_335 = tpu.vector_load %arg16[%swap3A_333, %swap3A_334] {strides = array<i32>} : memref<64x64xf32, #tpu.memory_space<vmem>>, vector<16xf32>,
        tpu.vector_store %arg16[%swap3A_333, %swap3A_334], %mul3A_332 {strides = array<i32>} : memref<64x64xf32, #tpu.memory_space<vmem>>, vector<16xf32>,
        %scan3A_336 = arith.constant 0 : i32
        scf.yield %scan3A_336 : i32
      }
      %scan3A_303 = arith.constant 64 : i32
      "tpu.region"() ({
        %run_scoped3A = tpu.sem_alloc : memref<!tpu.dma_semaphore, #tpu.memory_space<semaphore_mem>>
        %dma_start3A_305 = arith.constant 0 : i32
        %dma_start3A_306 = arith.constant 0 : i32
        %dma_start3A_307 = tpu.memref_slice %arg9[%arg0, %dma_start3A_305, %dma_start3A_306] : memref<2x10240x64xf32, #tpu.memory_space<hbm>> -> memref<1x10240x64xf32, #tpu.memory_space<hbm>>
        %dma_start3A_308 = tpu.memref_squeeze %dma_start3A_307 : memref<1x10240x64xf32, #tpu.memory_space<hbm>> -> memref<10240x64xf32, #tpu.memory_space<hbm>>
        %dma_start3A_309 = arith.constant 0 : i32
        %dma_start3A_310 = tpu.memref_slice %dma_start3A_308[%add3A, %dma_start3A_309] : memref<10240x64xf32, #tpu.memory_space<hbm>> -> memref<64x64xf32, #tpu.memory_space<hbm>>
        %dma_start3A_311 = arith.constant 0 : i32
        %dma_start3A_312 = arith.constant 0 : i32
        %dma_start3A_313 = tpu.memref_slice %arg9[%arg0, %dma_start3A_311, %dma_start3A_312] : memref<2x10240x64xf32, #tpu.memory_space<hbm>> -> memref<1x10240x64xf32, #tpu.memory_space<hbm>>
        %dma_start3A_314 = tpu.memref_squeeze %dma_start3A_313 : memref<1x10240x64xf32, #tpu.memory_space<hbm>> -> memref<10240x64xf32, #tpu.memory_space<hbm>>
        %dma_start3A_315 = arith.constant 0 : i32
        %dma_start3A_316 = tpu.memref_slice %dma_start3A_314[%add3A, %dma_start3A_315] : memref<10240x64xf32, #tpu.memory_space<hbm>> -> memref<64x64xf32, #tpu.memory_space<hbm>>
        tpu.enqueue_dma source(%arg16 : memref<64x64xf32, #tpu.memory_space<vmem>>) target(%dma_start3A_316 : memref<64x64xf32, #tpu.memory_space<hbm>>) target_semaphore(%run_scoped3A : memref<!tpu.dma_semaphore, #tpu.memory_space<semaphore_mem>>)
        %dma_wait3A = arith.constant 0 : i32
        %dma_wait3A_317 = arith.constant 0 : i32
        %dma_wait3A_318 = tpu.memref_slice %arg9[%arg0, %dma_wait3A, %dma_wait3A_317] : memref<2x10240x64xf32, #tpu.memory_space<hbm>> -> memref<1x10240x64xf32, #tpu.memory_space<hbm>>
        %dma_wait3A_319 = tpu.memref_squeeze %dma_wait3A_318 : memref<1x10240x64xf32, #tpu.memory_space<hbm>> -> memref<10240x64xf32, #tpu.memory_space<hbm>>
        %dma_wait3A_320 = arith.constant 0 : i32
        %dma_wait3A_321 = tpu.memref_slice %dma_wait3A_319[%add3A, %dma_wait3A_320] : memref<10240x64xf32, #tpu.memory_space<hbm>> -> memref<64x64xf32, #tpu.memory_space<hbm>>
        %dma_wait3A_322 = arith.constant 0 : i32
        %dma_wait3A_323 = arith.constant 0 : i32
        %dma_wait3A_324 = tpu.memref_slice %arg9[%arg0, %dma_wait3A_322, %dma_wait3A_323] : memref<2x10240x64xf32, #tpu.memory_space<hbm>> -> memref<1x10240x64xf32, #tpu.memory_space<hbm>>
        %dma_wait3A_325 = tpu.memref_squeeze %dma_wait3A_324 : memref<1x10240x64xf32, #tpu.memory_space<hbm>> -> memref<10240x64xf32, #tpu.memory_space<hbm>>
        %dma_wait3A_326 = arith.constant 0 : i32
        %dma_wait3A_327 = tpu.memref_slice %dma_wait3A_325[%add3A, %dma_wait3A_326] : memref<10240x64xf32, #tpu.memory_space<hbm>> -> memref<64x64xf32, #tpu.memory_space<hbm>>
        tpu.wait_dma2 semaphore(%run_scoped3A : memref<!tpu.dma_semaphore, #tpu.memory_space<semaphore_mem>>) src(%arg16 : memref<64x64xf32, #tpu.memory_space<vmem>>) dst(%dma_wait3A_327 : memref<64x64xf32, #tpu.memory_space<hbm>>)
        tpu.yield
      }) : () -> ()
      "tpu.region"() ({
        %run_scoped3A = tpu.sem_alloc : memref<!tpu.dma_semaphore, #tpu.memory_space<semaphore_mem>>
        %dma_start3A_305 = arith.constant 0 : i32
        %dma_start3A_306 = tpu.memref_slice %arg22[%add3A, %dma_start3A_305] : memref<10240x64xf32, #tpu.memory_space<vmem_shared>> -> memref<64x64xf32, #tpu.memory_space<vmem_shared>>
        %dma_start3A_307 = arith.constant 0 : i32
        %dma_start3A_308 = tpu.memref_slice %arg22[%add3A, %dma_start3A_307] : memref<10240x64xf32, #tpu.memory_space<vmem_shared>> -> memref<64x64xf32, #tpu.memory_space<vmem_shared>>
        tpu.enqueue_dma source(%arg19 : memref<64x64xf32, #tpu.memory_space<vmem>>) target(%dma_start3A_308 : memref<64x64xf32, #tpu.memory_space<vmem_shared>>) target_semaphore(%run_scoped3A : memref<!tpu.dma_semaphore, #tpu.memory_space<semaphore_mem>>)
        %dma_wait3A = arith.constant 0 : i32
        %dma_wait3A_309 = tpu.memref_slice %arg22[%add3A, %dma_wait3A] : memref<10240x64xf32, #tpu.memory_space<vmem_shared>> -> memref<64x64xf32, #tpu.memory_space<vmem_shared>>
        %dma_wait3A_310 = arith.constant 0 : i32
        %dma_wait3A_311 = tpu.memref_slice %arg22[%add3A, %dma_wait3A_310] : memref<10240x64xf32, #tpu.memory_space<vmem_shared>> -> memref<64x64xf32, #tpu.memory_space<vmem_shared>>
        tpu.wait_dma2 semaphore(%run_scoped3A : memref<!tpu.dma_semaphore, #tpu.memory_space<semaphore_mem>>) src(%arg19 : memref<64x64xf32, #tpu.memory_space<vmem>>) dst(%dma_wait3A_311 : memref<64x64xf32, #tpu.memory_space<vmem_shared>>)
        tpu.yield
      }) : () -> ()
      %scan3A_304 = arith.constant 0 : i32
      scf.yield %scan3A_304 : i32
    }
    %scan3A_232 = arith.constant 10 : i32
    %barrier3A_233 = arith.constant 0 : index
    tpu.barrier barrier_id(%barrier3A_233)
    %dma_start3A_234 = arith.constant 0 : i32
    %dma_start3A_235 = arith.constant 0 : i32
    %dma_start3A_236 = tpu.memref_slice %arg11[%dma_start3A_234, %dma_start3A_235] : memref<80x128xi32, #tpu.memory_space<vmem>> -> memref<1x128xi32, #tpu.memory_space<vmem>>
    %dma_start3A_237 = tpu.memref_squeeze %dma_start3A_236 : memref<1x128xi32, #tpu.memory_space<vmem>> -> memref<128xi32, #tpu.memory_space<vmem>>
    %dma_start3A_238 = arith.constant 0 : i32
    %dma_start3A_239 = arith.constant 0 : i32
    %dma_start3A_240 = tpu.memref_slice %arg9[%arg0, %dma_start3A_238, %dma_start3A_239] : memref<2x10240x64xf32, #tpu.memory_space<hbm>> -> memref<1x10240x64xf32, #tpu.memory_space<hbm>>
    %dma_start3A_241 = tpu.memref_squeeze %dma_start3A_240 : memref<1x10240x64xf32, #tpu.memory_space<hbm>> -> memref<10240x64xf32, #tpu.memory_space<hbm>>
    %dma_start3A_242 = arith.constant 0 : i32
    %dma_start3A_243 = arith.constant 0 : i32
    %dma_start3A_244 = tpu.memref_slice %dma_start3A_241[%dma_start3A_242, %dma_start3A_243] : memref<10240x64xf32, #tpu.memory_space<hbm>> -> memref<10240x64xf32, #tpu.memory_space<hbm>>
    tpu.enqueue_indirect_dma source(%dma_start3A_244 : memref<10240x64xf32, #tpu.memory_space<hbm>>) target(%arg12 : memref<128x64xf32, #tpu.memory_space<vmem>>) offsets(%dma_start3A_237 : memref<128xi32, #tpu.memory_space<vmem>>) semaphore(%arg23 : memref<!tpu.dma_semaphore, #tpu.memory_space<semaphore_mem>>)
    %dma_start3A_245 = arith.constant 1 : i32
    %dma_start3A_246 = arith.constant 0 : i32
    %dma_start3A_247 = tpu.memref_slice %arg11[%dma_start3A_245, %dma_start3A_246] : memref<80x128xi32, #tpu.memory_space<vmem>> -> memref<1x128xi32, #tpu.memory_space<vmem>>
    %dma_start3A_248 = tpu.memref_squeeze %dma_start3A_247 : memref<1x128xi32, #tpu.memory_space<vmem>> -> memref<128xi32, #tpu.memory_space<vmem>>
    %dma_start3A_249 = arith.constant 0 : i32
    %dma_start3A_250 = arith.constant 0 : i32
    %dma_start3A_251 = tpu.memref_slice %arg9[%arg0, %dma_start3A_249, %dma_start3A_250] : memref<2x10240x64xf32, #tpu.memory_space<hbm>> -> memref<1x10240x64xf32, #tpu.memory_space<hbm>>
    %dma_start3A_252 = tpu.memref_squeeze %dma_start3A_251 : memref<1x10240x64xf32, #tpu.memory_space<hbm>> -> memref<10240x64xf32, #tpu.memory_space<hbm>>
    %dma_start3A_253 = arith.constant 0 : i32
    %dma_start3A_254 = arith.constant 0 : i32
    %dma_start3A_255 = tpu.memref_slice %dma_start3A_252[%dma_start3A_253, %dma_start3A_254] : memref<10240x64xf32, #tpu.memory_space<hbm>> -> memref<10240x64xf32, #tpu.memory_space<hbm>>
    tpu.enqueue_indirect_dma source(%dma_start3A_255 : memref<10240x64xf32, #tpu.memory_space<hbm>>) target(%arg13 : memref<128x64xf32, #tpu.memory_space<vmem>>) offsets(%dma_start3A_248 : memref<128xi32, #tpu.memory_space<vmem>>) semaphore(%arg23 : memref<!tpu.dma_semaphore, #tpu.memory_space<semaphore_mem>>)
    %dma_start3A_256 = arith.constant 2 : i32
    %dma_start3A_257 = arith.constant 0 : i32
    %dma_start3A_258 = tpu.memref_slice %arg11[%dma_start3A_256, %dma_start3A_257] : memref<80x128xi32, #tpu.memory_space<vmem>> -> memref<1x128xi32, #tpu.memory_space<vmem>>
    %dma_start3A_259 = tpu.memref_squeeze %dma_start3A_258 : memref<1x128xi32, #tpu.memory_space<vmem>> -> memref<128xi32, #tpu.memory_space<vmem>>
    %dma_start3A_260 = arith.constant 0 : i32
    %dma_start3A_261 = arith.constant 0 : i32
    %dma_start3A_262 = tpu.memref_slice %arg9[%arg0, %dma_start3A_260, %dma_start3A_261] : memref<2x10240x64xf32, #tpu.memory_space<hbm>> -> memref<1x10240x64xf32, #tpu.memory_space<hbm>>
    %dma_start3A_263 = tpu.memref_squeeze %dma_start3A_262 : memref<1x10240x64xf32, #tpu.memory_space<hbm>> -> memref<10240x64xf32, #tpu.memory_space<hbm>>
    %dma_start3A_264 = arith.constant 0 : i32
    %dma_start3A_265 = arith.constant 0 : i32
    %dma_start3A_266 = tpu.memref_slice %dma_start3A_263[%dma_start3A_264, %dma_start3A_265] : memref<10240x64xf32, #tpu.memory_space<hbm>> -> memref<10240x64xf32, #tpu.memory_space<hbm>>
    tpu.enqueue_indirect_dma source(%dma_start3A_266 : memref<10240x64xf32, #tpu.memory_space<hbm>>) target(%arg14 : memref<128x64xf32, #tpu.memory_space<vmem>>) offsets(%dma_start3A_259 : memref<128xi32, #tpu.memory_space<vmem>>) semaphore(%arg23 : memref<!tpu.dma_semaphore, #tpu.memory_space<semaphore_mem>>)
    %dma_start3A_267 = arith.constant 3 : i32
    %dma_start3A_268 = arith.constant 0 : i32
    %dma_start3A_269 = tpu.memref_slice %arg11[%dma_start3A_267, %dma_start3A_268] : memref<80x128xi32, #tpu.memory_space<vmem>> -> memref<1x128xi32, #tpu.memory_space<vmem>>
    %dma_start3A_270 = tpu.memref_squeeze %dma_start3A_269 : memref<1x128xi32, #tpu.memory_space<vmem>> -> memref<128xi32, #tpu.memory_space<vmem>>
    %dma_start3A_271 = arith.constant 0 : i32
    %dma_start3A_272 = arith.constant 0 : i32
    %dma_start3A_273 = tpu.memref_slice %arg9[%arg0, %dma_start3A_271, %dma_start3A_272] : memref<2x10240x64xf32, #tpu.memory_space<hbm>> -> memref<1x10240x64xf32, #tpu.memory_space<hbm>>
    %dma_start3A_274 = tpu.memref_squeeze %dma_start3A_273 : memref<1x10240x64xf32, #tpu.memory_space<hbm>> -> memref<10240x64xf32, #tpu.memory_space<hbm>>
    %dma_start3A_275 = arith.constant 0 : i32
    %dma_start3A_276 = arith.constant 0 : i32
    %dma_start3A_277 = tpu.memref_slice %dma_start3A_274[%dma_start3A_275, %dma_start3A_276] : memref<10240x64xf32, #tpu.memory_space<hbm>> -> memref<10240x64xf32, #tpu.memory_space<hbm>>
    tpu.enqueue_indirect_dma source(%dma_start3A_277 : memref<10240x64xf32, #tpu.memory_space<hbm>>) target(%arg15 : memref<128x64xf32, #tpu.memory_space<vmem>>) offsets(%dma_start3A_270 : memref<128xi32, #tpu.memory_space<vmem>>) semaphore(%arg23 : memref<!tpu.dma_semaphore, #tpu.memory_space<semaphore_mem>>)
    %scan3A_278 = arith.constant 0 : i32
    %scan3A_279 = arith.constant 0 : i32
    %scan3A_280 = arith.constant 20 : i32
    %scan3A_281 = arith.addi %scan3A_279, %scan3A_280 : i32
    %scan3A_282 = arith.constant 1 : i32
    %scan3A_283 = scf.for %scan3A_293 = %scan3A_279 to %scan3A_281 step %scan3A_282 iter_args(%scan3A_294 = %scan3A_278) -> (i32)  : i32 {
      %mul3A_295 = arith.constant 4 : i32
      %mul3A_296 = arith.muli %scan3A_293, %mul3A_295 : i32
      %add3A = arith.constant 0 : i32
      %add3A_297 = arith.addi %mul3A_296, %add3A : i32
      %dma_wait3A = arith.constant 0 : i32
      %dma_wait3A_298 = arith.constant 0 : i32
      %dma_wait3A_299 = tpu.memref_slice %arg11[%dma_wait3A, %dma_wait3A_298] : memref<80x128xi32, #tpu.memory_space<vmem>> -> memref<1x128xi32, #tpu.memory_space<vmem>>
      %dma_wait3A_300 = tpu.memref_squeeze %dma_wait3A_299 : memref<1x128xi32, #tpu.memory_space<vmem>> -> memref<128xi32, #tpu.memory_space<vmem>>
      %dma_wait3A_301 = arith.constant 0 : i32
      %dma_wait3A_302 = arith.constant 0 : i32
      %dma_wait3A_303 = tpu.memref_slice %arg9[%arg0, %dma_wait3A_301, %dma_wait3A_302] : memref<2x10240x64xf32, #tpu.memory_space<hbm>> -> memref<1x10240x64xf32, #tpu.memory_space<hbm>>
      %dma_wait3A_304 = tpu.memref_squeeze %dma_wait3A_303 : memref<1x10240x64xf32, #tpu.memory_space<hbm>> -> memref<10240x64xf32, #tpu.memory_space<hbm>>
      %dma_wait3A_305 = arith.constant 0 : i32
      %dma_wait3A_306 = arith.constant 0 : i32
      %dma_wait3A_307 = tpu.memref_slice %dma_wait3A_304[%dma_wait3A_305, %dma_wait3A_306] : memref<10240x64xf32, #tpu.memory_space<hbm>> -> memref<10240x64xf32, #tpu.memory_space<hbm>>
      tpu.wait_indirect_dma semaphore(%arg23 : memref<!tpu.dma_semaphore, #tpu.memory_space<semaphore_mem>>) src(%dma_wait3A_307 : memref<10240x64xf32, #tpu.memory_space<hbm>>) dst(%arg12 : memref<128x64xf32, #tpu.memory_space<vmem>>)
      "tpu.region"() ({
        %run_scoped3A = tpu.sem_alloc : memref<!tpu.dma_semaphore, #tpu.memory_space<semaphore_mem>>
        %dma_start3A_379 = arith.constant 0 : i32
        %dma_start3A_380 = tpu.memref_slice %arg10[%add3A_297, %dma_start3A_379] : memref<80x128xi32, #tpu.memory_space<vmem>> -> memref<1x128xi32, #tpu.memory_space<vmem>>
        %dma_start3A_381 = tpu.memref_squeeze %dma_start3A_380 : memref<1x128xi32, #tpu.memory_space<vmem>> -> memref<128xi32, #tpu.memory_space<vmem>>
        %dma_start3A_382 = arith.constant 0 : i32
        %dma_start3A_383 = arith.constant 0 : i32
        %dma_start3A_384 = tpu.memref_slice %arg22[%dma_start3A_382, %dma_start3A_383] : memref<10240x64xf32, #tpu.memory_space<vmem_shared>> -> memref<10240x64xf32, #tpu.memory_space<vmem_shared>>
        tpu.enqueue_indirect_dma source(%arg12 : memref<128x64xf32, #tpu.memory_space<vmem>>) target(%dma_start3A_384 : memref<10240x64xf32, #tpu.memory_space<vmem_shared>>) offsets(%dma_start3A_381 : memref<128xi32, #tpu.memory_space<vmem>>) semaphore(%run_scoped3A : memref<!tpu.dma_semaphore, #tpu.memory_space<semaphore_mem>>) {add = true}
        %dma_wait3A_385 = arith.constant 0 : i32
        %dma_wait3A_386 = tpu.memref_slice %arg10[%add3A_297, %dma_wait3A_385] : memref<80x128xi32, #tpu.memory_space<vmem>> -> memref<1x128xi32, #tpu.memory_space<vmem>>
        %dma_wait3A_387 = tpu.memref_squeeze %dma_wait3A_386 : memref<1x128xi32, #tpu.memory_space<vmem>> -> memref<128xi32, #tpu.memory_space<vmem>>
        %dma_wait3A_388 = arith.constant 0 : i32
        %dma_wait3A_389 = arith.constant 0 : i32
        %dma_wait3A_390 = tpu.memref_slice %arg22[%dma_wait3A_388, %dma_wait3A_389] : memref<10240x64xf32, #tpu.memory_space<vmem_shared>> -> memref<10240x64xf32, #tpu.memory_space<vmem_shared>>
        tpu.wait_indirect_dma semaphore(%run_scoped3A : memref<!tpu.dma_semaphore, #tpu.memory_space<semaphore_mem>>) src(%arg12 : memref<128x64xf32, #tpu.memory_space<vmem>>) dst(%dma_wait3A_390 : memref<10240x64xf32, #tpu.memory_space<vmem_shared>>)
        tpu.yield
      }) : () -> ()
      %add3A_308 = arith.constant 4 : i32
      %add3A_309 = arith.addi %add3A_297, %add3A_308 : i32
      %lt3A = arith.constant 80 : i32
      %lt3A_310 = arith.cmpi slt, %add3A_309, %lt3A : i32
      %convert_element_type3A = arith.extui %lt3A_310 : i1 to i32
      %cond3A = arith.constant 0 : i32
      %cond3A_311 = arith.cmpi ne, %convert_element_type3A, %cond3A : i32
      scf.if %cond3A_311 {
        %add3A_379 = arith.constant 4 : i32
        %add3A_380 = arith.addi %add3A_297, %add3A_379 : i32
        %dma_start3A_381 = arith.constant 0 : i32
        %dma_start3A_382 = tpu.memref_slice %arg11[%add3A_380, %dma_start3A_381] : memref<80x128xi32, #tpu.memory_space<vmem>> -> memref<1x128xi32, #tpu.memory_space<vmem>>
        %dma_start3A_383 = tpu.memref_squeeze %dma_start3A_382 : memref<1x128xi32, #tpu.memory_space<vmem>> -> memref<128xi32, #tpu.memory_space<vmem>>
        %dma_start3A_384 = arith.constant 0 : i32
        %dma_start3A_385 = arith.constant 0 : i32
        %dma_start3A_386 = tpu.memref_slice %arg9[%arg0, %dma_start3A_384, %dma_start3A_385] : memref<2x10240x64xf32, #tpu.memory_space<hbm>> -> memref<1x10240x64xf32, #tpu.memory_space<hbm>>
        %dma_start3A_387 = tpu.memref_squeeze %dma_start3A_386 : memref<1x10240x64xf32, #tpu.memory_space<hbm>> -> memref<10240x64xf32, #tpu.memory_space<hbm>>
        %dma_start3A_388 = arith.constant 0 : i32
        %dma_start3A_389 = arith.constant 0 : i32
        %dma_start3A_390 = tpu.memref_slice %dma_start3A_387[%dma_start3A_388, %dma_start3A_389] : memref<10240x64xf32, #tpu.memory_space<hbm>> -> memref<10240x64xf32, #tpu.memory_space<hbm>>
        tpu.enqueue_indirect_dma source(%dma_start3A_390 : memref<10240x64xf32, #tpu.memory_space<hbm>>) target(%arg12 : memref<128x64xf32, #tpu.memory_space<vmem>>) offsets(%dma_start3A_383 : memref<128xi32, #tpu.memory_space<vmem>>) semaphore(%arg23 : memref<!tpu.dma_semaphore, #tpu.memory_space<semaphore_mem>>)
      } else {
      }
      %mul3A_312 = arith.constant 4 : i32
      %mul3A_313 = arith.muli %scan3A_293, %mul3A_312 : i32
      %add3A_314 = arith.constant 1 : i32
      %add3A_315 = arith.addi %mul3A_313, %add3A_314 : i32
      %dma_wait3A_316 = arith.constant 0 : i32
      %dma_wait3A_317 = arith.constant 0 : i32
      %dma_wait3A_318 = tpu.memref_slice %arg11[%dma_wait3A_316, %dma_wait3A_317] : memref<80x128xi32, #tpu.memory_space<vmem>> -> memref<1x128xi32, #tpu.memory_space<vmem>>
      %dma_wait3A_319 = tpu.memref_squeeze %dma_wait3A_318 : memref<1x128xi32, #tpu.memory_space<vmem>> -> memref<128xi32, #tpu.memory_space<vmem>>
      %dma_wait3A_320 = arith.constant 0 : i32
      %dma_wait3A_321 = arith.constant 0 : i32
      %dma_wait3A_322 = tpu.memref_slice %arg9[%arg0, %dma_wait3A_320, %dma_wait3A_321] : memref<2x10240x64xf32, #tpu.memory_space<hbm>> -> memref<1x10240x64xf32, #tpu.memory_space<hbm>>
      %dma_wait3A_323 = tpu.memref_squeeze %dma_wait3A_322 : memref<1x10240x64xf32, #tpu.memory_space<hbm>> -> memref<10240x64xf32, #tpu.memory_space<hbm>>
      %dma_wait3A_324 = arith.constant 0 : i32
      %dma_wait3A_325 = arith.constant 0 : i32
      %dma_wait3A_326 = tpu.memref_slice %dma_wait3A_323[%dma_wait3A_324, %dma_wait3A_325] : memref<10240x64xf32, #tpu.memory_space<hbm>> -> memref<10240x64xf32, #tpu.memory_space<hbm>>
      tpu.wait_indirect_dma semaphore(%arg23 : memref<!tpu.dma_semaphore, #tpu.memory_space<semaphore_mem>>) src(%dma_wait3A_326 : memref<10240x64xf32, #tpu.memory_space<hbm>>) dst(%arg13 : memref<128x64xf32, #tpu.memory_space<vmem>>)
      "tpu.region"() ({
        %run_scoped3A = tpu.sem_alloc : memref<!tpu.dma_semaphore, #tpu.memory_space<semaphore_mem>>
        %dma_start3A_379 = arith.constant 0 : i32
        %dma_start3A_380 = tpu.memref_slice %arg10[%add3A_315, %dma_start3A_379] : memref<80x128xi32, #tpu.memory_space<vmem>> -> memref<1x128xi32, #tpu.memory_space<vmem>>
        %dma_start3A_381 = tpu.memref_squeeze %dma_start3A_380 : memref<1x128xi32, #tpu.memory_space<vmem>> -> memref<128xi32, #tpu.memory_space<vmem>>
        %dma_start3A_382 = arith.constant 0 : i32
        %dma_start3A_383 = arith.constant 0 : i32
        %dma_start3A_384 = tpu.memref_slice %arg22[%dma_start3A_382, %dma_start3A_383] : memref<10240x64xf32, #tpu.memory_space<vmem_shared>> -> memref<10240x64xf32, #tpu.memory_space<vmem_shared>>
        tpu.enqueue_indirect_dma source(%arg13 : memref<128x64xf32, #tpu.memory_space<vmem>>) target(%dma_start3A_384 : memref<10240x64xf32, #tpu.memory_space<vmem_shared>>) offsets(%dma_start3A_381 : memref<128xi32, #tpu.memory_space<vmem>>) semaphore(%run_scoped3A : memref<!tpu.dma_semaphore, #tpu.memory_space<semaphore_mem>>) {add = true}
        %dma_wait3A_385 = arith.constant 0 : i32
        %dma_wait3A_386 = tpu.memref_slice %arg10[%add3A_315, %dma_wait3A_385] : memref<80x128xi32, #tpu.memory_space<vmem>> -> memref<1x128xi32, #tpu.memory_space<vmem>>
        %dma_wait3A_387 = tpu.memref_squeeze %dma_wait3A_386 : memref<1x128xi32, #tpu.memory_space<vmem>> -> memref<128xi32, #tpu.memory_space<vmem>>
        %dma_wait3A_388 = arith.constant 0 : i32
        %dma_wait3A_389 = arith.constant 0 : i32
        %dma_wait3A_390 = tpu.memref_slice %arg22[%dma_wait3A_388, %dma_wait3A_389] : memref<10240x64xf32, #tpu.memory_space<vmem_shared>> -> memref<10240x64xf32, #tpu.memory_space<vmem_shared>>
        tpu.wait_indirect_dma semaphore(%run_scoped3A : memref<!tpu.dma_semaphore, #tpu.memory_space<semaphore_mem>>) src(%arg13 : memref<128x64xf32, #tpu.memory_space<vmem>>) dst(%dma_wait3A_390 : memref<10240x64xf32, #tpu.memory_space<vmem_shared>>)
        tpu.yield
      }) : () -> ()
      %add3A_327 = arith.constant 4 : i32
      %add3A_328 = arith.addi %add3A_315, %add3A_327 : i32
      %lt3A_329 = arith.constant 80 : i32
      %lt3A_330 = arith.cmpi slt, %add3A_328, %lt3A_329 : i32
      %convert_element_type3A_331 = arith.extui %lt3A_330 : i1 to i32
      %cond3A_332 = arith.constant 0 : i32
      %cond3A_333 = arith.cmpi ne, %convert_element_type3A_331, %cond3A_332 : i32
      scf.if %cond3A_333 {
        %add3A_379 = arith.constant 4 : i32
        %add3A_380 = arith.addi %add3A_315, %add3A_379 : i32
        %dma_start3A_381 = arith.constant 0 : i32
        %dma_start3A_382 = tpu.memref_slice %arg11[%add3A_380, %dma_start3A_381] : memref<80x128xi32, #tpu.memory_space<vmem>> -> memref<1x128xi32, #tpu.memory_space<vmem>>
        %dma_start3A_383 = tpu.memref_squeeze %dma_start3A_382 : memref<1x128xi32, #tpu.memory_space<vmem>> -> memref<128xi32, #tpu.memory_space<vmem>>
        %dma_start3A_384 = arith.constant 0 : i32
        %dma_start3A_385 = arith.constant 0 : i32
        %dma_start3A_386 = tpu.memref_slice %arg9[%arg0, %dma_start3A_384, %dma_start3A_385] : memref<2x10240x64xf32, #tpu.memory_space<hbm>> -> memref<1x10240x64xf32, #tpu.memory_space<hbm>>
        %dma_start3A_387 = tpu.memref_squeeze %dma_start3A_386 : memref<1x10240x64xf32, #tpu.memory_space<hbm>> -> memref<10240x64xf32, #tpu.memory_space<hbm>>
        %dma_start3A_388 = arith.constant 0 : i32
        %dma_start3A_389 = arith.constant 0 : i32
        %dma_start3A_390 = tpu.memref_slice %dma_start3A_387[%dma_start3A_388, %dma_start3A_389] : memref<10240x64xf32, #tpu.memory_space<hbm>> -> memref<10240x64xf32, #tpu.memory_space<hbm>>
        tpu.enqueue_indirect_dma source(%dma_start3A_390 : memref<10240x64xf32, #tpu.memory_space<hbm>>) target(%arg13 : memref<128x64xf32, #tpu.memory_space<vmem>>) offsets(%dma_start3A_383 : memref<128xi32, #tpu.memory_space<vmem>>) semaphore(%arg23 : memref<!tpu.dma_semaphore, #tpu.memory_space<semaphore_mem>>)
      } else {
      }
      %mul3A_334 = arith.constant 4 : i32
      %mul3A_335 = arith.muli %scan3A_293, %mul3A_334 : i32
      %add3A_336 = arith.constant 2 : i32
      %add3A_337 = arith.addi %mul3A_335, %add3A_336 : i32
      %dma_wait3A_338 = arith.constant 0 : i32
      %dma_wait3A_339 = arith.constant 0 : i32
      %dma_wait3A_340 = tpu.memref_slice %arg11[%dma_wait3A_338, %dma_wait3A_339] : memref<80x128xi32, #tpu.memory_space<vmem>> -> memref<1x128xi32, #tpu.memory_space<vmem>>
      %dma_wait3A_341 = tpu.memref_squeeze %dma_wait3A_340 : memref<1x128xi32, #tpu.memory_space<vmem>> -> memref<128xi32, #tpu.memory_space<vmem>>
      %dma_wait3A_342 = arith.constant 0 : i32
      %dma_wait3A_343 = arith.constant 0 : i32
      %dma_wait3A_344 = tpu.memref_slice %arg9[%arg0, %dma_wait3A_342, %dma_wait3A_343] : memref<2x10240x64xf32, #tpu.memory_space<hbm>> -> memref<1x10240x64xf32, #tpu.memory_space<hbm>>
      %dma_wait3A_345 = tpu.memref_squeeze %dma_wait3A_344 : memref<1x10240x64xf32, #tpu.memory_space<hbm>> -> memref<10240x64xf32, #tpu.memory_space<hbm>>
      %dma_wait3A_346 = arith.constant 0 : i32
      %dma_wait3A_347 = arith.constant 0 : i32
      %dma_wait3A_348 = tpu.memref_slice %dma_wait3A_345[%dma_wait3A_346, %dma_wait3A_347] : memref<10240x64xf32, #tpu.memory_space<hbm>> -> memref<10240x64xf32, #tpu.memory_space<hbm>>
      tpu.wait_indirect_dma semaphore(%arg23 : memref<!tpu.dma_semaphore, #tpu.memory_space<semaphore_mem>>) src(%dma_wait3A_348 : memref<10240x64xf32, #tpu.memory_space<hbm>>) dst(%arg14 : memref<128x64xf32, #tpu.memory_space<vmem>>)
      "tpu.region"() ({
        %run_scoped3A = tpu.sem_alloc : memref<!tpu.dma_semaphore, #tpu.memory_space<semaphore_mem>>
        %dma_start3A_379 = arith.constant 0 : i32
        %dma_start3A_380 = tpu.memref_slice %arg10[%add3A_337, %dma_start3A_379] : memref<80x128xi32, #tpu.memory_space<vmem>> -> memref<1x128xi32, #tpu.memory_space<vmem>>
        %dma_start3A_381 = tpu.memref_squeeze %dma_start3A_380 : memref<1x128xi32, #tpu.memory_space<vmem>> -> memref<128xi32, #tpu.memory_space<vmem>>
        %dma_start3A_382 = arith.constant 0 : i32
        %dma_start3A_383 = arith.constant 0 : i32
        %dma_start3A_384 = tpu.memref_slice %arg22[%dma_start3A_382, %dma_start3A_383] : memref<10240x64xf32, #tpu.memory_space<vmem_shared>> -> memref<10240x64xf32, #tpu.memory_space<vmem_shared>>
        tpu.enqueue_indirect_dma source(%arg14 : memref<128x64xf32, #tpu.memory_space<vmem>>) target(%dma_start3A_384 : memref<10240x64xf32, #tpu.memory_space<vmem_shared>>) offsets(%dma_start3A_381 : memref<128xi32, #tpu.memory_space<vmem>>) semaphore(%run_scoped3A : memref<!tpu.dma_semaphore, #tpu.memory_space<semaphore_mem>>) {add = true}
        %dma_wait3A_385 = arith.constant 0 : i32
        %dma_wait3A_386 = tpu.memref_slice %arg10[%add3A_337, %dma_wait3A_385] : memref<80x128xi32, #tpu.memory_space<vmem>> -> memref<1x128xi32, #tpu.memory_space<vmem>>
        %dma_wait3A_387 = tpu.memref_squeeze %dma_wait3A_386 : memref<1x128xi32, #tpu.memory_space<vmem>> -> memref<128xi32, #tpu.memory_space<vmem>>
        %dma_wait3A_388 = arith.constant 0 : i32
        %dma_wait3A_389 = arith.constant 0 : i32
        %dma_wait3A_390 = tpu.memref_slice %arg22[%dma_wait3A_388, %dma_wait3A_389] : memref<10240x64xf32, #tpu.memory_space<vmem_shared>> -> memref<10240x64xf32, #tpu.memory_space<vmem_shared>>
        tpu.wait_indirect_dma semaphore(%run_scoped3A : memref<!tpu.dma_semaphore, #tpu.memory_space<semaphore_mem>>) src(%arg14 : memref<128x64xf32, #tpu.memory_space<vmem>>) dst(%dma_wait3A_390 : memref<10240x64xf32, #tpu.memory_space<vmem_shared>>)
        tpu.yield
      }) : () -> ()
      %add3A_349 = arith.constant 4 : i32
      %add3A_350 = arith.addi %add3A_337, %add3A_349 : i32
      %lt3A_351 = arith.constant 80 : i32
      %lt3A_352 = arith.cmpi slt, %add3A_350, %lt3A_351 : i32
      %convert_element_type3A_353 = arith.extui %lt3A_352 : i1 to i32
      %cond3A_354 = arith.constant 0 : i32
      %cond3A_355 = arith.cmpi ne, %convert_element_type3A_353, %cond3A_354 : i32
      scf.if %cond3A_355 {
        %add3A_379 = arith.constant 4 : i32
        %add3A_380 = arith.addi %add3A_337, %add3A_379 : i32
        %dma_start3A_381 = arith.constant 0 : i32
        %dma_start3A_382 = tpu.memref_slice %arg11[%add3A_380, %dma_start3A_381] : memref<80x128xi32, #tpu.memory_space<vmem>> -> memref<1x128xi32, #tpu.memory_space<vmem>>
        %dma_start3A_383 = tpu.memref_squeeze %dma_start3A_382 : memref<1x128xi32, #tpu.memory_space<vmem>> -> memref<128xi32, #tpu.memory_space<vmem>>
        %dma_start3A_384 = arith.constant 0 : i32
        %dma_start3A_385 = arith.constant 0 : i32
        %dma_start3A_386 = tpu.memref_slice %arg9[%arg0, %dma_start3A_384, %dma_start3A_385] : memref<2x10240x64xf32, #tpu.memory_space<hbm>> -> memref<1x10240x64xf32, #tpu.memory_space<hbm>>
        %dma_start3A_387 = tpu.memref_squeeze %dma_start3A_386 : memref<1x10240x64xf32, #tpu.memory_space<hbm>> -> memref<10240x64xf32, #tpu.memory_space<hbm>>
        %dma_start3A_388 = arith.constant 0 : i32
        %dma_start3A_389 = arith.constant 0 : i32
        %dma_start3A_390 = tpu.memref_slice %dma_start3A_387[%dma_start3A_388, %dma_start3A_389] : memref<10240x64xf32, #tpu.memory_space<hbm>> -> memref<10240x64xf32, #tpu.memory_space<hbm>>
        tpu.enqueue_indirect_dma source(%dma_start3A_390 : memref<10240x64xf32, #tpu.memory_space<hbm>>) target(%arg14 : memref<128x64xf32, #tpu.memory_space<vmem>>) offsets(%dma_start3A_383 : memref<128xi32, #tpu.memory_space<vmem>>) semaphore(%arg23 : memref<!tpu.dma_semaphore, #tpu.memory_space<semaphore_mem>>)
      } else {
      }
      %mul3A_356 = arith.constant 4 : i32
      %mul3A_357 = arith.muli %scan3A_293, %mul3A_356 : i32
      %add3A_358 = arith.constant 3 : i32
      %add3A_359 = arith.addi %mul3A_357, %add3A_358 : i32
      %dma_wait3A_360 = arith.constant 0 : i32
      %dma_wait3A_361 = arith.constant 0 : i32
      %dma_wait3A_362 = tpu.memref_slice %arg11[%dma_wait3A_360, %dma_wait3A_361] : memref<80x128xi32, #tpu.memory_space<vmem>> -> memref<1x128xi32, #tpu.memory_space<vmem>>
      %dma_wait3A_363 = tpu.memref_squeeze %dma_wait3A_362 : memref<1x128xi32, #tpu.memory_space<vmem>> -> memref<128xi32, #tpu.memory_space<vmem>>
      %dma_wait3A_364 = arith.constant 0 : i32
      %dma_wait3A_365 = arith.constant 0 : i32
      %dma_wait3A_366 = tpu.memref_slice %arg9[%arg0, %dma_wait3A_364, %dma_wait3A_365] : memref<2x10240x64xf32, #tpu.memory_space<hbm>> -> memref<1x10240x64xf32, #tpu.memory_space<hbm>>
      %dma_wait3A_367 = tpu.memref_squeeze %dma_wait3A_366 : memref<1x10240x64xf32, #tpu.memory_space<hbm>> -> memref<10240x64xf32, #tpu.memory_space<hbm>>
      %dma_wait3A_368 = arith.constant 0 : i32
      %dma_wait3A_369 = arith.constant 0 : i32
      %dma_wait3A_370 = tpu.memref_slice %dma_wait3A_367[%dma_wait3A_368, %dma_wait3A_369] : memref<10240x64xf32, #tpu.memory_space<hbm>> -> memref<10240x64xf32, #tpu.memory_space<hbm>>
      tpu.wait_indirect_dma semaphore(%arg23 : memref<!tpu.dma_semaphore, #tpu.memory_space<semaphore_mem>>) src(%dma_wait3A_370 : memref<10240x64xf32, #tpu.memory_space<hbm>>) dst(%arg15 : memref<128x64xf32, #tpu.memory_space<vmem>>)
      "tpu.region"() ({
        %run_scoped3A = tpu.sem_alloc : memref<!tpu.dma_semaphore, #tpu.memory_space<semaphore_mem>>
        %dma_start3A_379 = arith.constant 0 : i32
        %dma_start3A_380 = tpu.memref_slice %arg10[%add3A_359, %dma_start3A_379] : memref<80x128xi32, #tpu.memory_space<vmem>> -> memref<1x128xi32, #tpu.memory_space<vmem>>
        %dma_start3A_381 = tpu.memref_squeeze %dma_start3A_380 : memref<1x128xi32, #tpu.memory_space<vmem>> -> memref<128xi32, #tpu.memory_space<vmem>>
        %dma_start3A_382 = arith.constant 0 : i32
        %dma_start3A_383 = arith.constant 0 : i32
        %dma_start3A_384 = tpu.memref_slice %arg22[%dma_start3A_382, %dma_start3A_383] : memref<10240x64xf32, #tpu.memory_space<vmem_shared>> -> memref<10240x64xf32, #tpu.memory_space<vmem_shared>>
        tpu.enqueue_indirect_dma source(%arg15 : memref<128x64xf32, #tpu.memory_space<vmem>>) target(%dma_start3A_384 : memref<10240x64xf32, #tpu.memory_space<vmem_shared>>) offsets(%dma_start3A_381 : memref<128xi32, #tpu.memory_space<vmem>>) semaphore(%run_scoped3A : memref<!tpu.dma_semaphore, #tpu.memory_space<semaphore_mem>>) {add = true}
        %dma_wait3A_385 = arith.constant 0 : i32
        %dma_wait3A_386 = tpu.memref_slice %arg10[%add3A_359, %dma_wait3A_385] : memref<80x128xi32, #tpu.memory_space<vmem>> -> memref<1x128xi32, #tpu.memory_space<vmem>>
        %dma_wait3A_387 = tpu.memref_squeeze %dma_wait3A_386 : memref<1x128xi32, #tpu.memory_space<vmem>> -> memref<128xi32, #tpu.memory_space<vmem>>
        %dma_wait3A_388 = arith.constant 0 : i32
        %dma_wait3A_389 = arith.constant 0 : i32
        %dma_wait3A_390 = tpu.memref_slice %arg22[%dma_wait3A_388, %dma_wait3A_389] : memref<10240x64xf32, #tpu.memory_space<vmem_shared>> -> memref<10240x64xf32, #tpu.memory_space<vmem_shared>>
        tpu.wait_indirect_dma semaphore(%run_scoped3A : memref<!tpu.dma_semaphore, #tpu.memory_space<semaphore_mem>>) src(%arg15 : memref<128x64xf32, #tpu.memory_space<vmem>>) dst(%dma_wait3A_390 : memref<10240x64xf32, #tpu.memory_space<vmem_shared>>)
        tpu.yield
      }) : () -> ()
      %add3A_371 = arith.constant 4 : i32
      %add3A_372 = arith.addi %add3A_359, %add3A_371 : i32
      %lt3A_373 = arith.constant 80 : i32
      %lt3A_374 = arith.cmpi slt, %add3A_372, %lt3A_373 : i32
      %convert_element_type3A_375 = arith.extui %lt3A_374 : i1 to i32
      %cond3A_376 = arith.constant 0 : i32
      %cond3A_377 = arith.cmpi ne, %convert_element_type3A_375, %cond3A_376 : i32
      scf.if %cond3A_377 {
        %add3A_379 = arith.constant 4 : i32
        %add3A_380 = arith.addi %add3A_359, %add3A_379 : i32
        %dma_start3A_381 = arith.constant 0 : i32
        %dma_start3A_382 = tpu.memref_slice %arg11[%add3A_380, %dma_start3A_381] : memref<80x128xi32, #tpu.memory_space<vmem>> -> memref<1x128xi32, #tpu.memory_space<vmem>>
        %dma_start3A_383 = tpu.memref_squeeze %dma_start3A_382 : memref<1x128xi32, #tpu.memory_space<vmem>> -> memref<128xi32, #tpu.memory_space<vmem>>
        %dma_start3A_384 = arith.constant 0 : i32
        %dma_start3A_385 = arith.constant 0 : i32
        %dma_start3A_386 = tpu.memref_slice %arg9[%arg0, %dma_start3A_384, %dma_start3A_385] : memref<2x10240x64xf32, #tpu.memory_space<hbm>> -> memref<1x10240x64xf32, #tpu.memory_space<hbm>>
        %dma_start3A_387 = tpu.memref_squeeze %dma_start3A_386 : memref<1x10240x64xf32, #tpu.memory_space<hbm>> -> memref<10240x64xf32, #tpu.memory_space<hbm>>
        %dma_start3A_388 = arith.constant 0 : i32
        %dma_start3A_389 = arith.constant 0 : i32
        %dma_start3A_390 = tpu.memref_slice %dma_start3A_387[%dma_start3A_388, %dma_start3A_389] : memref<10240x64xf32, #tpu.memory_space<hbm>> -> memref<10240x64xf32, #tpu.memory_space<hbm>>
        tpu.enqueue_indirect_dma source(%dma_start3A_390 : memref<10240x64xf32, #tpu.memory_space<hbm>>) target(%arg15 : memref<128x64xf32, #tpu.memory_space<vmem>>) offsets(%dma_start3A_383 : memref<128xi32, #tpu.memory_space<vmem>>) semaphore(%arg23 : memref<!tpu.dma_semaphore, #tpu.memory_space<semaphore_mem>>)
      } else {
      }
      %scan3A_378 = arith.constant 0 : i32
      scf.yield %scan3A_378 : i32
    }
    %scan3A_284 = arith.constant 20 : i32
    %barrier3A_285 = arith.constant 0 : index
    tpu.barrier barrier_id(%barrier3A_285)
    %scan3A_286 = arith.constant 0 : i32
    %scan3A_287 = arith.constant 0 : i32
    %scan3A_288 = arith.constant 10 : i32
    %scan3A_289 = arith.addi %scan3A_287, %scan3A_288 : i32
    %scan3A_290 = arith.constant 1 : i32
    %scan3A_291 = scf.for %scan3A_293 = %scan3A_287 to %scan3A_289 step %scan3A_290 iter_args(%scan3A_294 = %scan3A_286) -> (i32)  : i32 {
      %mul3A_295 = arith.constant 64 : i32
      %mul3A_296 = arith.muli %scan3A_293, %mul3A_295 : i32
      %add3A = arith.addi %mul3A_0, %mul3A_296 : i32
      "tpu.region"() ({
        %run_scoped3A = tpu.sem_alloc : memref<!tpu.dma_semaphore, #tpu.memory_space<semaphore_mem>>
        %dma_start3A_305 = arith.constant 0 : i32
        %dma_start3A_306 = tpu.memref_slice %arg22[%add3A, %dma_start3A_305] : memref<10240x64xf32, #tpu.memory_space<vmem_shared>> -> memref<64x64xf32, #tpu.memory_space<vmem_shared>>
        %dma_start3A_307 = arith.constant 0 : i32
        %dma_start3A_308 = tpu.memref_slice %arg22[%add3A, %dma_start3A_307] : memref<10240x64xf32, #tpu.memory_space<vmem_shared>> -> memref<64x64xf32, #tpu.memory_space<vmem_shared>>
        tpu.enqueue_dma source(%dma_start3A_308 : memref<64x64xf32, #tpu.memory_space<vmem_shared>>) target(%arg16 : memref<64x64xf32, #tpu.memory_space<vmem>>) target_semaphore(%run_scoped3A : memref<!tpu.dma_semaphore, #tpu.memory_space<semaphore_mem>>)
        %dma_wait3A = arith.constant 0 : i32
        %dma_wait3A_309 = tpu.memref_slice %arg22[%add3A, %dma_wait3A] : memref<10240x64xf32, #tpu.memory_space<vmem_shared>> -> memref<64x64xf32, #tpu.memory_space<vmem_shared>>
        %dma_wait3A_310 = arith.constant 0 : i32
        %dma_wait3A_311 = tpu.memref_slice %arg22[%add3A, %dma_wait3A_310] : memref<10240x64xf32, #tpu.memory_space<vmem_shared>> -> memref<64x64xf32, #tpu.memory_space<vmem_shared>>
        tpu.wait_dma2 semaphore(%run_scoped3A : memref<!tpu.dma_semaphore, #tpu.memory_space<semaphore_mem>>) src(%dma_wait3A_311 : memref<64x64xf32, #tpu.memory_space<vmem_shared>>) dst(%arg16 : memref<64x64xf32, #tpu.memory_space<vmem>>)
        tpu.yield
      }) : () -> ()
      %scan3A_297 = arith.constant 0 : i32
      %scan3A_298 = arith.constant 0 : i32
      %scan3A_299 = arith.constant 64 : i32
      %scan3A_300 = arith.addi %scan3A_298, %scan3A_299 : i32
      %scan3A_301 = arith.constant 1 : i32
      %scan3A_302 = scf.for %scan3A_305 = %scan3A_298 to %scan3A_300 step %scan3A_301 iter_args(%scan3A_306 = %scan3A_297) -> (i32)  : i32 {
        %mul3A_307 = arith.constant 64 : i32
        %mul3A_308 = arith.muli %scan3A_293, %mul3A_307 : i32
        %add3A_309 = arith.addi %mul3A_308, %scan3A_305 : i32
        %broadcast_in_dim3A = vector.broadcast %add3A_309 : i32 to vector<16xi32>
        %gather3A = tpu.vector_load_idx %arg18[%broadcast_in_dim3A] : memref<640xf32, #tpu.memory_space<vmem>>[vector<16xi32>], vector<16xf32>,
        %get3A = arith.index_cast %scan3A_305 : i32 to index
        %get3A_310 = arith.constant 0 : index
        %get3A_311 = tpu.vector_load %arg16[%get3A, %get3A_310] {strides = array<i32>} : memref<64x64xf32, #tpu.memory_space<vmem>>, vector<16xf32>,
        %mul3A_312 = arith.mulf %get3A_311, %gather3A : vector<16xf32>
        %swap3A = arith.index_cast %scan3A_305 : i32 to index
        %swap3A_313 = arith.constant 0 : index
        %swap3A_314 = tpu.vector_load %arg16[%swap3A, %swap3A_313] {strides = array<i32>} : memref<64x64xf32, #tpu.memory_space<vmem>>, vector<16xf32>,
        tpu.vector_store %arg16[%swap3A, %swap3A_313], %mul3A_312 {strides = array<i32>} : memref<64x64xf32, #tpu.memory_space<vmem>>, vector<16xf32>,
        %get3A_315 = arith.index_cast %scan3A_305 : i32 to index
        %get3A_316 = arith.constant 16 : index
        %get3A_317 = tpu.vector_load %arg16[%get3A_315, %get3A_316] {strides = array<i32>} : memref<64x64xf32, #tpu.memory_space<vmem>>, vector<16xf32>,
        %mul3A_318 = arith.mulf %get3A_317, %gather3A : vector<16xf32>
        %swap3A_319 = arith.index_cast %scan3A_305 : i32 to index
        %swap3A_320 = arith.constant 16 : index
        %swap3A_321 = tpu.vector_load %arg16[%swap3A_319, %swap3A_320] {strides = array<i32>} : memref<64x64xf32, #tpu.memory_space<vmem>>, vector<16xf32>,
        tpu.vector_store %arg16[%swap3A_319, %swap3A_320], %mul3A_318 {strides = array<i32>} : memref<64x64xf32, #tpu.memory_space<vmem>>, vector<16xf32>,
        %get3A_322 = arith.index_cast %scan3A_305 : i32 to index
        %get3A_323 = arith.constant 32 : index
        %get3A_324 = tpu.vector_load %arg16[%get3A_322, %get3A_323] {strides = array<i32>} : memref<64x64xf32, #tpu.memory_space<vmem>>, vector<16xf32>,
        %mul3A_325 = arith.mulf %get3A_324, %gather3A : vector<16xf32>
        %swap3A_326 = arith.index_cast %scan3A_305 : i32 to index
        %swap3A_327 = arith.constant 32 : index
        %swap3A_328 = tpu.vector_load %arg16[%swap3A_326, %swap3A_327] {strides = array<i32>} : memref<64x64xf32, #tpu.memory_space<vmem>>, vector<16xf32>,
        tpu.vector_store %arg16[%swap3A_326, %swap3A_327], %mul3A_325 {strides = array<i32>} : memref<64x64xf32, #tpu.memory_space<vmem>>, vector<16xf32>,
        %get3A_329 = arith.index_cast %scan3A_305 : i32 to index
        %get3A_330 = arith.constant 48 : index
        %get3A_331 = tpu.vector_load %arg16[%get3A_329, %get3A_330] {strides = array<i32>} : memref<64x64xf32, #tpu.memory_space<vmem>>, vector<16xf32>,
        %mul3A_332 = arith.mulf %get3A_331, %gather3A : vector<16xf32>
        %swap3A_333 = arith.index_cast %scan3A_305 : i32 to index
        %swap3A_334 = arith.constant 48 : index
        %swap3A_335 = tpu.vector_load %arg16[%swap3A_333, %swap3A_334] {strides = array<i32>} : memref<64x64xf32, #tpu.memory_space<vmem>>, vector<16xf32>,
        tpu.vector_store %arg16[%swap3A_333, %swap3A_334], %mul3A_332 {strides = array<i32>} : memref<64x64xf32, #tpu.memory_space<vmem>>, vector<16xf32>,
        %scan3A_336 = arith.constant 0 : i32
        scf.yield %scan3A_336 : i32
      }
      %scan3A_303 = arith.constant 64 : i32
      "tpu.region"() ({
        %run_scoped3A = tpu.sem_alloc : memref<!tpu.dma_semaphore, #tpu.memory_space<semaphore_mem>>
        %dma_start3A_305 = arith.constant 0 : i32
        %dma_start3A_306 = arith.constant 0 : i32
        %dma_start3A_307 = tpu.memref_slice %arg8[%arg0, %dma_start3A_305, %dma_start3A_306] : memref<2x10240x64xf32, #tpu.memory_space<hbm>> -> memref<1x10240x64xf32, #tpu.memory_space<hbm>>
        %dma_start3A_308 = tpu.memref_squeeze %dma_start3A_307 : memref<1x10240x64xf32, #tpu.memory_space<hbm>> -> memref<10240x64xf32, #tpu.memory_space<hbm>>
        %dma_start3A_309 = arith.constant 0 : i32
        %dma_start3A_310 = tpu.memref_slice %dma_start3A_308[%add3A, %dma_start3A_309] : memref<10240x64xf32, #tpu.memory_space<hbm>> -> memref<64x64xf32, #tpu.memory_space<hbm>>
        %dma_start3A_311 = arith.constant 0 : i32
        %dma_start3A_312 = arith.constant 0 : i32
        %dma_start3A_313 = tpu.memref_slice %arg8[%arg0, %dma_start3A_311, %dma_start3A_312] : memref<2x10240x64xf32, #tpu.memory_space<hbm>> -> memref<1x10240x64xf32, #tpu.memory_space<hbm>>
        %dma_start3A_314 = tpu.memref_squeeze %dma_start3A_313 : memref<1x10240x64xf32, #tpu.memory_space<hbm>> -> memref<10240x64xf32, #tpu.memory_space<hbm>>
        %dma_start3A_315 = arith.constant 0 : i32
        %dma_start3A_316 = tpu.memref_slice %dma_start3A_314[%add3A, %dma_start3A_315] : memref<10240x64xf32, #tpu.memory_space<hbm>> -> memref<64x64xf32, #tpu.memory_space<hbm>>
        tpu.enqueue_dma source(%arg16 : memref<64x64xf32, #tpu.memory_space<vmem>>) target(%dma_start3A_316 : memref<64x64xf32, #tpu.memory_space<hbm>>) target_semaphore(%run_scoped3A : memref<!tpu.dma_semaphore, #tpu.memory_space<semaphore_mem>>)
        %dma_wait3A = arith.constant 0 : i32
        %dma_wait3A_317 = arith.constant 0 : i32
        %dma_wait3A_318 = tpu.memref_slice %arg8[%arg0, %dma_wait3A, %dma_wait3A_317] : memref<2x10240x64xf32, #tpu.memory_space<hbm>> -> memref<1x10240x64xf32, #tpu.memory_space<hbm>>
        %dma_wait3A_319 = tpu.memref_squeeze %dma_wait3A_318 : memref<1x10240x64xf32, #tpu.memory_space<hbm>> -> memref<10240x64xf32, #tpu.memory_space<hbm>>
        %dma_wait3A_320 = arith.constant 0 : i32
        %dma_wait3A_321 = tpu.memref_slice %dma_wait3A_319[%add3A, %dma_wait3A_320] : memref<10240x64xf32, #tpu.memory_space<hbm>> -> memref<64x64xf32, #tpu.memory_space<hbm>>
        %dma_wait3A_322 = arith.constant 0 : i32
        %dma_wait3A_323 = arith.constant 0 : i32
        %dma_wait3A_324 = tpu.memref_slice %arg8[%arg0, %dma_wait3A_322, %dma_wait3A_323] : memref<2x10240x64xf32, #tpu.memory_space<hbm>> -> memref<1x10240x64xf32, #tpu.memory_space<hbm>>
        %dma_wait3A_325 = tpu.memref_squeeze %dma_wait3A_324 : memref<1x10240x64xf32, #tpu.memory_space<hbm>> -> memref<10240x64xf32, #tpu.memory_space<hbm>>
        %dma_wait3A_326 = arith.constant 0 : i32
        %dma_wait3A_327 = tpu.memref_slice %dma_wait3A_325[%add3A, %dma_wait3A_326] : memref<10240x64xf32, #tpu.memory_space<hbm>> -> memref<64x64xf32, #tpu.memory_space<hbm>>
        tpu.wait_dma2 semaphore(%run_scoped3A : memref<!tpu.dma_semaphore, #tpu.memory_space<semaphore_mem>>) src(%arg16 : memref<64x64xf32, #tpu.memory_space<vmem>>) dst(%dma_wait3A_327 : memref<64x64xf32, #tpu.memory_space<hbm>>)
        tpu.yield
      }) : () -> ()
      "tpu.region"() ({
        %run_scoped3A = tpu.sem_alloc : memref<!tpu.dma_semaphore, #tpu.memory_space<semaphore_mem>>
        %dma_start3A_305 = arith.constant 0 : i32
        %dma_start3A_306 = tpu.memref_slice %arg22[%add3A, %dma_start3A_305] : memref<10240x64xf32, #tpu.memory_space<vmem_shared>> -> memref<64x64xf32, #tpu.memory_space<vmem_shared>>
        %dma_start3A_307 = arith.constant 0 : i32
        %dma_start3A_308 = tpu.memref_slice %arg22[%add3A, %dma_start3A_307] : memref<10240x64xf32, #tpu.memory_space<vmem_shared>> -> memref<64x64xf32, #tpu.memory_space<vmem_shared>>
        tpu.enqueue_dma source(%arg19 : memref<64x64xf32, #tpu.memory_space<vmem>>) target(%dma_start3A_308 : memref<64x64xf32, #tpu.memory_space<vmem_shared>>) target_semaphore(%run_scoped3A : memref<!tpu.dma_semaphore, #tpu.memory_space<semaphore_mem>>)
        %dma_wait3A = arith.constant 0 : i32
        %dma_wait3A_309 = tpu.memref_slice %arg22[%add3A, %dma_wait3A] : memref<10240x64xf32, #tpu.memory_space<vmem_shared>> -> memref<64x64xf32, #tpu.memory_space<vmem_shared>>
        %dma_wait3A_310 = arith.constant 0 : i32
        %dma_wait3A_311 = tpu.memref_slice %arg22[%add3A, %dma_wait3A_310] : memref<10240x64xf32, #tpu.memory_space<vmem_shared>> -> memref<64x64xf32, #tpu.memory_space<vmem_shared>>
        tpu.wait_dma2 semaphore(%run_scoped3A : memref<!tpu.dma_semaphore, #tpu.memory_space<semaphore_mem>>) src(%arg19 : memref<64x64xf32, #tpu.memory_space<vmem>>) dst(%dma_wait3A_311 : memref<64x64xf32, #tpu.memory_space<vmem_shared>>)
        tpu.yield
      }) : () -> ()
      %scan3A_304 = arith.constant 0 : i32
      scf.yield %scan3A_304 : i32
    }
    %scan3A_292 = arith.constant 10 : i32
    return
  }
}

module attributes {stable_mosaic.version = 14 : i64} {
  func.func @_tc1_body(%arg0: i32, %arg1: i32, %arg2: memref<1x1000x128xf32, #tpu.memory_space<vmem>>, %arg3: memref<1x128xf32, #tpu.memory_space<vmem>>, %arg4: memref<1x128xf32, #tpu.memory_space<vmem>>, %arg5: memref<128x32xf32, #tpu.memory_space<vmem>>, %arg6: memref<1x32xf32, #tpu.memory_space<vmem>>, %arg7: memref<1x32xf32, #tpu.memory_space<vmem>>, %arg8: memref<1x32xf32, #tpu.memory_space<vmem>>, %arg9: memref<32x16xf32, #tpu.memory_space<vmem>>, %arg10: memref<1x1000x16xf32, #tpu.memory_space<vmem>>) attributes {dimension_semantics = [#tpu.dimension_semantics<arbitrary>, #tpu.dimension_semantics<arbitrary>], iteration_bounds = array<i64: 8, 10>, scalar_prefetch = 0 : i64, scratch_operands = 0 : i64, tpu.core_type = #tpu.core_type<tc>, window_params = [{transform_indices = @transform_0, window_bounds = array<i64: 1, 1000, 128>}, {pipeline_mode = #tpu.pipeline_mode<synchronous>, transform_indices = @transform_1, window_bounds = array<i64: 1, 128>}, {pipeline_mode = #tpu.pipeline_mode<synchronous>, transform_indices = @transform_2, window_bounds = array<i64: 1, 128>}, {pipeline_mode = #tpu.pipeline_mode<synchronous>, transform_indices = @transform_3, window_bounds = array<i64: 128, 32>}, {pipeline_mode = #tpu.pipeline_mode<synchronous>, transform_indices = @transform_4, window_bounds = array<i64: 1, 32>}, {pipeline_mode = #tpu.pipeline_mode<synchronous>, transform_indices = @transform_5, window_bounds = array<i64: 1, 32>}, {pipeline_mode = #tpu.pipeline_mode<synchronous>, transform_indices = @transform_6, window_bounds = array<i64: 1, 32>}, {pipeline_mode = #tpu.pipeline_mode<synchronous>, transform_indices = @transform_7, window_bounds = array<i64: 32, 16>}, {transform_indices = @transform_8, window_bounds = array<i64: 1, 1000, 16>}]} {
    %get3A = arith.constant 0 : index
    %get3A_0 = arith.constant 0 : index
    %get3A_1 = arith.constant 0 : index
    %get3A_2 = vector.load %arg2[%get3A, %get3A_0, %get3A_1] : memref<1x1000x128xf32, #tpu.memory_space<vmem>>, vector<1x1000x128xf32>
    %get3A_3 = vector.shape_cast %get3A_2 : vector<1x1000x128xf32> to vector<1000x128xf32>
    %reduce_sum3A = arith.constant dense<0.000000e+00> : vector<1000xf32>
    %reduce_sum3A_4 = vector.multi_reduction <add>, %get3A_3, %reduce_sum3A [1] : vector<1000x128xf32> to vector<1000xf32>
    %broadcast_in_dim3A = vector.shape_cast %reduce_sum3A_4 : vector<1000xf32> to vector<1000x1xf32>
    %div3A = arith.constant 1.280000e+02 : f32
    %div3A_5 = vector.broadcast %div3A : f32 to vector<1000x1xf32>
    %div3A_6 = arith.divf %broadcast_in_dim3A, %div3A_5 : vector<1000x1xf32>
    %sub3A = vector.broadcast %div3A_6 : vector<1000x1xf32> to vector<1000x128xf32>
    %sub3A_7 = arith.subf %get3A_3, %sub3A : vector<1000x128xf32>
    %integer_pow3A = arith.mulf %sub3A_7, %sub3A_7 : vector<1000x128xf32>
    %reduce_sum3A_8 = arith.constant dense<0.000000e+00> : vector<1000xf32>
    %reduce_sum3A_9 = vector.multi_reduction <add>, %integer_pow3A, %reduce_sum3A_8 [1] : vector<1000x128xf32> to vector<1000xf32>
    %broadcast_in_dim3A_10 = vector.shape_cast %reduce_sum3A_9 : vector<1000xf32> to vector<1000x1xf32>
    %div3A_11 = arith.constant 1.280000e+02 : f32
    %div3A_12 = vector.broadcast %div3A_11 : f32 to vector<1000x1xf32>
    %div3A_13 = arith.divf %broadcast_in_dim3A_10, %div3A_12 : vector<1000x1xf32>
    %sub3A_14 = vector.broadcast %div3A_6 : vector<1000x1xf32> to vector<1000x128xf32>
    %sub3A_15 = arith.subf %get3A_3, %sub3A_14 : vector<1000x128xf32>
    %add3A = arith.constant 9.99999974E-6 : f32
    %add3A_16 = vector.broadcast %add3A : f32 to vector<1000x1xf32>
    %add3A_17 = arith.addf %div3A_13, %add3A_16 : vector<1000x1xf32>
    %sqrt3A = math.sqrt %add3A_17 : vector<1000x1xf32>
    %div3A_18 = vector.broadcast %sqrt3A : vector<1000x1xf32> to vector<1000x128xf32>
    %div3A_19 = arith.divf %sub3A_15, %div3A_18 : vector<1000x128xf32>
    %get3A_20 = arith.constant 0 : index
    %get3A_21 = arith.constant 0 : index
    %get3A_22 = vector.load %arg3[%get3A_20, %get3A_21] : memref<1x128xf32, #tpu.memory_space<vmem>>, vector<1x128xf32>
    %get3A_23 = vector.shape_cast %get3A_22 : vector<1x128xf32> to vector<128xf32>
    %broadcast_in_dim3A_24 = vector.shape_cast %get3A_23 : vector<128xf32> to vector<1x128xf32>
    %mul3A = vector.broadcast %broadcast_in_dim3A_24 : vector<1x128xf32> to vector<1000x128xf32>
    %mul3A_25 = arith.mulf %div3A_19, %mul3A : vector<1000x128xf32>
    %get3A_26 = arith.constant 0 : index
    %get3A_27 = arith.constant 0 : index
    %get3A_28 = vector.load %arg4[%get3A_26, %get3A_27] : memref<1x128xf32, #tpu.memory_space<vmem>>, vector<1x128xf32>
    %get3A_29 = vector.shape_cast %get3A_28 : vector<1x128xf32> to vector<128xf32>
    %broadcast_in_dim3A_30 = vector.shape_cast %get3A_29 : vector<128xf32> to vector<1x128xf32>
    %add3A_31 = vector.broadcast %broadcast_in_dim3A_30 : vector<1x128xf32> to vector<1000x128xf32>
    %add3A_32 = arith.addf %mul3A_25, %add3A_31 : vector<1000x128xf32>
    %max3A = arith.constant 0.000000e+00 : f32
    %max3A_33 = vector.broadcast %max3A : f32 to vector<1000x128xf32>
    %max3A_34 = arith.maximumf %add3A_32, %max3A_33 : vector<1000x128xf32>
    %get3A_35 = arith.constant 0 : index
    %get3A_36 = arith.constant 0 : index
    %get3A_37 = vector.load %arg5[%get3A_35, %get3A_36] : memref<128x32xf32, #tpu.memory_space<vmem>>, vector<128x32xf32>
    %dot_general3A = arith.constant dense<0.000000e+00> : vector<1000x32xf32>
    %dot_general3A_38 = tpu.matmul %max3A_34, %get3A_37, %dot_general3A {dimension_numbers = #tpu.dot_dimension_numbers<[1], [0], [0], [1], [0, 0, 1, 1], [], []>, transpose_lhs_hint = false} : vector<1000x128xf32>, vector<128x32xf32>, vector<1000x32xf32> -> vector<1000x32xf32>
    %get3A_39 = arith.constant 0 : index
    %get3A_40 = arith.constant 0 : index
    %get3A_41 = vector.load %arg6[%get3A_39, %get3A_40] : memref<1x32xf32, #tpu.memory_space<vmem>>, vector<1x32xf32>
    %get3A_42 = vector.shape_cast %get3A_41 : vector<1x32xf32> to vector<32xf32>
    %broadcast_in_dim3A_43 = vector.shape_cast %get3A_42 : vector<32xf32> to vector<1x32xf32>
    %add3A_44 = vector.broadcast %broadcast_in_dim3A_43 : vector<1x32xf32> to vector<1000x32xf32>
    %add3A_45 = arith.addf %dot_general3A_38, %add3A_44 : vector<1000x32xf32>
    %reduce_sum3A_46 = arith.constant dense<0.000000e+00> : vector<1000xf32>
    %reduce_sum3A_47 = vector.multi_reduction <add>, %add3A_45, %reduce_sum3A_46 [1] : vector<1000x32xf32> to vector<1000xf32>
    %broadcast_in_dim3A_48 = vector.shape_cast %reduce_sum3A_47 : vector<1000xf32> to vector<1000x1xf32>
    %div3A_49 = arith.constant 3.200000e+01 : f32
    %div3A_50 = vector.broadcast %div3A_49 : f32 to vector<1000x1xf32>
    %div3A_51 = arith.divf %broadcast_in_dim3A_48, %div3A_50 : vector<1000x1xf32>
    %sub3A_52 = vector.broadcast %div3A_51 : vector<1000x1xf32> to vector<1000x32xf32>
    %sub3A_53 = arith.subf %add3A_45, %sub3A_52 : vector<1000x32xf32>
    %integer_pow3A_54 = arith.mulf %sub3A_53, %sub3A_53 : vector<1000x32xf32>
    %reduce_sum3A_55 = arith.constant dense<0.000000e+00> : vector<1000xf32>
    %reduce_sum3A_56 = vector.multi_reduction <add>, %integer_pow3A_54, %reduce_sum3A_55 [1] : vector<1000x32xf32> to vector<1000xf32>
    %broadcast_in_dim3A_57 = vector.shape_cast %reduce_sum3A_56 : vector<1000xf32> to vector<1000x1xf32>
    %div3A_58 = arith.constant 3.200000e+01 : f32
    %div3A_59 = vector.broadcast %div3A_58 : f32 to vector<1000x1xf32>
    %div3A_60 = arith.divf %broadcast_in_dim3A_57, %div3A_59 : vector<1000x1xf32>
    %sub3A_61 = vector.broadcast %div3A_51 : vector<1000x1xf32> to vector<1000x32xf32>
    %sub3A_62 = arith.subf %add3A_45, %sub3A_61 : vector<1000x32xf32>
    %add3A_63 = arith.constant 9.99999974E-6 : f32
    %add3A_64 = vector.broadcast %add3A_63 : f32 to vector<1000x1xf32>
    %add3A_65 = arith.addf %div3A_60, %add3A_64 : vector<1000x1xf32>
    %sqrt3A_66 = math.sqrt %add3A_65 : vector<1000x1xf32>
    %div3A_67 = vector.broadcast %sqrt3A_66 : vector<1000x1xf32> to vector<1000x32xf32>
    %div3A_68 = arith.divf %sub3A_62, %div3A_67 : vector<1000x32xf32>
    %get3A_69 = arith.constant 0 : index
    %get3A_70 = arith.constant 0 : index
    %get3A_71 = vector.load %arg7[%get3A_69, %get3A_70] : memref<1x32xf32, #tpu.memory_space<vmem>>, vector<1x32xf32>
    %get3A_72 = vector.shape_cast %get3A_71 : vector<1x32xf32> to vector<32xf32>
    %broadcast_in_dim3A_73 = vector.shape_cast %get3A_72 : vector<32xf32> to vector<1x32xf32>
    %mul3A_74 = vector.broadcast %broadcast_in_dim3A_73 : vector<1x32xf32> to vector<1000x32xf32>
    %mul3A_75 = arith.mulf %div3A_68, %mul3A_74 : vector<1000x32xf32>
    %get3A_76 = arith.constant 0 : index
    %get3A_77 = arith.constant 0 : index
    %get3A_78 = vector.load %arg8[%get3A_76, %get3A_77] : memref<1x32xf32, #tpu.memory_space<vmem>>, vector<1x32xf32>
    %get3A_79 = vector.shape_cast %get3A_78 : vector<1x32xf32> to vector<32xf32>
    %broadcast_in_dim3A_80 = vector.shape_cast %get3A_79 : vector<32xf32> to vector<1x32xf32>
    %add3A_81 = vector.broadcast %broadcast_in_dim3A_80 : vector<1x32xf32> to vector<1000x32xf32>
    %add3A_82 = arith.addf %mul3A_75, %add3A_81 : vector<1000x32xf32>
    %max3A_83 = arith.constant 0.000000e+00 : f32
    %max3A_84 = vector.broadcast %max3A_83 : f32 to vector<1000x32xf32>
    %max3A_85 = arith.maximumf %add3A_82, %max3A_84 : vector<1000x32xf32>
    %get3A_86 = arith.constant 0 : index
    %get3A_87 = arith.constant 0 : index
    %get3A_88 = vector.load %arg9[%get3A_86, %get3A_87] : memref<32x16xf32, #tpu.memory_space<vmem>>, vector<32x16xf32>
    %dot_general3A_89 = arith.constant dense<0.000000e+00> : vector<1000x16xf32>
    %dot_general3A_90 = tpu.matmul %max3A_85, %get3A_88, %dot_general3A_89 {dimension_numbers = #tpu.dot_dimension_numbers<[1], [0], [0], [1], [0, 0, 1, 1], [], []>, transpose_lhs_hint = false} : vector<1000x32xf32>, vector<32x16xf32>, vector<1000x16xf32> -> vector<1000x16xf32>
    %swap3A = arith.constant 0 : index
    %swap3A_91 = arith.constant 0 : index
    %swap3A_92 = arith.constant 0 : index
    %swap3A_93 = vector.load %arg10[%swap3A, %swap3A_91, %swap3A_92] : memref<1x1000x16xf32, #tpu.memory_space<vmem>>, vector<1x1000x16xf32>
    %swap3A_94 = vector.shape_cast %swap3A_93 : vector<1x1000x16xf32> to vector<1000x16xf32>
    %swap3A_95 = vector.shape_cast %dot_general3A_90 : vector<1000x16xf32> to vector<1x1000x16xf32>
    tpu.vector_store %arg10[%swap3A, %swap3A_91, %swap3A_92], %swap3A_95 {strides = array<i32>} : memref<1x1000x16xf32, #tpu.memory_space<vmem>>, vector<1x1000x16xf32>,
    return
  }
  func.func @transform_0(%arg0: i32, %arg1: i32) -> (i32, i32, i32) {
    %c0_i32 = arith.constant 0 : i32
    %c0_i32_0 = arith.constant 0 : i32
    return %arg0, %arg1, %c0_i32 : i32, i32, i32
  }
  func.func @transform_1(%arg0: i32, %arg1: i32) -> (i32, i32) {
    %c0_i32 = arith.constant 0 : i32
    %c0_i32_0 = arith.constant 0 : i32
    %c0_i32_1 = arith.constant 0 : i32
    return %c0_i32, %c0_i32_0 : i32, i32
  }
  func.func @transform_2(%arg0: i32, %arg1: i32) -> (i32, i32) {
    %c0_i32 = arith.constant 0 : i32
    %c0_i32_0 = arith.constant 0 : i32
    %c0_i32_1 = arith.constant 0 : i32
    return %c0_i32, %c0_i32_0 : i32, i32
  }
  func.func @transform_3(%arg0: i32, %arg1: i32) -> (i32, i32) {
    %c0_i32 = arith.constant 0 : i32
    %c0_i32_0 = arith.constant 0 : i32
    %c0_i32_1 = arith.constant 0 : i32
    return %c0_i32, %c0_i32_0 : i32, i32
  }
  func.func @transform_4(%arg0: i32, %arg1: i32) -> (i32, i32) {
    %c0_i32 = arith.constant 0 : i32
    %c0_i32_0 = arith.constant 0 : i32
    %c0_i32_1 = arith.constant 0 : i32
    return %c0_i32, %c0_i32_0 : i32, i32
  }
  func.func @transform_5(%arg0: i32, %arg1: i32) -> (i32, i32) {
    %c0_i32 = arith.constant 0 : i32
    %c0_i32_0 = arith.constant 0 : i32
    %c0_i32_1 = arith.constant 0 : i32
    return %c0_i32, %c0_i32_0 : i32, i32
  }
  func.func @transform_6(%arg0: i32, %arg1: i32) -> (i32, i32) {
    %c0_i32 = arith.constant 0 : i32
    %c0_i32_0 = arith.constant 0 : i32
    %c0_i32_1 = arith.constant 0 : i32
    return %c0_i32, %c0_i32_0 : i32, i32
  }
  func.func @transform_7(%arg0: i32, %arg1: i32) -> (i32, i32) {
    %c0_i32 = arith.constant 0 : i32
    %c0_i32_0 = arith.constant 0 : i32
    %c0_i32_1 = arith.constant 0 : i32
    return %c0_i32, %c0_i32_0 : i32, i32
  }
  func.func @transform_8(%arg0: i32, %arg1: i32) -> (i32, i32, i32) {
    %c0_i32 = arith.constant 0 : i32
    %c0_i32_0 = arith.constant 0 : i32
    return %arg0, %arg1, %c0_i32 : i32, i32, i32
  }
}

module attributes {stable_mosaic.version = 14 : i64} {
  func.func @_tc2_body(%arg0: i32, %arg1: i32, %arg2: memref<1x1000x16xf32, #tpu.memory_space<vmem>>, %arg3: memref<1x1000x128xf32, #tpu.memory_space<vmem>>, %arg4: memref<16x64xf32, #tpu.memory_space<vmem>>, %arg5: memref<1x64xf32, #tpu.memory_space<vmem>>, %arg6: memref<1x64xf32, #tpu.memory_space<vmem>>, %arg7: memref<1x64xf32, #tpu.memory_space<vmem>>, %arg8: memref<64x128xf32, #tpu.memory_space<vmem>>, %arg9: memref<1x128xf32, #tpu.memory_space<vmem>>, %arg10: memref<1x1000x128xf32, #tpu.memory_space<vmem>>) attributes {dimension_semantics = [#tpu.dimension_semantics<arbitrary>, #tpu.dimension_semantics<arbitrary>], iteration_bounds = array<i64: 8, 10>, scalar_prefetch = 0 : i64, scratch_operands = 0 : i64, tpu.core_type = #tpu.core_type<tc>, window_params = [{transform_indices = @transform_0, window_bounds = array<i64: 1, 1000, 16>}, {transform_indices = @transform_1, window_bounds = array<i64: 1, 1000, 128>}, {pipeline_mode = #tpu.pipeline_mode<synchronous>, transform_indices = @transform_2, window_bounds = array<i64: 16, 64>}, {pipeline_mode = #tpu.pipeline_mode<synchronous>, transform_indices = @transform_3, window_bounds = array<i64: 1, 64>}, {pipeline_mode = #tpu.pipeline_mode<synchronous>, transform_indices = @transform_4, window_bounds = array<i64: 1, 64>}, {pipeline_mode = #tpu.pipeline_mode<synchronous>, transform_indices = @transform_5, window_bounds = array<i64: 1, 64>}, {pipeline_mode = #tpu.pipeline_mode<synchronous>, transform_indices = @transform_6, window_bounds = array<i64: 64, 128>}, {pipeline_mode = #tpu.pipeline_mode<synchronous>, transform_indices = @transform_7, window_bounds = array<i64: 1, 128>}, {transform_indices = @transform_8, window_bounds = array<i64: 1, 1000, 128>}]} {
    %get3A = arith.constant 0 : index
    %get3A_0 = arith.constant 0 : index
    %get3A_1 = arith.constant 0 : index
    %get3A_2 = vector.load %arg2[%get3A, %get3A_0, %get3A_1] : memref<1x1000x16xf32, #tpu.memory_space<vmem>>, vector<1x1000x16xf32>
    %get3A_3 = vector.shape_cast %get3A_2 : vector<1x1000x16xf32> to vector<1000x16xf32>
    %get3A_4 = arith.constant 0 : index
    %get3A_5 = arith.constant 0 : index
    %get3A_6 = vector.load %arg4[%get3A_4, %get3A_5] : memref<16x64xf32, #tpu.memory_space<vmem>>, vector<16x64xf32>
    %dot_general3A = arith.constant dense<0.000000e+00> : vector<1000x64xf32>
    %dot_general3A_7 = tpu.matmul %get3A_3, %get3A_6, %dot_general3A {dimension_numbers = #tpu.dot_dimension_numbers<[1], [0], [0], [1], [0, 0, 1, 1], [], []>, transpose_lhs_hint = false} : vector<1000x16xf32>, vector<16x64xf32>, vector<1000x64xf32> -> vector<1000x64xf32>
    %get3A_8 = arith.constant 0 : index
    %get3A_9 = arith.constant 0 : index
    %get3A_10 = vector.load %arg5[%get3A_8, %get3A_9] : memref<1x64xf32, #tpu.memory_space<vmem>>, vector<1x64xf32>
    %get3A_11 = vector.shape_cast %get3A_10 : vector<1x64xf32> to vector<64xf32>
    %broadcast_in_dim3A = vector.shape_cast %get3A_11 : vector<64xf32> to vector<1x64xf32>
    %add3A = vector.broadcast %broadcast_in_dim3A : vector<1x64xf32> to vector<1000x64xf32>
    %add3A_12 = arith.addf %dot_general3A_7, %add3A : vector<1000x64xf32>
    %reduce_sum3A = arith.constant dense<0.000000e+00> : vector<1000xf32>
    %reduce_sum3A_13 = vector.multi_reduction <add>, %add3A_12, %reduce_sum3A [1] : vector<1000x64xf32> to vector<1000xf32>
    %broadcast_in_dim3A_14 = vector.shape_cast %reduce_sum3A_13 : vector<1000xf32> to vector<1000x1xf32>
    %div3A = arith.constant 6.400000e+01 : f32
    %div3A_15 = vector.broadcast %div3A : f32 to vector<1000x1xf32>
    %div3A_16 = arith.divf %broadcast_in_dim3A_14, %div3A_15 : vector<1000x1xf32>
    %sub3A = vector.broadcast %div3A_16 : vector<1000x1xf32> to vector<1000x64xf32>
    %sub3A_17 = arith.subf %add3A_12, %sub3A : vector<1000x64xf32>
    %integer_pow3A = arith.mulf %sub3A_17, %sub3A_17 : vector<1000x64xf32>
    %reduce_sum3A_18 = arith.constant dense<0.000000e+00> : vector<1000xf32>
    %reduce_sum3A_19 = vector.multi_reduction <add>, %integer_pow3A, %reduce_sum3A_18 [1] : vector<1000x64xf32> to vector<1000xf32>
    %broadcast_in_dim3A_20 = vector.shape_cast %reduce_sum3A_19 : vector<1000xf32> to vector<1000x1xf32>
    %div3A_21 = arith.constant 6.400000e+01 : f32
    %div3A_22 = vector.broadcast %div3A_21 : f32 to vector<1000x1xf32>
    %div3A_23 = arith.divf %broadcast_in_dim3A_20, %div3A_22 : vector<1000x1xf32>
    %sub3A_24 = vector.broadcast %div3A_16 : vector<1000x1xf32> to vector<1000x64xf32>
    %sub3A_25 = arith.subf %add3A_12, %sub3A_24 : vector<1000x64xf32>
    %add3A_26 = arith.constant 9.99999974E-6 : f32
    %add3A_27 = vector.broadcast %add3A_26 : f32 to vector<1000x1xf32>
    %add3A_28 = arith.addf %div3A_23, %add3A_27 : vector<1000x1xf32>
    %sqrt3A = math.sqrt %add3A_28 : vector<1000x1xf32>
    %div3A_29 = vector.broadcast %sqrt3A : vector<1000x1xf32> to vector<1000x64xf32>
    %div3A_30 = arith.divf %sub3A_25, %div3A_29 : vector<1000x64xf32>
    %get3A_31 = arith.constant 0 : index
    %get3A_32 = arith.constant 0 : index
    %get3A_33 = vector.load %arg6[%get3A_31, %get3A_32] : memref<1x64xf32, #tpu.memory_space<vmem>>, vector<1x64xf32>
    %get3A_34 = vector.shape_cast %get3A_33 : vector<1x64xf32> to vector<64xf32>
    %broadcast_in_dim3A_35 = vector.shape_cast %get3A_34 : vector<64xf32> to vector<1x64xf32>
    %mul3A = vector.broadcast %broadcast_in_dim3A_35 : vector<1x64xf32> to vector<1000x64xf32>
    %mul3A_36 = arith.mulf %div3A_30, %mul3A : vector<1000x64xf32>
    %get3A_37 = arith.constant 0 : index
    %get3A_38 = arith.constant 0 : index
    %get3A_39 = vector.load %arg7[%get3A_37, %get3A_38] : memref<1x64xf32, #tpu.memory_space<vmem>>, vector<1x64xf32>
    %get3A_40 = vector.shape_cast %get3A_39 : vector<1x64xf32> to vector<64xf32>
    %broadcast_in_dim3A_41 = vector.shape_cast %get3A_40 : vector<64xf32> to vector<1x64xf32>
    %add3A_42 = vector.broadcast %broadcast_in_dim3A_41 : vector<1x64xf32> to vector<1000x64xf32>
    %add3A_43 = arith.addf %mul3A_36, %add3A_42 : vector<1000x64xf32>
    %max3A = arith.constant 0.000000e+00 : f32
    %max3A_44 = vector.broadcast %max3A : f32 to vector<1000x64xf32>
    %max3A_45 = arith.maximumf %add3A_43, %max3A_44 : vector<1000x64xf32>
    %get3A_46 = arith.constant 0 : index
    %get3A_47 = arith.constant 0 : index
    %get3A_48 = vector.load %arg8[%get3A_46, %get3A_47] : memref<64x128xf32, #tpu.memory_space<vmem>>, vector<64x128xf32>
    %dot_general3A_49 = arith.constant dense<0.000000e+00> : vector<1000x128xf32>
    %dot_general3A_50 = tpu.matmul %max3A_45, %get3A_48, %dot_general3A_49 {dimension_numbers = #tpu.dot_dimension_numbers<[1], [0], [0], [1], [0, 0, 1, 1], [], []>, transpose_lhs_hint = false} : vector<1000x64xf32>, vector<64x128xf32>, vector<1000x128xf32> -> vector<1000x128xf32>
    %get3A_51 = arith.constant 0 : index
    %get3A_52 = arith.constant 0 : index
    %get3A_53 = vector.load %arg9[%get3A_51, %get3A_52] : memref<1x128xf32, #tpu.memory_space<vmem>>, vector<1x128xf32>
    %get3A_54 = vector.shape_cast %get3A_53 : vector<1x128xf32> to vector<128xf32>
    %broadcast_in_dim3A_55 = vector.shape_cast %get3A_54 : vector<128xf32> to vector<1x128xf32>
    %add3A_56 = vector.broadcast %broadcast_in_dim3A_55 : vector<1x128xf32> to vector<1000x128xf32>
    %add3A_57 = arith.addf %dot_general3A_50, %add3A_56 : vector<1000x128xf32>
    %get3A_58 = arith.constant 0 : index
    %get3A_59 = arith.constant 0 : index
    %get3A_60 = arith.constant 0 : index
    %get3A_61 = vector.load %arg3[%get3A_58, %get3A_59, %get3A_60] : memref<1x1000x128xf32, #tpu.memory_space<vmem>>, vector<1x1000x128xf32>
    %get3A_62 = vector.shape_cast %get3A_61 : vector<1x1000x128xf32> to vector<1000x128xf32>
    %add3A_63 = arith.addf %get3A_62, %add3A_57 : vector<1000x128xf32>
    %swap3A = arith.constant 0 : index
    %swap3A_64 = arith.constant 0 : index
    %swap3A_65 = arith.constant 0 : index
    %swap3A_66 = vector.load %arg10[%swap3A, %swap3A_64, %swap3A_65] : memref<1x1000x128xf32, #tpu.memory_space<vmem>>, vector<1x1000x128xf32>
    %swap3A_67 = vector.shape_cast %swap3A_66 : vector<1x1000x128xf32> to vector<1000x128xf32>
    %swap3A_68 = vector.shape_cast %add3A_63 : vector<1000x128xf32> to vector<1x1000x128xf32>
    tpu.vector_store %arg10[%swap3A, %swap3A_64, %swap3A_65], %swap3A_68 {strides = array<i32>} : memref<1x1000x128xf32, #tpu.memory_space<vmem>>, vector<1x1000x128xf32>,
    return
  }
  func.func @transform_0(%arg0: i32, %arg1: i32) -> (i32, i32, i32) {
    %c0_i32 = arith.constant 0 : i32
    %c0_i32_0 = arith.constant 0 : i32
    return %arg0, %arg1, %c0_i32 : i32, i32, i32
  }
  func.func @transform_1(%arg0: i32, %arg1: i32) -> (i32, i32, i32) {
    %c0_i32 = arith.constant 0 : i32
    %c0_i32_0 = arith.constant 0 : i32
    return %arg0, %arg1, %c0_i32 : i32, i32, i32
  }
  func.func @transform_2(%arg0: i32, %arg1: i32) -> (i32, i32) {
    %c0_i32 = arith.constant 0 : i32
    %c0_i32_0 = arith.constant 0 : i32
    %c0_i32_1 = arith.constant 0 : i32
    return %c0_i32, %c0_i32_0 : i32, i32
  }
  func.func @transform_3(%arg0: i32, %arg1: i32) -> (i32, i32) {
    %c0_i32 = arith.constant 0 : i32
    %c0_i32_0 = arith.constant 0 : i32
    %c0_i32_1 = arith.constant 0 : i32
    return %c0_i32, %c0_i32_0 : i32, i32
  }
  func.func @transform_4(%arg0: i32, %arg1: i32) -> (i32, i32) {
    %c0_i32 = arith.constant 0 : i32
    %c0_i32_0 = arith.constant 0 : i32
    %c0_i32_1 = arith.constant 0 : i32
    return %c0_i32, %c0_i32_0 : i32, i32
  }
  func.func @transform_5(%arg0: i32, %arg1: i32) -> (i32, i32) {
    %c0_i32 = arith.constant 0 : i32
    %c0_i32_0 = arith.constant 0 : i32
    %c0_i32_1 = arith.constant 0 : i32
    return %c0_i32, %c0_i32_0 : i32, i32
  }
  func.func @transform_6(%arg0: i32, %arg1: i32) -> (i32, i32) {
    %c0_i32 = arith.constant 0 : i32
    %c0_i32_0 = arith.constant 0 : i32
    %c0_i32_1 = arith.constant 0 : i32
    return %c0_i32, %c0_i32_0 : i32, i32
  }
  func.func @transform_7(%arg0: i32, %arg1: i32) -> (i32, i32) {
    %c0_i32 = arith.constant 0 : i32
    %c0_i32_0 = arith.constant 0 : i32
    %c0_i32_1 = arith.constant 0 : i32
    return %c0_i32, %c0_i32_0 : i32, i32
  }
  func.func @transform_8(%arg0: i32, %arg1: i32) -> (i32, i32, i32) {
    %c0_i32 = arith.constant 0 : i32
    %c0_i32_0 = arith.constant 0 : i32
    return %arg0, %arg1, %c0_i32 : i32, i32, i32
  }
}

</mosaic_0001>

<sc_bundles>
// kernel: kernel.5.cloned.1.call-start
scs
__scs_entry_jumppad:
0x0: {  	(pc) =	sbr.rel $0x88, $3  }
0x1: {  	(tag) =	ssettag $0x0;
	lr =	simm.s32 $0x1  }
0x2: {  	[smem:$0x3F91] =	sst lr;
	_ =	strace $0xD0000000  }
0x3: {  	_ = 	snop  }
0x4: {  	_ = 	snop  }
0x5: {  	_ = 	snop  }
0x6: {  	_ = 	snop  }
0x7: {  	_ = 	snop  }
__scs_overlays_trampoline_lowered:
0x8: {  	[smem:$0x3FA0] =	sst s0  }
0x9: {  	[smem:$0x3FA1] =	sst s1  }
0xa: {  	[smem:$0x3FA2] =	sst s2  }
0xb: {  	[smem:$0x3FA3] =	sst s3  }
0xc: {  	[smem:$0x3FA4] =	sst s4  }
0xd: {  	[smem:$0x3FA5] =	sst s5  }
0xe: {  	[smem:$0x3FA6] =	sst s6  }
0xf: {  	[smem:$0x3FA7] =	sst s7  }
0x10: {  	[smem:$0x3FA8] =	sst s8  }
0x11: {  	[smem:$0x3FA9] =	sst s9;
	s0 =	simm.s32 @!p0 $0x0  }
0x12: {  	s1 =	sld [smem:$0x3F8F];
	s0 =	simm.s32 @p0 $0x1  }
0x13: {  	[smem:$0x3FAA] =	sst s0;
	s0 =	simm.s32 @!p1 $0x0  }
0x14: {  	s2 =	sld [smem:$0x3F8E];
	s0 =	simm.s32 @p1 $0x1  }
0x15: {  	[smem:$0x3FAB] =	sst s0;
	s0 =	simm.s32 @!p2 $0x0  }
0x16: {  	s3 =	sld [smem:$0x3FDB];
	s0 =	simm.s32 @p2 $0x1  }
0x17: {  	s4 =	simm.s32 $0x1BF5;
	[smem:$0x3FAD] =	sst s0  }
0x18: {  	s0 =	sld [smem:$0x3F90];
	_ =	swait.ge [sflag:s4], $0x0  }
0x19: {  	s7 =	sld [smem:$0x3F91]  }
0x1a: {  	s8 =	sadd.s32 $0xFFFFE003, lr  }
0x1b: {  	s9 =	sadd.s32 $0xFFFFFEF7, lr;
	s5 =	simm.s32 $0xFFFFFFFF;
	p2 =	slt.u32 s8, $0xFFFFF086  }
0x1c: {  	p1 =	slt.u32 s9, $0xF7A;
	s5 =	simm.s32 @!p2 $0x0  }
0x1d: {  	s5 =	simm.s32 @p1 $0x1;
	p0 =	seq.s32 s7, s2  }
0x1e: {  	s7 =	smul.u32 @!p0 $0xF7A, s2;
	p2 =	seq.s32 @!p0 s5, $0x0  }
0x1f: {  	s9 =	smul.u32 $0xF7A, s1;
	s8 =	simm.s32 @!p0 $0x1BF5;
	p2 =	por !p2, p0  }
0x20: {  	[sflag:s8] =	ssyncset.s32 @!p0 $0xFFFFF086;
	s6 =	sadd.s32 @!p0 s3, s7;
	s7 =	simm.s32 @!p0 $0x108  }
0x21: {  	s3 =	sadd.s32 s3, s9;
	s6 =	sadd.s32 @!p0 $0x88, s6;
	s7 =	simm.s32 @p2 $0x1082  }
0x22: {  	[simem:s7], [sflag:s8] =	dma.local @!p0 [hbm:s6], $0xF7A  }
0x23: {  	s9 =	sor.u32 $0xD0000000, s2;
	s6 =	simm.s32 $0x108;
	_ =	swait.ge @!p0 [sflag:s8], $0x0  }
0x24: {  	s3 =	sadd.s32 $0x88, s3;
	s6 =	simm.s32 @!p1 $0x1082;
	[sflag:s4] =	ssyncset.s32 $0xFFFFF086  }
0x25: {  	[simem:s6], [sflag:s4] =	dma.local [hbm:s3], $0xF7A  }
0x26: {  	[smem:$0x3F91] =	sst s1;
	(tag) =	ssettag s2;
	_ =	strace s9  }
0x27: {  	s1 =	sld [smem:$0x3FA1]  }
0x28: {  	s2 =	sld [smem:$0x3FA2]  }
0x29: {  	s4 =	sld [smem:$0x3FA4]  }
0x2a: {  	p0 =	seq.s32 s5, $0x0;
	s5 =	sld [smem:$0x3FA5]  }
0x2b: {  	s6 =	sld [smem:$0x3FA6]  }
0x2c: {  	s7 =	sld [smem:$0x3FA7]  }
0x2d: {  	s3 =	simm.s32 $0x108;
	s8 =	sld [smem:$0x3FA8]  }
0x2e: {  	s3 =	simm.s32 @!p0 $0x1082;
	s9 =	sld [smem:$0x3FA9]  }
0x2f: {  	lr =	sadd.s32 s0, s3;
	s0 =	sld [smem:$0x3FA0]  }
0x30: {  	s3 =	sld [smem:$0x3FA3]  }
0x31: {  	[smem:$0x3FAC] =	sst s10  }
0x32: {  	s10 =	sld [smem:$0x3FAA];
	_ =	sdelay $0x3  }
0x33: {  	p0 =	seq.s32 s10, $0x1;
	s10 =	sld [smem:$0x3FAC];
	_ =	sdelay $0x3  }
0x34: {  	[smem:$0x3FAC] =	sst s10  }
0x35: {  	s10 =	sld [smem:$0x3FAB];
	_ =	sdelay $0x3  }
0x36: {  	p1 =	seq.s32 s10, $0x1;
	s10 =	sld [smem:$0x3FAC];
	_ =	sdelay $0x3  }
0x37: {  	[smem:$0x3FAC] =	sst s10  }
0x38: {  	s10 =	sld [smem:$0x3FAD]  }
0x39: {  	_ = 	snop;
	(pc) =	sbr.ind lr, $3  }
0x3a: {  	_ = 	snop  }
0x3b: {  	_ = 	snop  }
0x3c: {  	p2 =	seq.s32 s10, $0x1;
	s10 =	sld [smem:$0x3FAC]  }
0x3d: {  	_ =	shalt  }
0x3e: {  	_ =	shalt  }
0x3f: {  	_ =	shalt  }
0x40: {  	_ =	shalt  }
0x41: {  	_ =	shalt  }
0x42: {  	_ =	shalt  }
0x43: {  	_ =	shalt  }
0x44: {  	_ =	shalt  }
0x45: {  	_ =	shalt  }
0x46: {  	_ =	shalt  }
0x47: {  	_ =	shalt  }
0x48: {  	_ =	shalt  }
0x49: {  	_ =	shalt  }
0x4a: {  	_ =	shalt  }
0x4b: {  	_ =	shalt  }
0x4c: {  	_ =	shalt  }
0x4d: {  	_ =	shalt  }
0x4e: {  	_ =	shalt  }
0x4f: {  	_ =	shalt  }
0x50: {  	_ =	shalt  }
0x51: {  	_ =	shalt  }
0x52: {  	_ =	shalt  }
0x53: {  	_ =	shalt  }
0x54: {  	_ =	shalt  }
0x55: {  	_ =	shalt  }
0x56: {  	_ =	shalt  }
0x57: {  	_ =	shalt  }
0x58: {  	_ =	shalt  }
0x59: {  	_ =	shalt  }
0x5a: {  	_ =	shalt  }
0x5b: {  	_ =	shalt  }
0x5c: {  	_ =	shalt  }
0x5d: {  	_ =	shalt  }
0x5e: {  	_ =	shalt  }
0x5f: {  	_ =	shalt  }
0x60: {  	_ =	shalt  }
0x61: {  	_ =	shalt  }
0x62: {  	_ =	shalt  }
0x63: {  	_ =	shalt  }
0x64: {  	_ =	shalt  }
0x65: {  	_ =	shalt  }
0x66: {  	_ =	shalt  }
0x67: {  	_ =	shalt  }
0x68: {  	_ =	shalt  }
0x69: {  	_ =	shalt  }
0x6a: {  	_ =	shalt  }
0x6b: {  	_ =	shalt  }
0x6c: {  	_ =	shalt  }
0x6d: {  	_ =	shalt  }
0x6e: {  	_ =	shalt  }
0x6f: {  	_ =	shalt  }
0x70: {  	_ =	shalt  }
0x71: {  	_ =	shalt  }
0x72: {  	_ =	shalt  }
0x73: {  	_ =	shalt  }
0x74: {  	_ =	shalt  }
0x75: {  	_ =	shalt  }
0x76: {  	_ =	shalt  }
0x77: {  	_ =	shalt  }
0x78: {  	_ =	shalt  }
0x79: {  	_ =	shalt  }
0x7a: {  	_ =	shalt  }
0x7b: {  	_ =	shalt  }
0x7c: {  	_ =	shalt  }
0x7d: {  	_ =	shalt  }
0x7e: {  	_ =	shalt  }
0x7f: {  	_ =	shalt  }
0x80: {  	_ =	shalt  }
0x81: {  	_ =	shalt  }
0x82: {  	_ =	shalt  }
0x83: {  	_ =	shalt  }
0x84: {  	_ =	shalt  }
0x85: {  	_ =	shalt  }
0x86: {  	_ =	shalt  }
0x87: {  	_ =	shalt  }
.Lfunc_end0:
.L_simem_size_0:
called_computation_lowered:
.L_overlay_start_0:
0x88: {  	s2 =	sld [smem:$0x3FD9]  }
0x89: {  	s3 =	sld [smem:$0x3FFE];
	_ =	sdelay $0x1  }
0x8a: {  	s1 =	srdreg.scid  }
0x8b: {  	s0 =	sand.u32 $0x1, s1  }
0x8c: {  	s17 =	sshll.u32 s0, $0xA;
	s2 =	sadd.s32 s3, s2  }
0x8d: {  	s2 =	sadd.s32 s2, s17  }
0x8e: {  	[smem:$0x3FB8] =	sst s2  }
0x8f: {  	_ = 	snop  }
0x90: {  	s2 =	sld [smem:$0x3FD0];
	(tm) =	ssettm $0x1  }
0x91: {  	s18 =	sld [smem:$0x3FFB];
	_ =	sdelay $0x3  }
0x92: {  	_ =	strace s18  }
0x93: {  	s3 =	sld [smem:$0x3FFC];
	_ =	sdelay $0x3  }
0x94: {  	_ =	strace s3  }
0x95: {  	s3 =	sld [smem:$0x3FFD];
	_ =	sdelay $0x3  }
0x96: {  	_ =	strace s3  }
0x97: {  	_ =	strace $0x8FFFFFFF  }
0x98: {  	s19 =	sld [smem:$0x3FDB];
	_ =	sdelay $0x1  }
0x99: {  	s4 =	simm.s32 $_scs_section_size  }
0x9a: {  	s5 =	simm.s32 $_size__tile_overlayer_lowered;
	s6 =	simm.s32 $_tile_overlayer_lowered  }
0x9b: {  	s22 =	simm.s32 $0x1BFF;
	s21 =	sshll.u32 s6, $0x1;
	s3 =	sadd.s32 s4, s19  }
0x9c: {  	s7 =	simm.s32 $0x0;
	s20 =	sshll.u32 s5, $0x1;
	s5 =	sadd.s32 s21, s3  }
0x9d: {  	[timem:s7], [sflag:s22] =	dma.local [hbm:s5], s20  }
0x9e: {  	_ =	swait.ge [sflag:s22], s20  }
0x9f: {  	s4 =	ssub.s32 $0x0, s20;
	[sflag:s22] =	ssyncset.done $0x0  }
0xa0: {  	[sflag:s22] =	ssyncadd.s32 s4;
	_ =	sdelay $0x1  }
0xa1: {  	s23 =	simm.s32 $0x1B8B  }
0xa2: {  	_ =	swait.ge [sflag:s23], $0x1  }
0xa3: {  	[sflag:s23] =	ssyncset.done $0x0  }
0xa4: {  	s25 =	simm.s32 $0x1B8E;
	s24 =	sld [smem:$0x3FFE];
	[sflag:s23] =	ssyncadd.s32 $0xFFFFFFFF  }
0xa5: {  	s26 =	simm.s32 $execute0_lowered;
	[smem:$0x3FD2] =	sst s25  }
0xa6: {  	s5 =	sshll.u32 s26, $0x1;
	_ =	strace $0x80000046;
	[dreg:$0x1] =	wrdreg $0xFFFFFFFF  }
0xa7: {  	s28 =	simm.s32 $_size_execute0_lowered;
	s3 =	sadd.s32 s3, s5;
	[dreg:$0x0] =	wrdreg $0x0  }
0xa8: {  	s5 =	sshll.u32 s28, $0x1;
	[dreg:$0x2] =	wrdreg s3  }
0xa9: {  	[dreg:$0x3] =	wrdreg s5  }
0xaa: {  	[dreg:$0x4] =	wrdreg $0xC0  }
0xab: {  	_ =	task [dreg:s7], $0x5FFFF  }
0xac: {  	[dreg:$0x1] =	wrdreg $0xFFFFFFFF  }
0xad: {  	[dreg:$0x0] =	wrdreg $0x60  }
0xae: {  	[dreg:$0x2] =	wrdreg s2  }
0xaf: {  	[dreg:$0x3] =	wrdreg s24  }
0xb0: {  	[dreg:$0x4] =	wrdreg $0x115400  }
0xb1: {  	[dreg:$0x5] =	wrdreg $0x9  }
0xb2: {  	_ =	task.clear_ibuf [dreg:s7], $0x6FFFF;
	_ =	strace $0x90000046  }
0xb3: {  	s29 =	simm.s32 $0x9;
	_ =	strace $0x80000048  }
0xb4: {  	_ =	swait.ge [sflag:s29], $0x1  }
0xb5: {  	[sflag:s29] =	ssyncadd.s32 $0xFFFFFFFF  }
0xb6: {  	_ =	strace $0x90000048  }
0xb7: {  	_ =	sfence  }
0xb8: {  	s30 =	sld [smem:$0x0];
	_ =	sdelay $0x2  }
0xb9: {  	s31 =	sshll.u32 s1, $0xD;
	s1 =	sshrl.u32 s1, $0x2  }
0xba: {  	s3 =	sand.u32 $0x4000, s31;
	s1 =	sadd.s32 s1, s30  }
0xbb: {  	s0 =	sor.u32 s3, s0;
	s1 =	sshll.u32 s1, $0x11  }
0xbc: {  	s0 =	sor.u32 s1, s0  }
0xbd: {  	s0 =	sadd.s32 $0x8F2B, s0  }
0xbe: {  	[sflag:s0] =	ssyncadd.remote.s32 $0x1  }
0xbf: {  	_ =	sfence.sel $0xFFFF  }
0xc0: {  	[dreg:$0x0] =	wrdreg $0xFFFFFFFF;
	(pc) =	sbr.abs _section_cstart, $3  }
0xc1: {  	[dreg:$0x1] =	wrdreg $0xFFFFFFFF  }
0xc2: {  	_ =	task.clear_ibuf [dreg:s7], $0x2FFFF;
	_ =	strace $0x9FFFFFFF  }
0xc3: {  	(tm) =	ssettm $0x7FFFFFFF  }
tec
execute0_lowered:
.L_overlay_start_1:
0x0: {  	(tag) =	ssettag $0x1  }
0x1: {  	s0 =	rddreg [dreg:$0x0]  }
0x2: {  	s1 =	rddreg [dreg:$0x1]  }
0x3: {  	s2 =	rddreg [dreg:$0x2]  }
0x4: {  	s3 =	simm.s32 $0x0;
	s9 =	stileid.u32;
	s5 =	srdreg.scid  }
0x5: {  	s29 =	simm.s32 $0x80;
	s30 =	simm.s32 $0x1;
	s31 =	simm.s32 $0xD000  }
0x6: {  	s28 =	simm.s32 $0x5000;
	[smem:$0x7FF] =	sst s3;
	s4 =	smul.u32 $0x500, s9  }
0x7: {  	s6 =	sadd.s32 $0xBA00, s1;
	s5 =	sand.u32 $0x1, s5;
	s12 =	sadd.s32 $0xBC00, s1  }
0x8: {  	s8 =	smul.u32 $0x28000, s9;
	_ =	strace $0x80000047;
	[dreg:$0x4] =	wrdreg s6  }
0x9: {  	s7 =	sadd.s32 $0x1800, s1;
	[dreg:$0x5] =	wrdreg s12;
	s13 =	smul.u32 $0x14000, s5  }
0xa: {  	s5 =	ssub.s32 $0x2, s5;
	[dreg:$0x6] =	wrdreg s7;
	s7 =	smul.u32 $0x280, s9  }
0xb: {  	s6 =	simm.s32 $0x9000;
	s9 =	simm.s32 $0xB000;
	s4 =	sadd.s32 s4, s1  }
0xc: {  	s14 =	sshrl.u32 s5, $0x1;
	s16 =	sshrl.u32 s8, $0x2;
	s15 =	sadd.s32 $0x6A00, s4  }
0xd: {  	s5 =	ssub.s32 s5, s14;
	s4 =	sadd.s32 $0x1A00, s4;
	[dreg:$0x7] =	wrdreg s15  }
0xe: {  	s10 =	sadd.s32 s16, s2;
	[dreg:$0x8] =	wrdreg s4;
	s17 =	smax.u32 s5, $0x1  }
0xf: {  	s8 =	simm.s32 $0x0;
	s18 =	sadd.s32 $0x1000, s10;
	[dreg:$0x9] =	wrdreg s17  }
0x10: {  	s1 =	sadd.s32 s13, s1;
	s19 =	sadd.s32 $0x2000, s10;
	[dreg:$0xa] =	wrdreg s18  }
0x11: {  	s11 =	sadd.s32 s0, s13;
	s20 =	sadd.s32 $0x3000, s10;
	[dreg:$0xb] =	wrdreg s19  }
0x12: {  	s0 =	simm.s32 $0xE000;
	s21 =	sadd.s32 $0x4000, s10;
	[dreg:$0xc] =	wrdreg s20  }
0x13: {  	s16 =	simm.s32 $0x2800;
	s22 =	sadd.s32 $0x5000, s10;
	[dreg:$0xd] =	wrdreg s21  }
0x14: {  	s12 =	sadd.s32 $0xC000, s1;
	s23 =	sadd.s32 $0x6000, s10;
	[dreg:$0xe] =	wrdreg s22  }
0x15: {  	s13 =	sadd.s32 $0x34000, s1;
	s24 =	sadd.s32 $0x7000, s10;
	[dreg:$0xf] =	wrdreg s23  }
0x16: {  	s25 =	sadd.s32 $0x8000, s10;
	s26 =	sadd.s32 $0x9000, s10;
	[dreg:$0x10] =	wrdreg s24  }
0x17: {  	s1 =	simm.s32 $0xE280;
	s4 =	simm.s32 $0x7000;
	[dreg:$0x11] =	wrdreg s25  }
0x18: {  	s15 =	simm.s32 $0x2700;
	[dreg:$0x12] =	wrdreg s26;
	s24 =	simm.s32 $0x2  }
0x19: {  	s25 =	simm.s32 $0xE500;
	s26 =	simm.s32 $0xF500;
	s20 =	simm.s32 $0x2780  }
.LBB2_1:
0x1a: {  	s5 =	rddreg [dreg:$0x7]  }
0x1b: {  	[tilespmem:s3], [sflag:$0x2] =	stream.linear.gather [hbm4b:s5+s3], $0x2800, $0x38;
	[tilespmem:$0x1B540] =	vst v63  }
0x1c: {  	_ =	swait.ge [sflag:s24], $0x2800  }
0x1d: {  	[sflag:s24] =	ssyncset.done $0x0  }
0x1e: {  	s17 =	rddreg [dreg:$0x8];
	[sflag:s24] =	ssyncadd.s32 $0xFFFFD800  }
0x1f: {  	[tilespmem:s16], [sflag:$0x2] =	stream.linear.gather [hbm4b:s17+s3], $0x2800, $0x38;
	[tilespmem:$0x1B540] =	vst v63  }
0x20: {  	_ =	swait.ge [sflag:s24], $0x2800  }
0x21: {  	[sflag:s24] =	ssyncset.done $0x0  }
0x22: {  	s18 =	rddreg [dreg:$0x4];
	[sflag:s24] =	ssyncadd.s32 $0xFFFFD800  }
0x23: {  	[tilespmem:s25], [sflag:$0x2] =	stream.linear.gather [hbm4b:s18+s3], $0x1000, $0x38;
	[tilespmem:$0x1B540] =	vst v63  }
0x24: {  	_ =	swait.ge [sflag:s24], $0x1000  }
0x25: {  	[sflag:s24] =	ssyncset.done $0x0  }
0x26: {  	s19 =	rddreg [dreg:$0x5];
	[sflag:s24] =	ssyncadd.s32 $0xFFFFF000  }
0x27: {  	[tilespmem:s26], [sflag:$0x2] =	stream.linear.gather [hbm4b:s19+s3], $0x2000, $0x38;
	[tilespmem:$0x1B540] =	vst v63  }
0x28: {  	_ =	swait.ge [sflag:s24], $0x2000  }
0x29: {  	[sflag:s24] =	ssyncset.done $0x0  }
0x2a: {  	s14 =	simm.s32 $0x11500;
	s21 =	rddreg [dreg:$0x6];
	[sflag:s24] =	ssyncadd.s32 $0xFFFFE000  }
0x2b: {  	[tilespmem:s14], [sflag:$0x2] =	stream.linear.gather [hbm4b:s21+s3], $0x40, $0x38;
	[tilespmem:$0x1B540] =	vst v63  }
0x2c: {  	_ =	swait.ge [sflag:s24], $0x40  }
0x2d: {  	[sflag:s24] =	ssyncset.done $0x0  }
0x2e: {  	[sflag:s24] =	ssyncadd.s32 $0xFFFFFFC0  }
0x2f: {  	[spmem:s10] =	stream.linear.scatter [tilespmem:s25], [sflag:$0x2], $0x1000, $0x38;
	[tilespmem:$0x1B540] =	vst v63  }
0x30: {  	_ =	swait.ge [sflag:s24], $0x1000  }
0x31: {  	[sflag:s24] =	ssyncset.done $0x0  }
0x32: {  	s22 =	rddreg [dreg:$0xa];
	[sflag:s24] =	ssyncadd.s32 $0xFFFFF000  }
0x33: {  	[spmem:s22] =	stream.linear.scatter [tilespmem:s25], [sflag:$0x2], $0x1000, $0x38;
	[tilespmem:$0x1B540] =	vst v63  }
0x34: {  	_ =	swait.ge [sflag:s24], $0x1000  }
0x35: {  	[sflag:s24] =	ssyncset.done $0x0  }
0x36: {  	s23 =	rddreg [dreg:$0xb];
	[sflag:s24] =	ssyncadd.s32 $0xFFFFF000  }
0x37: {  	[spmem:s23] =	stream.linear.scatter [tilespmem:s25], [sflag:$0x2], $0x1000, $0x38;
	[tilespmem:$0x1B540] =	vst v63  }
0x38: {  	_ =	swait.ge [sflag:s24], $0x1000  }
0x39: {  	[sflag:s24] =	ssyncset.done $0x0  }
0x3a: {  	s14 =	rddreg [dreg:$0xc];
	[sflag:s24] =	ssyncadd.s32 $0xFFFFF000  }
0x3b: {  	[spmem:s14] =	stream.linear.scatter [tilespmem:s25], [sflag:$0x2], $0x1000, $0x38;
	[tilespmem:$0x1B540] =	vst v63  }
0x3c: {  	_ =	swait.ge [sflag:s24], $0x1000  }
0x3d: {  	[sflag:s24] =	ssyncset.done $0x0  }
0x3e: {  	s17 =	rddreg [dreg:$0xd];
	[sflag:s24] =	ssyncadd.s32 $0xFFFFF000  }
0x3f: {  	[spmem:s17] =	stream.linear.scatter [tilespmem:s25], [sflag:$0x2], $0x1000, $0x38;
	[tilespmem:$0x1B540] =	vst v63  }
0x40: {  	_ =	swait.ge [sflag:s24], $0x1000  }
0x41: {  	[sflag:s24] =	ssyncset.done $0x0  }
0x42: {  	s18 =	rddreg [dreg:$0xe];
	[sflag:s24] =	ssyncadd.s32 $0xFFFFF000  }
0x43: {  	[spmem:s18] =	stream.linear.scatter [tilespmem:s25], [sflag:$0x2], $0x1000, $0x38;
	[tilespmem:$0x1B540] =	vst v63  }
0x44: {  	_ =	swait.ge [sflag:s24], $0x1000  }
0x45: {  	[sflag:s24] =	ssyncset.done $0x0  }
0x46: {  	s19 =	rddreg [dreg:$0xf];
	[sflag:s24] =	ssyncadd.s32 $0xFFFFF000  }
0x47: {  	[spmem:s19] =	stream.linear.scatter [tilespmem:s25], [sflag:$0x2], $0x1000, $0x38;
	[tilespmem:$0x1B540] =	vst v63  }
0x48: {  	_ =	swait.ge [sflag:s24], $0x1000  }
0x49: {  	[sflag:s24] =	ssyncset.done $0x0  }
0x4a: {  	s21 =	rddreg [dreg:$0x10];
	[sflag:s24] =	ssyncadd.s32 $0xFFFFF000  }
0x4b: {  	[spmem:s21] =	stream.linear.scatter [tilespmem:s25], [sflag:$0x2], $0x1000, $0x38;
	[tilespmem:$0x1B540] =	vst v63  }
0x4c: {  	_ =	swait.ge [sflag:s24], $0x1000  }
0x4d: {  	[sflag:s24] =	ssyncset.done $0x0  }
0x4e: {  	s22 =	rddreg [dreg:$0x11];
	[sflag:s24] =	ssyncadd.s32 $0xFFFFF000  }
0x4f: {  	[spmem:s22] =	stream.linear.scatter [tilespmem:s25], [sflag:$0x2], $0x1000, $0x38;
	[tilespmem:$0x1B540] =	vst v63  }
0x50: {  	_ =	swait.ge [sflag:s24], $0x1000  }
0x51: {  	[sflag:s24] =	ssyncset.done $0x0  }
0x52: {  	s23 =	rddreg [dreg:$0x12];
	[sflag:s24] =	ssyncadd.s32 $0xFFFFF000  }
0x53: {  	[spmem:s23] =	stream.linear.scatter [tilespmem:s25], [sflag:$0x2], $0x1000, $0x38;
	[tilespmem:$0x1B540] =	vst v63  }
0x54: {  	_ =	swait.ge [sflag:s24], $0x1000  }
0x55: {  	[sflag:s24] =	ssyncset.done $0x0  }
0x56: {  	p0 =	por $0x1, $0x1;
	[sflag:s24] =	ssyncadd.s32 $0xFFFFF000  }
0x57: {  	s17 =	simm.s32 @!p0 $0x1;
	[bflag:$0x0] =	sbarrier.arrive $0xFFFF  }
0x58: {  	[spmem:s2] =	stream.indirect.scatter.add.f32 [tilespmem:s26], [sflag:$0x1], $0x40, s16, s29, $0xb8;
	[tilespmem:$0x1B540] =	vst v63  }
0x59: {  	_ =	swait.ge @!p0 [sflag:s17], $0x2000  }
0x5a: {  	s5 =	simm.s32 $0x1;
	s14 =	simm.s32 $0x2800;
	[sflag:s17] =	ssyncset.done @!p0 $0x0  }
.LBB2_2:
0x5b: {  	[sflag:s17] =	ssyncadd.s32 @!p0 $0xFFFFE000  }
0x5c: {  	s14 =	sadd.s32 $0x80, s14;
	s17 =	smov.u32 s5;
	s5 =	sadd.s32 $0x1, s5  }
0x5d: {  	p1 =	sne.s32 s5, $0x50  }
0x5e: {  	[spmem:s2] =	stream.indirect.scatter.add.f32 [tilespmem:s26], [sflag:$0x1], $0x40, s14, s29, $0xb8;
	[tilespmem:$0x1B540] =	vst v63  }
.Ltmp0:
0x5f: {  	_ = 	snop;
	(pc) =	sbr.rel @p1 .LBB2_2-.Ltmp0, $4  }
0x60: {  	p0 =	slt.u32 s17, $0x8  }
0x61: {  	s17 =	simm.s32 @!p0 $0x1  }
0x62: {  	_ =	swait.ge @!p0 [sflag:s17], $0x2000  }
0x63: {  	[sflag:s17] =	ssyncset.done @!p0 $0x0  }
0x64: {  	[sflag:s17] =	ssyncadd.s32 @!p0 $0xFFFFE000  }
0x65: {  	_ =	swait.ge [sflag:s30], $0x2000  }
0x66: {  	[sflag:s30] =	ssyncset.done $0x0  }
0x67: {  	[sflag:s30] =	ssyncadd.s32 $0xFFFFE000  }
0x68: {  	_ =	swait.ge [sflag:s30], $0x2000  }
0x69: {  	[sflag:s30] =	ssyncset.done $0x0  }
0x6a: {  	[sflag:s30] =	ssyncadd.s32 $0xFFFFE000  }
0x6b: {  	_ =	swait.ge [sflag:s30], $0x2000  }
0x6c: {  	[sflag:s30] =	ssyncset.done $0x0  }
0x6d: {  	[sflag:s30] =	ssyncadd.s32 $0xFFFFE000  }
0x6e: {  	_ =	swait.ge [sflag:s30], $0x2000  }
0x6f: {  	[sflag:s30] =	ssyncset.done $0x0  }
0x70: {  	[sflag:s30] =	ssyncadd.s32 $0xFFFFE000  }
0x71: {  	_ =	swait.ge [sflag:s30], $0x2000  }
0x72: {  	[sflag:s30] =	ssyncset.done $0x0  }
0x73: {  	[sflag:s30] =	ssyncadd.s32 $0xFFFFE000  }
0x74: {  	_ =	swait.ge [sflag:s30], $0x2000  }
0x75: {  	[sflag:s30] =	ssyncset.done $0x0  }
0x76: {  	[sflag:s30] =	ssyncadd.s32 $0xFFFFE000  }
0x77: {  	_ =	swait.ge [sflag:s30], $0x2000  }
0x78: {  	[sflag:s30] =	ssyncset.done $0x0  }
0x79: {  	[sflag:s30] =	ssyncadd.s32 $0xFFFFE000  }
0x7a: {  	_ =	swait.ge [sflag:s30], $0x2000  }
0x7b: {  	[sflag:s30] =	ssyncset.done $0x0  }
0x7c: {  	[sflag:s30] =	ssyncadd.s32 $0xFFFFE000  }
0x7d: {  	s5 =	simm.s32 $0x0;
	s17 =	simm.s32 $0x0;
	[bflag:$0x0] =	sbarrier.arrive $0xFFFF  }
.LBB2_4:
0x7e: {  	s14 =	sshll.u32 s17, $0x6  }
0x7f: {  	s14 =	sadd.s32 s7, s14  }
0x80: {  	s14 =	sshll.u32 s14, $0x6  }
0x81: {  	s14 =	sand.u32 $0x3FFFFFC0, s14  }
0x82: {  	s18 =	sadd.s32 s14, s2  }
0x83: {  	[tilespmem:s31], [sflag:$0x2] =	stream.linear.gather [spmem:s18], $0x1000, $0x38;
	[tilespmem:$0x1B540] =	vst v63  }
0x84: {  	_ =	swait.ge [sflag:s24], $0x1000  }
0x85: {  	[sflag:s24] =	ssyncset.done $0x0  }
0x86: {  	s23 =	simm.s32 $0x0;
	[sflag:s24] =	ssyncadd.s32 $0xFFFFF000  }
0x87: {  	v0 =	vld [tilespmem:s23+$0xD000];
	_ =	sdelay $0x4  }
0x88: {  	(erf) = vrcp.f32 v0;
	_ =	sdelay $0x5  }
0x89: {  	v1 =	vmov s5;
	_ =	sdelay $0x2  }
0x8a: {  	vm0 =	vgt.f32 v0, $0.0e+00;
	v63 =	vpop (erf)  }
0x8b: {  	v0 =	vnsel vm0, $0x0, v63  }
0x8c: {  	s22 =	simm.s32 $0x40;
	s21 =	simm.s32 $0x200;
	s14 =	smov.u32 s5;
	[tilespmem:v1+s0+$0x0] =	vst.idx.msk $0x1, v0  }
.LBB2_5:
0x8d: {  	p0 =	sne.s32 s21, $0x3F00;
	v0 =	vld [tilespmem:s22+$0xD000];
	_ =	sdelay $0x4  }
0x8e: {  	(erf) = vrcp.f32 v0;
	_ =	sdelay $0x4  }
0x8f: {  	s14 =	sadd.s32 $0x1, s14  }
0x90: {  	v1 =	vmov s14  }
.Ltmp1:
0x91: {  	(pc) =	sbr.rel @p0 .LBB2_5-.Ltmp1, $4  }
0x92: {  	_ = 	snop  }
0x93: {  	vm0 =	vgt.f32 v0, $0.0e+00;
	v0 =	vpop (erf)  }
0x94: {  	v0 =	vnsel vm0, $0x0, v0  }
0x95: {  	s22 =	sshra.s32 s21, $0x2;
	s21 =	sadd.s32 $0x100, s21;
	[tilespmem:v1+s0+$0x0] =	vst.idx.msk $0x1, v0  }
0x96: {  	v0 =	vld [tilespmem:s22+$0xD000];
	_ =	sdelay $0x4  }
0x97: {  	(erf) = vrcp.f32 v0;
	_ =	sdelay $0x4  }
0x98: {  	s14 =	sadd.s32 $0x1, s14  }
0x99: {  	v1 =	vmov s14;
	_ =	sdelay $0x2  }
0x9a: {  	s17 =	sadd.s32 $0x1, s17;
	vm0 =	vgt.f32 v0, $0.0e+00;
	v63 =	vpop (erf)  }
0x9b: {  	p0 =	sne.s32 s17, $0xA;
	v0 =	vnsel vm0, $0x0, v63  }
.Ltmp2:
0x9c: {  	[tilespmem:v1+s0+$0x0] =	vst.idx.msk $0x1, v0;
	(pc) =	sbr.rel @p0 .LBB2_4-.Ltmp2, $4  }
0x9d: {  	[spmem:s18] =	stream.linear.scatter [tilespmem:s25], [sflag:$0x2], $0x1000, $0x38;
	[tilespmem:$0x1B540] =	vst v63  }
0x9e: {  	_ =	swait.ge [sflag:s24], $0x1000  }
0x9f: {  	[sflag:s24] =	ssyncset.done $0x0  }
0xa0: {  	s5 =	sadd.s32 $0x40, s5;
	[sflag:s24] =	ssyncadd.s32 $0xFFFFF000  }
0xa1: {  	[bflag:$0x0] =	sbarrier.arrive $0xFFFF;
	s5 =	simm.s32 $0x0;
	p0 =	por $0x1, $0x1  }
0xa2: {  	[spmem:s2] =	stream.indirect.scatter.add.f32 [tilespmem:s26], [sflag:$0x1], $0x40, s5, s29, $0xb8;
	[tilespmem:$0x1B540] =	vst v63  }
0xa3: {  	s17 =	simm.s32 @!p0 $0x1  }
0xa4: {  	_ =	swait.ge @!p0 [sflag:s17], $0x2000  }
0xa5: {  	s14 =	simm.s32 $0x1;
	[sflag:s17] =	ssyncset.done @!p0 $0x0  }
.LBB2_8:
0xa6: {  	[sflag:s17] =	ssyncadd.s32 @!p0 $0xFFFFE000  }
0xa7: {  	s5 =	sadd.s32 $0x80, s5;
	s17 =	smov.u32 s14;
	s14 =	sadd.s32 $0x1, s14  }
0xa8: {  	p1 =	sne.s32 s14, $0x50  }
0xa9: {  	[spmem:s2] =	stream.indirect.scatter.add.f32 [tilespmem:s26], [sflag:$0x1], $0x40, s5, s29, $0xb8;
	[tilespmem:$0x1B540] =	vst v63  }
.Ltmp3:
0xaa: {  	_ = 	snop;
	(pc) =	sbr.rel @p1 .LBB2_8-.Ltmp3, $4  }
0xab: {  	p0 =	slt.u32 s17, $0x8  }
0xac: {  	s17 =	simm.s32 @!p0 $0x1  }
0xad: {  	_ =	swait.ge @!p0 [sflag:s17], $0x2000  }
0xae: {  	[sflag:s17] =	ssyncset.done @!p0 $0x0  }
0xaf: {  	[sflag:s17] =	ssyncadd.s32 @!p0 $0xFFFFE000  }
0xb0: {  	_ =	swait.ge [sflag:s30], $0x2000  }
0xb1: {  	[sflag:s30] =	ssyncset.done $0x0  }
0xb2: {  	[sflag:s30] =	ssyncadd.s32 $0xFFFFE000  }
0xb3: {  	_ =	swait.ge [sflag:s30], $0x2000  }
0xb4: {  	[sflag:s30] =	ssyncset.done $0x0  }
0xb5: {  	[sflag:s30] =	ssyncadd.s32 $0xFFFFE000  }
0xb6: {  	_ =	swait.ge [sflag:s30], $0x2000  }
0xb7: {  	[sflag:s30] =	ssyncset.done $0x0  }
0xb8: {  	[sflag:s30] =	ssyncadd.s32 $0xFFFFE000  }
0xb9: {  	_ =	swait.ge [sflag:s30], $0x2000  }
0xba: {  	[sflag:s30] =	ssyncset.done $0x0  }
0xbb: {  	[sflag:s30] =	ssyncadd.s32 $0xFFFFE000  }
0xbc: {  	_ =	swait.ge [sflag:s30], $0x2000  }
0xbd: {  	[sflag:s30] =	ssyncset.done $0x0  }
0xbe: {  	[sflag:s30] =	ssyncadd.s32 $0xFFFFE000  }
0xbf: {  	_ =	swait.ge [sflag:s30], $0x2000  }
0xc0: {  	[sflag:s30] =	ssyncset.done $0x0  }
0xc1: {  	[sflag:s30] =	ssyncadd.s32 $0xFFFFE000  }
0xc2: {  	_ =	swait.ge [sflag:s30], $0x2000  }
0xc3: {  	[sflag:s30] =	ssyncset.done $0x0  }
0xc4: {  	[sflag:s30] =	ssyncadd.s32 $0xFFFFE000  }
0xc5: {  	_ =	swait.ge [sflag:s30], $0x2000  }
0xc6: {  	[sflag:s30] =	ssyncset.done $0x0  }
0xc7: {  	[sflag:s30] =	ssyncadd.s32 $0xFFFFE000  }
0xc8: {  	s5 =	simm.s32 $0x0;
	s17 =	simm.s32 $0x0;
	[bflag:$0x0] =	sbarrier.arrive $0xFFFF  }
.LBB2_10:
0xc9: {  	s14 =	sshll.u32 s17, $0x6  }
0xca: {  	s14 =	sadd.s32 s7, s14  }
0xcb: {  	s14 =	sshll.u32 s14, $0x6  }
0xcc: {  	s14 =	sand.u32 $0x3FFFFFC0, s14  }
0xcd: {  	s18 =	sadd.s32 s14, s2  }
0xce: {  	[tilespmem:s31], [sflag:$0x2] =	stream.linear.gather [spmem:s18], $0x1000, $0x38;
	[tilespmem:$0x1B540] =	vst v63  }
0xcf: {  	_ =	swait.ge [sflag:s24], $0x1000  }
0xd0: {  	[sflag:s24] =	ssyncset.done $0x0  }
0xd1: {  	s23 =	simm.s32 $0x0;
	[sflag:s24] =	ssyncadd.s32 $0xFFFFF000  }
0xd2: {  	v0 =	vld [tilespmem:s23+$0xD000];
	_ =	sdelay $0x4  }
0xd3: {  	(erf) = vrcp.f32 v0;
	_ =	sdelay $0x5  }
0xd4: {  	v1 =	vmov s5;
	_ =	sdelay $0x2  }
0xd5: {  	vm0 =	vgt.f32 v0, $0.0e+00;
	v63 =	vpop (erf)  }
0xd6: {  	v0 =	vnsel vm0, $0x0, v63  }
0xd7: {  	s22 =	simm.s32 $0x40;
	s21 =	simm.s32 $0x200;
	s14 =	smov.u32 s5;
	[tilespmem:v1+s1+$0x0] =	vst.idx.msk $0x1, v0  }
.LBB2_11:
0xd8: {  	p0 =	sne.s32 s21, $0x3F00;
	v0 =	vld [tilespmem:s22+$0xD000];
	_ =	sdelay $0x4  }
0xd9: {  	(erf) = vrcp.f32 v0;
	_ =	sdelay $0x4  }
0xda: {  	s14 =	sadd.s32 $0x1, s14  }
0xdb: {  	v1 =	vmov s14  }
.Ltmp4:
0xdc: {  	(pc) =	sbr.rel @p0 .LBB2_11-.Ltmp4, $4  }
0xdd: {  	_ = 	snop  }
0xde: {  	vm0 =	vgt.f32 v0, $0.0e+00;
	v0 =	vpop (erf)  }
0xdf: {  	v0 =	vnsel vm0, $0x0, v0  }
0xe0: {  	s22 =	sshra.s32 s21, $0x2;
	s21 =	sadd.s32 $0x100, s21;
	[tilespmem:v1+s1+$0x0] =	vst.idx.msk $0x1, v0  }
0xe1: {  	v0 =	vld [tilespmem:s22+$0xD000];
	_ =	sdelay $0x4  }
0xe2: {  	(erf) = vrcp.f32 v0;
	_ =	sdelay $0x4  }
0xe3: {  	s14 =	sadd.s32 $0x1, s14  }
0xe4: {  	v1 =	vmov s14;
	_ =	sdelay $0x2  }
0xe5: {  	s17 =	sadd.s32 $0x1, s17;
	vm0 =	vgt.f32 v0, $0.0e+00;
	v63 =	vpop (erf)  }
0xe6: {  	p0 =	sne.s32 s17, $0xA;
	v0 =	vnsel vm0, $0x0, v63  }
.Ltmp5:
0xe7: {  	[tilespmem:v1+s1+$0x0] =	vst.idx.msk $0x1, v0;
	(pc) =	sbr.rel @p0 .LBB2_10-.Ltmp5, $4  }
0xe8: {  	[spmem:s18] =	stream.linear.scatter [tilespmem:s25], [sflag:$0x2], $0x1000, $0x38;
	[tilespmem:$0x1B540] =	vst v63  }
0xe9: {  	_ =	swait.ge [sflag:s24], $0x1000  }
0xea: {  	[sflag:s24] =	ssyncset.done $0x0  }
0xeb: {  	s5 =	sadd.s32 $0x40, s5;
	[sflag:s24] =	ssyncadd.s32 $0xFFFFF000  }
0xec: {  	[bflag:$0x0] =	sbarrier.arrive $0xFFFF;
	s5 =	simm.s32 $0x0  }
0xed: {  	[tilespmem:s28], [sflag:$0x1] =	stream.indirect.gather [hbm4b:s11+s29], $0x40, s5, s29, $0xb8;
	[tilespmem:$0x1B540] =	vst v63  }
0xee: {  	_ = 	snop  }
0xef: {  	[tilespmem:s4], [sflag:$0x1] =	stream.indirect.gather [hbm4b:s11+s29], $0x40, s29, s29, $0xb8;
	[tilespmem:$0x1B540] =	vst v63  }
0xf0: {  	s22 =	simm.s32 $0x100  }
0xf1: {  	[tilespmem:s6], [sflag:$0x1] =	stream.indirect.gather [hbm4b:s11+s29], $0x40, s22, s29, $0xb8;
	[tilespmem:$0x1B540] =	vst v63  }
0xf2: {  	s23 =	simm.s32 $0x180  }
0xf3: {  	[tilespmem:s9], [sflag:$0x1] =	stream.indirect.gather [hbm4b:s11+s29], $0x40, s23, s29, $0xb8;
	[tilespmem:$0x1B540] =	vst v63  }
0xf4: {  	_ =	swait.ge [sflag:s30], $0x2000  }
0xf5: {  	[sflag:s30] =	ssyncset.done $0x0  }
0xf6: {  	s14 =	simm.s32 $0x2800;
	[sflag:s30] =	ssyncadd.s32 $0xFFFFE000  }
0xf7: {  	[spmem:s2] =	stream.indirect.scatter.add.f32 [tilespmem:s28], [sflag:$0x2], $0x40, s14, s29, $0xb8;
	[tilespmem:$0x1B540] =	vst v63  }
0xf8: {  	_ =	swait.ge [sflag:s24], $0x2000  }
0xf9: {  	[sflag:s24] =	ssyncset.done $0x0  }
0xfa: {  	s17 =	simm.s32 $0x200;
	[sflag:s24] =	ssyncadd.s32 $0xFFFFE000  }
0xfb: {  	[tilespmem:s28], [sflag:$0x1] =	stream.indirect.gather [hbm4b:s11+s29], $0x40, s17, s29, $0xb8;
	[tilespmem:$0x1B540] =	vst v63  }
0xfc: {  	_ =	swait.ge [sflag:s30], $0x2000  }
0xfd: {  	[sflag:s30] =	ssyncset.done $0x0  }
0xfe: {  	s18 =	simm.s32 $0x2880;
	[sflag:s30] =	ssyncadd.s32 $0xFFFFE000  }
0xff: {  	[spmem:s2] =	stream.indirect.scatter.add.f32 [tilespmem:s4], [sflag:$0x2], $0x40, s18, s29, $0xb8;
	[tilespmem:$0x1B540] =	vst v63  }
0x100: {  	_ =	swait.ge [sflag:s24], $0x2000  }
0x101: {  	[sflag:s24] =	ssyncset.done $0x0  }
0x102: {  	s19 =	simm.s32 $0x280;
	[sflag:s24] =	ssyncadd.s32 $0xFFFFE000  }
0x103: {  	[tilespmem:s4], [sflag:$0x1] =	stream.indirect.gather [hbm4b:s11+s29], $0x40, s19, s29, $0xb8;
	[tilespmem:$0x1B540] =	vst v63  }
0x104: {  	_ =	swait.ge [sflag:s30], $0x2000  }
0x105: {  	[sflag:s30] =	ssyncset.done $0x0  }
0x106: {  	s21 =	simm.s32 $0x2900;
	[sflag:s30] =	ssyncadd.s32 $0xFFFFE000  }
0x107: {  	[spmem:s2] =	stream.indirect.scatter.add.f32 [tilespmem:s6], [sflag:$0x2], $0x40, s21, s29, $0xb8;
	[tilespmem:$0x1B540] =	vst v63  }
0x108: {  	_ =	swait.ge [sflag:s24], $0x2000  }
0x109: {  	[sflag:s24] =	ssyncset.done $0x0  }
0x10a: {  	s22 =	simm.s32 $0x300;
	[sflag:s24] =	ssyncadd.s32 $0xFFFFE000  }
0x10b: {  	[tilespmem:s6], [sflag:$0x1] =	stream.indirect.gather [hbm4b:s11+s29], $0x40, s22, s29, $0xb8;
	[tilespmem:$0x1B540] =	vst v63  }
0x10c: {  	_ =	swait.ge [sflag:s30], $0x2000  }
0x10d: {  	[sflag:s30] =	ssyncset.done $0x0  }
0x10e: {  	s23 =	simm.s32 $0x2980;
	[sflag:s30] =	ssyncadd.s32 $0xFFFFE000  }
0x10f: {  	[spmem:s2] =	stream.indirect.scatter.add.f32 [tilespmem:s9], [sflag:$0x2], $0x40, s23, s29, $0xb8;
	[tilespmem:$0x1B540] =	vst v63  }
0x110: {  	_ =	swait.ge [sflag:s24], $0x2000  }
0x111: {  	[sflag:s24] =	ssyncset.done $0x0  }
0x112: {  	s5 =	simm.s32 $0x800;
	s14 =	simm.s32 $0x380;
	[sflag:s24] =	ssyncadd.s32 $0xFFFFE000  }
.LBB2_14:
0x113: {  	[tilespmem:s9], [sflag:$0x1] =	stream.indirect.gather [hbm4b:s11+s29], $0x40, s14, s29, $0xb8;
	[tilespmem:$0x1B540] =	vst v63  }
0x114: {  	s14 =	smov.u32 s5  }
0x115: {  	p0 =	sne.s32 s5, $0x9000;
	s5 =	sadd.s32 $0x800, s5;
	_ =	swait.ge [sflag:s30], $0x2000  }
0x116: {  	s17 =	sshra.s32 s14, $0x2;
	[sflag:s30] =	ssyncset.done $0x0  }
0x117: {  	s14 =	sadd.s32 $0x2800, s17;
	[sflag:s30] =	ssyncadd.s32 $0xFFFFE000  }
0x118: {  	[spmem:s2] =	stream.indirect.scatter.add.f32 [tilespmem:s28], [sflag:$0x2], $0x40, s14, s29, $0xb8;
	[tilespmem:$0x1B540] =	vst v63  }
0x119: {  	_ =	swait.ge [sflag:s24], $0x2000  }
0x11a: {  	[sflag:s24] =	ssyncset.done $0x0  }
0x11b: {  	s14 =	sadd.s32 $0x200, s17;
	[sflag:s24] =	ssyncadd.s32 $0xFFFFE000  }
0x11c: {  	[tilespmem:s28], [sflag:$0x1] =	stream.indirect.gather [hbm4b:s11+s29], $0x40, s14, s29, $0xb8;
	[tilespmem:$0x1B540] =	vst v63  }
0x11d: {  	_ =	swait.ge [sflag:s30], $0x2000  }
0x11e: {  	[sflag:s30] =	ssyncset.done $0x0  }
0x11f: {  	s14 =	sadd.s32 $0x2880, s17;
	[sflag:s30] =	ssyncadd.s32 $0xFFFFE000  }
0x120: {  	[spmem:s2] =	stream.indirect.scatter.add.f32 [tilespmem:s4], [sflag:$0x2], $0x40, s14, s29, $0xb8;
	[tilespmem:$0x1B540] =	vst v63  }
0x121: {  	_ =	swait.ge [sflag:s24], $0x2000  }
0x122: {  	[sflag:s24] =	ssyncset.done $0x0  }
0x123: {  	s14 =	sadd.s32 $0x280, s17;
	[sflag:s24] =	ssyncadd.s32 $0xFFFFE000  }
0x124: {  	[tilespmem:s4], [sflag:$0x1] =	stream.indirect.gather [hbm4b:s11+s29], $0x40, s14, s29, $0xb8;
	[tilespmem:$0x1B540] =	vst v63  }
0x125: {  	_ =	swait.ge [sflag:s30], $0x2000  }
0x126: {  	[sflag:s30] =	ssyncset.done $0x0  }
0x127: {  	s14 =	sadd.s32 $0x2900, s17;
	[sflag:s30] =	ssyncadd.s32 $0xFFFFE000  }
0x128: {  	[spmem:s2] =	stream.indirect.scatter.add.f32 [tilespmem:s6], [sflag:$0x2], $0x40, s14, s29, $0xb8;
	[tilespmem:$0x1B540] =	vst v63  }
0x129: {  	_ =	swait.ge [sflag:s24], $0x2000  }
0x12a: {  	[sflag:s24] =	ssyncset.done $0x0  }
0x12b: {  	s14 =	sadd.s32 $0x300, s17;
	[sflag:s24] =	ssyncadd.s32 $0xFFFFE000  }
0x12c: {  	[tilespmem:s6], [sflag:$0x1] =	stream.indirect.gather [hbm4b:s11+s29], $0x40, s14, s29, $0xb8;
	[tilespmem:$0x1B540] =	vst v63  }
0x12d: {  	_ =	swait.ge [sflag:s30], $0x2000  }
0x12e: {  	[sflag:s30] =	ssyncset.done $0x0  }
.Ltmp6:
0x12f: {  	s14 =	sadd.s32 $0x2980, s17;
	[sflag:s30] =	ssyncadd.s32 $0xFFFFE000;
	(pc) =	sbr.rel @p0 .LBB2_14-.Ltmp6, $4  }
0x130: {  	[spmem:s2] =	stream.indirect.scatter.add.f32 [tilespmem:s9], [sflag:$0x2], $0x40, s14, s29, $0xb8;
	[tilespmem:$0x1B540] =	vst v63  }
0x131: {  	_ =	swait.ge [sflag:s24], $0x2000  }
0x132: {  	[sflag:s24] =	ssyncset.done $0x0  }
0x133: {  	s14 =	sadd.s32 $0x380, s17;
	[sflag:s24] =	ssyncadd.s32 $0xFFFFE000  }
0x134: {  	[tilespmem:s9], [sflag:$0x1] =	stream.indirect.gather [hbm4b:s11+s29], $0x40, s14, s29, $0xb8;
	[tilespmem:$0x1B540] =	vst v63  }
0x135: {  	_ =	swait.ge [sflag:s30], $0x2000  }
0x136: {  	[sflag:s30] =	ssyncset.done $0x0  }
0x137: {  	s5 =	simm.s32 $0x4E00;
	[sflag:s30] =	ssyncadd.s32 $0xFFFFE000  }
0x138: {  	[spmem:s2] =	stream.indirect.scatter.add.f32 [tilespmem:s28], [sflag:$0x2], $0x40, s5, s29, $0xb8;
	[tilespmem:$0x1B540] =	vst v63  }
0x139: {  	_ =	swait.ge [sflag:s24], $0x2000  }
0x13a: {  	[sflag:s24] =	ssyncset.done $0x0  }
0x13b: {  	[sflag:s24] =	ssyncadd.s32 $0xFFFFE000  }
0x13c: {  	_ =	swait.ge [sflag:s30], $0x2000  }
0x13d: {  	[sflag:s30] =	ssyncset.done $0x0  }
0x13e: {  	s21 =	simm.s32 $0x4E80;
	[sflag:s30] =	ssyncadd.s32 $0xFFFFE000  }
0x13f: {  	[spmem:s2] =	stream.indirect.scatter.add.f32 [tilespmem:s4], [sflag:$0x2], $0x40, s21, s29, $0xb8;
	[tilespmem:$0x1B540] =	vst v63  }
0x140: {  	_ =	swait.ge [sflag:s24], $0x2000  }
0x141: {  	[sflag:s24] =	ssyncset.done $0x0  }
0x142: {  	[sflag:s24] =	ssyncadd.s32 $0xFFFFE000  }
0x143: {  	_ =	swait.ge [sflag:s30], $0x2000  }
0x144: {  	[sflag:s30] =	ssyncset.done $0x0  }
0x145: {  	s22 =	simm.s32 $0x4F00;
	[sflag:s30] =	ssyncadd.s32 $0xFFFFE000  }
0x146: {  	[spmem:s2] =	stream.indirect.scatter.add.f32 [tilespmem:s6], [sflag:$0x2], $0x40, s22, s29, $0xb8;
	[tilespmem:$0x1B540] =	vst v63  }
0x147: {  	_ =	swait.ge [sflag:s24], $0x2000  }
0x148: {  	[sflag:s24] =	ssyncset.done $0x0  }
0x149: {  	[sflag:s24] =	ssyncadd.s32 $0xFFFFE000  }
0x14a: {  	_ =	swait.ge [sflag:s30], $0x2000  }
0x14b: {  	[sflag:s30] =	ssyncset.done $0x0  }
0x14c: {  	s23 =	simm.s32 $0x4F80;
	[sflag:s30] =	ssyncadd.s32 $0xFFFFE000  }
0x14d: {  	[spmem:s2] =	stream.indirect.scatter.add.f32 [tilespmem:s9], [sflag:$0x2], $0x40, s23, s29, $0xb8;
	[tilespmem:$0x1B540] =	vst v63  }
0x14e: {  	_ =	swait.ge [sflag:s24], $0x2000  }
0x14f: {  	[sflag:s24] =	ssyncset.done $0x0  }
0x150: {  	[sflag:s24] =	ssyncadd.s32 $0xFFFFE000  }
0x151: {  	s17 =	simm.s32 $0x0;
	s21 =	simm.s32 $0x0;
	[bflag:$0x0] =	sbarrier.arrive $0xFFFF  }
.LBB2_16:
0x152: {  	s5 =	sshll.u32 s21, $0x6  }
0x153: {  	s22 =	sadd.s32 s7, s5  }
0x154: {  	s5 =	sshll.u32 s22, $0x6  }
0x155: {  	s5 =	sand.u32 $0x3FFFFFC0, s5  }
0x156: {  	s14 =	sadd.s32 $0x0, s17;
	s5 =	sadd.s32 s5, s2  }
0x157: {  	[tilespmem:s31], [sflag:$0x2] =	stream.linear.gather [spmem:s5], $0x1000, $0x38;
	[tilespmem:$0x1B540] =	vst v63  }
0x158: {  	v0 =	vmov s14;
	_ =	swait.ge [sflag:s24], $0x1000  }
0x159: {  	[sflag:s24] =	ssyncset.done $0x0  }
0x15a: {  	s18 =	simm.s32 $0xD020;
	[sflag:s24] =	ssyncadd.s32 $0xFFFFF000  }
0x15b: {  	v2 =	vld [tilespmem:s18+$0xFFFFFFF0]  }
0x15c: {  	v3 =	vld [tilespmem:s18+$0x10]  }
0x15d: {  	v5 =	vld.idx.msk [tilespmem:v0+s0+$0x0], $0xffff  }
0x15e: {  	v0 =	vld [tilespmem:s18+$0xFFFFFFE0]  }
0x15f: {  	v6 =	vld [tilespmem:s18+$0x0];
	_ =	sdelay $0x3  }
0x160: {  	s19 =	sadd.s32 $0x1, s17;
	v1 =	vmul.f32 v0, v5;
	v4 =	vmul.f32 v3, v5  }
0x161: {  	s23 =	simm.s32 $0x2;
	s14 =	simm.s32 $0xD020;
	v0 =	vmov s19;
	v3 =	vmul.f32 v2, v5;
	v2 =	vmul.f32 v6, v5  }
.LBB2_17:
0x162: {  	p0 =	sne.s32 s23, $0x3F  }
0x163: {  	[tilespmem:s18+$0x10] =	vst v4;
	s14 =	sadd.s32 $0x40, s14;
	s19 =	smov.u32 s23;
	s23 =	sadd.s32 $0x1, s23  }
0x164: {  	[tilespmem:s18+$0xFFFFFFE0] =	vst v1  }
0x165: {  	v5 =	vld [tilespmem:s14+$0xFFFFFFF0];
	[tilespmem:s18+$0xFFFFFFF0] =	vst v3  }
0x166: {  	v3 =	vld [tilespmem:s14+$0x10];
	[tilespmem:s18+$0x0] =	vst v2;
	s18 =	smov.u32 s14  }
0x167: {  	v2 =	vld.idx.msk [tilespmem:v0+s0+$0x0], $0xffff  }
0x168: {  	v0 =	vld [tilespmem:s14+$0xFFFFFFE0]  }
0x169: {  	v6 =	vld [tilespmem:s14+$0x0]  }
.Ltmp7:
0x16a: {  	(pc) =	sbr.rel @p0 .LBB2_17-.Ltmp7, $3  }
0x16b: {  	_ =	sdelay $0x1  }
0x16c: {  	s19 =	sadd.s32 s19, s17;
	v4 =	vmul.f32 v3, v2;
	v1 =	vmul.f32 v0, v2  }
0x16d: {  	v3 =	vmul.f32 v5, v2;
	v0 =	vmov s19;
	v2 =	vmul.f32 v6, v2  }
0x16e: {  	[tilespmem:s18+$0x10] =	vst v4  }
0x16f: {  	s14 =	sadd.s32 $0x40, s14;
	[tilespmem:s18+$0xFFFFFFE0] =	vst v1  }
0x170: {  	v1 =	vld [tilespmem:s14+$0xFFFFFFF0];
	[tilespmem:s18+$0xFFFFFFF0] =	vst v3  }
0x171: {  	v3 =	vld [tilespmem:s14+$0x10];
	[tilespmem:s18+$0x0] =	vst v2  }
0x172: {  	v0 =	vld.idx.msk [tilespmem:v0+s0+$0x0], $0xffff  }
0x173: {  	v2 =	vld [tilespmem:s14+$0xFFFFFFE0];
	_ =	sdelay $0x1  }
0x174: {  	v4 =	vld [tilespmem:s14+$0x0];
	_ =	sdelay $0x1  }
0x175: {  	v3 =	vmul.f32 v3, v0  }
0x176: {  	v2 =	vmul.f32 v2, v0  }
0x177: {  	v1 =	vmul.f32 v1, v0;
	[tilespmem:s14+$0x10] =	vst v3  }
0x178: {  	v0 =	vmul.f32 v4, v0;
	[tilespmem:s14+$0xFFFFFFE0] =	vst v2  }
0x179: {  	s22 =	sshll.u32 s22, $0x3;
	[tilespmem:s14+$0xFFFFFFF0] =	vst v1  }
0x17a: {  	s23 =	sadd.s32 s22, s12;
	[tilespmem:s14+$0x0] =	vst v0  }
0x17b: {  	[hbm4b:s23+s3] =	stream.linear.scatter [tilespmem:s31], [sflag:$0x2], $0x1000, $0x38;
	[tilespmem:$0x1B540] =	vst v63  }
0x17c: {  	s21 =	sadd.s32 $0x1, s21;
	_ =	swait.ge [sflag:s24], $0x1000  }
0x17d: {  	p0 =	sne.s32 s21, $0xA;
	[sflag:s24] =	ssyncset.done $0x0  }
.Ltmp8:
0x17e: {  	[sflag:s24] =	ssyncadd.s32 $0xFFFFF000;
	(pc) =	sbr.rel @p0 .LBB2_16-.Ltmp8, $4  }
0x17f: {  	[spmem:s5] =	stream.linear.scatter [tilespmem:s25], [sflag:$0x2], $0x1000, $0x38;
	[tilespmem:$0x1B540] =	vst v63  }
0x180: {  	_ =	swait.ge [sflag:s24], $0x1000  }
0x181: {  	[sflag:s24] =	ssyncset.done $0x0  }
0x182: {  	s17 =	sadd.s32 $0x40, s17;
	[sflag:s24] =	ssyncadd.s32 $0xFFFFF000  }
0x183: {  	[bflag:$0x0] =	sbarrier.arrive $0xFFFF  }
0x184: {  	[tilespmem:s28], [sflag:$0x1] =	stream.indirect.gather [hbm4b:s12+s29], $0x40, s16, s29, $0xb8;
	[tilespmem:$0x1B540] =	vst v63  }
0x185: {  	s5 =	simm.s32 $0x2880  }
0x186: {  	[tilespmem:s4], [sflag:$0x1] =	stream.indirect.gather [hbm4b:s12+s29], $0x40, s5, s29, $0xb8;
	[tilespmem:$0x1B540] =	vst v63  }
0x187: {  	s22 =	simm.s32 $0x2900  }
0x188: {  	[tilespmem:s6], [sflag:$0x1] =	stream.indirect.gather [hbm4b:s12+s29], $0x40, s22, s29, $0xb8;
	[tilespmem:$0x1B540] =	vst v63  }
0x189: {  	s23 =	simm.s32 $0x2980  }
0x18a: {  	[tilespmem:s9], [sflag:$0x1] =	stream.indirect.gather [hbm4b:s12+s29], $0x40, s23, s29, $0xb8;
	[tilespmem:$0x1B540] =	vst v63  }
0x18b: {  	_ =	swait.ge [sflag:s30], $0x2000  }
0x18c: {  	[sflag:s30] =	ssyncset.done $0x0  }
0x18d: {  	s14 =	simm.s32 $0x0;
	[sflag:s30] =	ssyncadd.s32 $0xFFFFE000  }
0x18e: {  	[spmem:s2] =	stream.indirect.scatter.add.f32 [tilespmem:s28], [sflag:$0x2], $0x40, s14, s29, $0xb8;
	[tilespmem:$0x1B540] =	vst v63  }
0x18f: {  	_ =	swait.ge [sflag:s24], $0x2000  }
0x190: {  	[sflag:s24] =	ssyncset.done $0x0  }
0x191: {  	s17 =	simm.s32 $0x2A00;
	[sflag:s24] =	ssyncadd.s32 $0xFFFFE000  }
0x192: {  	[tilespmem:s28], [sflag:$0x1] =	stream.indirect.gather [hbm4b:s12+s29], $0x40, s17, s29, $0xb8;
	[tilespmem:$0x1B540] =	vst v63  }
0x193: {  	_ =	swait.ge [sflag:s30], $0x2000  }
0x194: {  	[sflag:s30] =	ssyncset.done $0x0  }
0x195: {  	s18 =	simm.s32 $0x80;
	[sflag:s30] =	ssyncadd.s32 $0xFFFFE000  }
0x196: {  	[spmem:s2] =	stream.indirect.scatter.add.f32 [tilespmem:s4], [sflag:$0x2], $0x40, s18, s29, $0xb8;
	[tilespmem:$0x1B540] =	vst v63  }
0x197: {  	_ =	swait.ge [sflag:s24], $0x2000  }
0x198: {  	[sflag:s24] =	ssyncset.done $0x0  }
0x199: {  	s19 =	simm.s32 $0x2A80;
	[sflag:s24] =	ssyncadd.s32 $0xFFFFE000  }
0x19a: {  	[tilespmem:s4], [sflag:$0x1] =	stream.indirect.gather [hbm4b:s12+s29], $0x40, s19, s29, $0xb8;
	[tilespmem:$0x1B540] =	vst v63  }
0x19b: {  	_ =	swait.ge [sflag:s30], $0x2000  }
0x19c: {  	[sflag:s30] =	ssyncset.done $0x0  }
0x19d: {  	s21 =	simm.s32 $0x100;
	[sflag:s30] =	ssyncadd.s32 $0xFFFFE000  }
0x19e: {  	[spmem:s2] =	stream.indirect.scatter.add.f32 [tilespmem:s6], [sflag:$0x2], $0x40, s21, s29, $0xb8;
	[tilespmem:$0x1B540] =	vst v63  }
0x19f: {  	_ =	swait.ge [sflag:s24], $0x2000  }
0x1a0: {  	[sflag:s24] =	ssyncset.done $0x0  }
0x1a1: {  	s22 =	simm.s32 $0x2B00;
	[sflag:s24] =	ssyncadd.s32 $0xFFFFE000  }
0x1a2: {  	[tilespmem:s6], [sflag:$0x1] =	stream.indirect.gather [hbm4b:s12+s29], $0x40, s22, s29, $0xb8;
	[tilespmem:$0x1B540] =	vst v63  }
0x1a3: {  	_ =	swait.ge [sflag:s30], $0x2000  }
0x1a4: {  	[sflag:s30] =	ssyncset.done $0x0  }
0x1a5: {  	s23 =	simm.s32 $0x180;
	[sflag:s30] =	ssyncadd.s32 $0xFFFFE000  }
0x1a6: {  	[spmem:s2] =	stream.indirect.scatter.add.f32 [tilespmem:s9], [sflag:$0x2], $0x40, s23, s29, $0xb8;
	[tilespmem:$0x1B540] =	vst v63  }
0x1a7: {  	_ =	swait.ge [sflag:s24], $0x2000  }
0x1a8: {  	[sflag:s24] =	ssyncset.done $0x0  }
0x1a9: {  	s5 =	simm.s32 $0x800;
	s14 =	simm.s32 $0x2B80;
	[sflag:s24] =	ssyncadd.s32 $0xFFFFE000  }
.LBB2_20:
0x1aa: {  	[tilespmem:s9], [sflag:$0x1] =	stream.indirect.gather [hbm4b:s12+s29], $0x40, s14, s29, $0xb8;
	[tilespmem:$0x1B540] =	vst v63  }
0x1ab: {  	s14 =	smov.u32 s5  }
0x1ac: {  	p0 =	sne.s32 s5, $0x9000;
	s5 =	sadd.s32 $0x800, s5;
	_ =	swait.ge [sflag:s30], $0x2000  }
0x1ad: {  	[sflag:s30] =	ssyncset.done $0x0  }
0x1ae: {  	s17 =	sshra.s32 s14, $0x2;
	[sflag:s30] =	ssyncadd.s32 $0xFFFFE000  }
0x1af: {  	[spmem:s2] =	stream.indirect.scatter.add.f32 [tilespmem:s28], [sflag:$0x2], $0x40, s17, s29, $0xb8;
	[tilespmem:$0x1B540] =	vst v63  }
0x1b0: {  	_ =	swait.ge [sflag:s24], $0x2000  }
0x1b1: {  	[sflag:s24] =	ssyncset.done $0x0  }
0x1b2: {  	s14 =	sadd.s32 $0x2A00, s17;
	[sflag:s24] =	ssyncadd.s32 $0xFFFFE000  }
0x1b3: {  	[tilespmem:s28], [sflag:$0x1] =	stream.indirect.gather [hbm4b:s12+s29], $0x40, s14, s29, $0xb8;
	[tilespmem:$0x1B540] =	vst v63  }
0x1b4: {  	_ =	swait.ge [sflag:s30], $0x2000  }
0x1b5: {  	[sflag:s30] =	ssyncset.done $0x0  }
0x1b6: {  	s14 =	sadd.s32 $0x80, s17;
	[sflag:s30] =	ssyncadd.s32 $0xFFFFE000  }
0x1b7: {  	[spmem:s2] =	stream.indirect.scatter.add.f32 [tilespmem:s4], [sflag:$0x2], $0x40, s14, s29, $0xb8;
	[tilespmem:$0x1B540] =	vst v63  }
0x1b8: {  	_ =	swait.ge [sflag:s24], $0x2000  }
0x1b9: {  	[sflag:s24] =	ssyncset.done $0x0  }
0x1ba: {  	s14 =	sadd.s32 $0x2A80, s17;
	[sflag:s24] =	ssyncadd.s32 $0xFFFFE000  }
0x1bb: {  	[tilespmem:s4], [sflag:$0x1] =	stream.indirect.gather [hbm4b:s12+s29], $0x40, s14, s29, $0xb8;
	[tilespmem:$0x1B540] =	vst v63  }
0x1bc: {  	_ =	swait.ge [sflag:s30], $0x2000  }
0x1bd: {  	[sflag:s30] =	ssyncset.done $0x0  }
0x1be: {  	s14 =	sadd.s32 $0x100, s17;
	[sflag:s30] =	ssyncadd.s32 $0xFFFFE000  }
0x1bf: {  	[spmem:s2] =	stream.indirect.scatter.add.f32 [tilespmem:s6], [sflag:$0x2], $0x40, s14, s29, $0xb8;
	[tilespmem:$0x1B540] =	vst v63  }
0x1c0: {  	_ =	swait.ge [sflag:s24], $0x2000  }
0x1c1: {  	[sflag:s24] =	ssyncset.done $0x0  }
0x1c2: {  	s14 =	sadd.s32 $0x2B00, s17;
	[sflag:s24] =	ssyncadd.s32 $0xFFFFE000  }
0x1c3: {  	[tilespmem:s6], [sflag:$0x1] =	stream.indirect.gather [hbm4b:s12+s29], $0x40, s14, s29, $0xb8;
	[tilespmem:$0x1B540] =	vst v63  }
0x1c4: {  	_ =	swait.ge [sflag:s30], $0x2000  }
0x1c5: {  	[sflag:s30] =	ssyncset.done $0x0  }
.Ltmp9:
0x1c6: {  	s14 =	sadd.s32 $0x180, s17;
	[sflag:s30] =	ssyncadd.s32 $0xFFFFE000;
	(pc) =	sbr.rel @p0 .LBB2_20-.Ltmp9, $4  }
0x1c7: {  	[spmem:s2] =	stream.indirect.scatter.add.f32 [tilespmem:s9], [sflag:$0x2], $0x40, s14, s29, $0xb8;
	[tilespmem:$0x1B540] =	vst v63  }
0x1c8: {  	_ =	swait.ge [sflag:s24], $0x2000  }
0x1c9: {  	[sflag:s24] =	ssyncset.done $0x0  }
0x1ca: {  	s14 =	sadd.s32 $0x2B80, s17;
	[sflag:s24] =	ssyncadd.s32 $0xFFFFE000  }
0x1cb: {  	[tilespmem:s9], [sflag:$0x1] =	stream.indirect.gather [hbm4b:s12+s29], $0x40, s14, s29, $0xb8;
	[tilespmem:$0x1B540] =	vst v63  }
0x1cc: {  	_ =	swait.ge [sflag:s30], $0x2000  }
0x1cd: {  	[sflag:s30] =	ssyncset.done $0x0  }
0x1ce: {  	s5 =	simm.s32 $0x2600;
	[sflag:s30] =	ssyncadd.s32 $0xFFFFE000  }
0x1cf: {  	[spmem:s2] =	stream.indirect.scatter.add.f32 [tilespmem:s28], [sflag:$0x2], $0x40, s5, s29, $0xb8;
	[tilespmem:$0x1B540] =	vst v63  }
0x1d0: {  	_ =	swait.ge [sflag:s24], $0x2000  }
0x1d1: {  	[sflag:s24] =	ssyncset.done $0x0  }
0x1d2: {  	[sflag:s24] =	ssyncadd.s32 $0xFFFFE000  }
0x1d3: {  	_ =	swait.ge [sflag:s30], $0x2000  }
0x1d4: {  	[sflag:s30] =	ssyncset.done $0x0  }
0x1d5: {  	s23 =	simm.s32 $0x2680;
	[sflag:s30] =	ssyncadd.s32 $0xFFFFE000  }
0x1d6: {  	[spmem:s2] =	stream.indirect.scatter.add.f32 [tilespmem:s4], [sflag:$0x2], $0x40, s23, s29, $0xb8;
	[tilespmem:$0x1B540] =	vst v63  }
0x1d7: {  	_ =	swait.ge [sflag:s24], $0x2000  }
0x1d8: {  	[sflag:s24] =	ssyncset.done $0x0  }
0x1d9: {  	[sflag:s24] =	ssyncadd.s32 $0xFFFFE000  }
0x1da: {  	_ =	swait.ge [sflag:s30], $0x2000  }
0x1db: {  	[sflag:s30] =	ssyncset.done $0x0  }
0x1dc: {  	[sflag:s30] =	ssyncadd.s32 $0xFFFFE000  }
0x1dd: {  	[spmem:s2] =	stream.indirect.scatter.add.f32 [tilespmem:s6], [sflag:$0x2], $0x40, s15, s29, $0xb8;
	[tilespmem:$0x1B540] =	vst v63  }
0x1de: {  	_ =	swait.ge [sflag:s24], $0x2000  }
0x1df: {  	[sflag:s24] =	ssyncset.done $0x0  }
0x1e0: {  	[sflag:s24] =	ssyncadd.s32 $0xFFFFE000  }
0x1e1: {  	_ =	swait.ge [sflag:s30], $0x2000  }
0x1e2: {  	[sflag:s30] =	ssyncset.done $0x0  }
0x1e3: {  	[sflag:s30] =	ssyncadd.s32 $0xFFFFE000  }
0x1e4: {  	[spmem:s2] =	stream.indirect.scatter.add.f32 [tilespmem:s9], [sflag:$0x2], $0x40, s20, s29, $0xb8;
	[tilespmem:$0x1B540] =	vst v63  }
0x1e5: {  	_ =	swait.ge [sflag:s24], $0x2000  }
0x1e6: {  	[sflag:s24] =	ssyncset.done $0x0  }
0x1e7: {  	[sflag:s24] =	ssyncadd.s32 $0xFFFFE000  }
0x1e8: {  	s21 =	simm.s32 $0x0;
	s22 =	simm.s32 $0x0;
	[bflag:$0x0] =	sbarrier.arrive $0xFFFF  }
.LBB2_22:
0x1e9: {  	s5 =	sshll.u32 s22, $0x6  }
0x1ea: {  	s23 =	sadd.s32 s7, s5  }
0x1eb: {  	s5 =	sshll.u32 s23, $0x6  }
0x1ec: {  	s14 =	sadd.s32 $0x0, s21;
	s5 =	sand.u32 $0x3FFFFFC0, s5  }
0x1ed: {  	v0 =	vmov s14;
	s17 =	sadd.s32 s5, s2  }
0x1ee: {  	[tilespmem:s31], [sflag:$0x2] =	stream.linear.gather [spmem:s17], $0x1000, $0x38;
	[tilespmem:$0x1B540] =	vst v63  }
0x1ef: {  	_ =	swait.ge [sflag:s24], $0x1000  }
0x1f0: {  	[sflag:s24] =	ssyncset.done $0x0  }
0x1f1: {  	[sflag:s24] =	ssyncadd.s32 $0xFFFFF000  }
0x1f2: {  	s5 =	simm.s32 $0xD020;
	v0 =	vld.idx.msk [tilespmem:v0+s1+$0x0], $0xffff  }
0x1f3: {  	v1 =	vld [tilespmem:s5+$0xFFFFFFE0];
	_ =	sdelay $0x1  }
0x1f4: {  	v2 =	vld [tilespmem:$0x11500];
	_ =	sdelay $0x2  }
0x1f5: {  	v1 =	vmul.f32 v1, v0;
	_ =	sdelay $0x1  }
0x1f6: {  	v1 =	vadd.f32 v2, v1  }
0x1f7: {  	v2 =	vld [tilespmem:s5+$0xFFFFFFF0]  }
0x1f8: {  	[tilespmem:s5+$0xFFFFFFE0] =	vst v1  }
0x1f9: {  	v1 =	vld [tilespmem:$0x11510];
	_ =	sdelay $0x2  }
0x1fa: {  	v2 =	vmul.f32 v2, v0;
	_ =	sdelay $0x1  }
0x1fb: {  	v1 =	vadd.f32 v1, v2  }
0x1fc: {  	v2 =	vld [tilespmem:s5+$0x0]  }
0x1fd: {  	[tilespmem:s5+$0xFFFFFFF0] =	vst v1  }
0x1fe: {  	v1 =	vld [tilespmem:$0x11520];
	_ =	sdelay $0x2  }
0x1ff: {  	v2 =	vmul.f32 v2, v0;
	_ =	sdelay $0x1  }
0x200: {  	v1 =	vadd.f32 v1, v2  }
0x201: {  	v2 =	vld [tilespmem:s5+$0x10]  }
0x202: {  	[tilespmem:s5+$0x0] =	vst v1  }
0x203: {  	v1 =	vld [tilespmem:$0x11530];
	_ =	sdelay $0x1  }
0x204: {  	s19 =	sadd.s32 $0x1, s21  }
0x205: {  	v2 =	vmul.f32 v2, v0;
	v0 =	vmov s19;
	_ =	sdelay $0x1  }
0x206: {  	s18 =	simm.s32 $0x2;
	v1 =	vadd.f32 v1, v2  }
.LBB2_23:
0x207: {  	p0 =	sne.s32 s18, $0x3F  }
0x208: {  	s14 =	smov.u32 s18;
	s18 =	sadd.s32 $0x1, s18;
	[tilespmem:s5+$0x10] =	vst v1;
	s5 =	sadd.s32 $0x40, s5  }
0x209: {  	v1 =	vld.idx.msk [tilespmem:v0+s1+$0x0], $0xffff  }
0x20a: {  	v0 =	vld [tilespmem:s5+$0xFFFFFFE0];
	_ =	sdelay $0x1  }
0x20b: {  	v2 =	vld [tilespmem:$0x11500];
	_ =	sdelay $0x2  }
0x20c: {  	v0 =	vmul.f32 v0, v1;
	_ =	sdelay $0x1  }
0x20d: {  	v0 =	vadd.f32 v2, v0  }
0x20e: {  	v2 =	vld [tilespmem:s5+$0xFFFFFFF0]  }
0x20f: {  	[tilespmem:s5+$0xFFFFFFE0] =	vst v0  }
0x210: {  	v0 =	vld [tilespmem:$0x11510];
	_ =	sdelay $0x2  }
0x211: {  	v2 =	vmul.f32 v2, v1;
	_ =	sdelay $0x1  }
0x212: {  	v0 =	vadd.f32 v0, v2  }
0x213: {  	v2 =	vld [tilespmem:s5+$0x0]  }
0x214: {  	[tilespmem:s5+$0xFFFFFFF0] =	vst v0  }
0x215: {  	v0 =	vld [tilespmem:$0x11520];
	_ =	sdelay $0x2  }
0x216: {  	v2 =	vmul.f32 v2, v1;
	_ =	sdelay $0x1  }
0x217: {  	v0 =	vadd.f32 v0, v2  }
0x218: {  	v2 =	vld [tilespmem:s5+$0x10]  }
0x219: {  	[tilespmem:s5+$0x0] =	vst v0  }
0x21a: {  	v3 =	vld [tilespmem:$0x11530]  }
.Ltmp10:
0x21b: {  	(pc) =	sbr.rel @p0 .LBB2_23-.Ltmp10, $3  }
0x21c: {  	s14 =	sadd.s32 s14, s21  }
0x21d: {  	v0 =	vmov s14;
	v1 =	vmul.f32 v2, v1;
	_ =	sdelay $0x1  }
0x21e: {  	v1 =	vadd.f32 v3, v1  }
0x21f: {  	_ =	sdelay $0x2  }
0x220: {  	[tilespmem:s5+$0x10] =	vst v1  }
0x221: {  	s19 =	sadd.s32 $0x40, s5;
	v0 =	vld.idx.msk [tilespmem:v0+s1+$0x0], $0xffff  }
0x222: {  	v1 =	vld [tilespmem:s19+$0xFFFFFFE0];
	_ =	sdelay $0x1  }
0x223: {  	v2 =	vld [tilespmem:$0x11500];
	_ =	sdelay $0x2  }
0x224: {  	v1 =	vmul.f32 v1, v0;
	_ =	sdelay $0x1  }
0x225: {  	v1 =	vadd.f32 v2, v1  }
0x226: {  	v61 =	vld [tilespmem:s19+$0xFFFFFFF0]  }
0x227: {  	[tilespmem:s19+$0xFFFFFFE0] =	vst v1  }
0x228: {  	v1 =	vld [tilespmem:$0x11510];
	_ =	sdelay $0x2  }
0x229: {  	v2 =	vmul.f32 v61, v0;
	_ =	sdelay $0x1  }
0x22a: {  	v1 =	vadd.f32 v1, v2  }
0x22b: {  	v62 =	vld [tilespmem:s19+$0x0]  }
0x22c: {  	[tilespmem:s19+$0xFFFFFFF0] =	vst v1  }
0x22d: {  	v1 =	vld [tilespmem:$0x11520];
	_ =	sdelay $0x2  }
0x22e: {  	v2 =	vmul.f32 v62, v0;
	_ =	sdelay $0x1  }
0x22f: {  	v1 =	vadd.f32 v1, v2  }
0x230: {  	v63 =	vld [tilespmem:s19+$0x10]  }
0x231: {  	[tilespmem:s19+$0x0] =	vst v1  }
0x232: {  	v1 =	vld [tilespmem:$0x11530];
	_ =	sdelay $0x2  }
0x233: {  	v0 =	vmul.f32 v63, v0;
	_ =	sdelay $0x1  }
0x234: {  	v0 =	vadd.f32 v1, v0  }
0x235: {  	s14 =	sshll.u32 s23, $0x3  }
0x236: {  	s23 =	sadd.s32 s12, s14;
	[tilespmem:s19+$0x10] =	vst v0  }
0x237: {  	[hbm4b:s23+s3] =	stream.linear.scatter [tilespmem:s31], [sflag:$0x2], $0x1000, $0x38;
	[tilespmem:$0x1B540] =	vst v63  }
0x238: {  	s22 =	sadd.s32 $0x1, s22;
	_ =	swait.ge [sflag:s24], $0x1000  }
0x239: {  	p0 =	sne.s32 s22, $0xA;
	[sflag:s24] =	ssyncset.done $0x0  }
.Ltmp11:
0x23a: {  	[sflag:s24] =	ssyncadd.s32 $0xFFFFF000;
	(pc) =	sbr.rel @p0 .LBB2_22-.Ltmp11, $4  }
0x23b: {  	[spmem:s17] =	stream.linear.scatter [tilespmem:s25], [sflag:$0x2], $0x1000, $0x38;
	[tilespmem:$0x1B540] =	vst v63  }
0x23c: {  	_ =	swait.ge [sflag:s24], $0x1000  }
0x23d: {  	[sflag:s24] =	ssyncset.done $0x0  }
0x23e: {  	s21 =	sadd.s32 $0x40, s21;
	[sflag:s24] =	ssyncadd.s32 $0xFFFFF000  }
0x23f: {  	[bflag:$0x0] =	sbarrier.arrive $0xFFFF;
	s5 =	simm.s32 $0x0  }
0x240: {  	[tilespmem:s28], [sflag:$0x1] =	stream.indirect.gather [hbm4b:s12+s29], $0x40, s5, s29, $0xb8;
	[tilespmem:$0x1B540] =	vst v63  }
0x241: {  	_ = 	snop  }
0x242: {  	[tilespmem:s4], [sflag:$0x1] =	stream.indirect.gather [hbm4b:s12+s29], $0x40, s29, s29, $0xb8;
	[tilespmem:$0x1B540] =	vst v63  }
0x243: {  	s22 =	simm.s32 $0x100  }
0x244: {  	[tilespmem:s6], [sflag:$0x1] =	stream.indirect.gather [hbm4b:s12+s29], $0x40, s22, s29, $0xb8;
	[tilespmem:$0x1B540] =	vst v63  }
0x245: {  	s23 =	simm.s32 $0x180  }
0x246: {  	[tilespmem:s9], [sflag:$0x1] =	stream.indirect.gather [hbm4b:s12+s29], $0x40, s23, s29, $0xb8;
	[tilespmem:$0x1B540] =	vst v63  }
0x247: {  	_ =	swait.ge [sflag:s30], $0x2000  }
0x248: {  	[sflag:s30] =	ssyncset.done $0x0  }
0x249: {  	s14 =	simm.s32 $0x2800;
	[sflag:s30] =	ssyncadd.s32 $0xFFFFE000  }
0x24a: {  	[spmem:s2] =	stream.indirect.scatter.add.f32 [tilespmem:s28], [sflag:$0x2], $0x40, s14, s29, $0xb8;
	[tilespmem:$0x1B540] =	vst v63  }
0x24b: {  	_ =	swait.ge [sflag:s24], $0x2000  }
0x24c: {  	[sflag:s24] =	ssyncset.done $0x0  }
0x24d: {  	s17 =	simm.s32 $0x200;
	[sflag:s24] =	ssyncadd.s32 $0xFFFFE000  }
0x24e: {  	[tilespmem:s28], [sflag:$0x1] =	stream.indirect.gather [hbm4b:s12+s29], $0x40, s17, s29, $0xb8;
	[tilespmem:$0x1B540] =	vst v63  }
0x24f: {  	_ =	swait.ge [sflag:s30], $0x2000  }
0x250: {  	[sflag:s30] =	ssyncset.done $0x0  }
0x251: {  	s18 =	simm.s32 $0x2880;
	[sflag:s30] =	ssyncadd.s32 $0xFFFFE000  }
0x252: {  	[spmem:s2] =	stream.indirect.scatter.add.f32 [tilespmem:s4], [sflag:$0x2], $0x40, s18, s29, $0xb8;
	[tilespmem:$0x1B540] =	vst v63  }
0x253: {  	_ =	swait.ge [sflag:s24], $0x2000  }
0x254: {  	[sflag:s24] =	ssyncset.done $0x0  }
0x255: {  	s19 =	simm.s32 $0x280;
	[sflag:s24] =	ssyncadd.s32 $0xFFFFE000  }
0x256: {  	[tilespmem:s4], [sflag:$0x1] =	stream.indirect.gather [hbm4b:s12+s29], $0x40, s19, s29, $0xb8;
	[tilespmem:$0x1B540] =	vst v63  }
0x257: {  	_ =	swait.ge [sflag:s30], $0x2000  }
0x258: {  	[sflag:s30] =	ssyncset.done $0x0  }
0x259: {  	s21 =	simm.s32 $0x2900;
	[sflag:s30] =	ssyncadd.s32 $0xFFFFE000  }
0x25a: {  	[spmem:s2] =	stream.indirect.scatter.add.f32 [tilespmem:s6], [sflag:$0x2], $0x40, s21, s29, $0xb8;
	[tilespmem:$0x1B540] =	vst v63  }
0x25b: {  	_ =	swait.ge [sflag:s24], $0x2000  }
0x25c: {  	[sflag:s24] =	ssyncset.done $0x0  }
0x25d: {  	s22 =	simm.s32 $0x300;
	[sflag:s24] =	ssyncadd.s32 $0xFFFFE000  }
0x25e: {  	[tilespmem:s6], [sflag:$0x1] =	stream.indirect.gather [hbm4b:s12+s29], $0x40, s22, s29, $0xb8;
	[tilespmem:$0x1B540] =	vst v63  }
0x25f: {  	_ =	swait.ge [sflag:s30], $0x2000  }
0x260: {  	[sflag:s30] =	ssyncset.done $0x0  }
0x261: {  	s23 =	simm.s32 $0x2980;
	[sflag:s30] =	ssyncadd.s32 $0xFFFFE000  }
0x262: {  	[spmem:s2] =	stream.indirect.scatter.add.f32 [tilespmem:s9], [sflag:$0x2], $0x40, s23, s29, $0xb8;
	[tilespmem:$0x1B540] =	vst v63  }
0x263: {  	_ =	swait.ge [sflag:s24], $0x2000  }
0x264: {  	[sflag:s24] =	ssyncset.done $0x0  }
0x265: {  	s5 =	simm.s32 $0x800;
	s14 =	simm.s32 $0x380;
	[sflag:s24] =	ssyncadd.s32 $0xFFFFE000  }
.LBB2_26:
0x266: {  	[tilespmem:s9], [sflag:$0x1] =	stream.indirect.gather [hbm4b:s12+s29], $0x40, s14, s29, $0xb8;
	[tilespmem:$0x1B540] =	vst v63  }
0x267: {  	s14 =	smov.u32 s5  }
0x268: {  	p0 =	sne.s32 s5, $0x9000;
	s5 =	sadd.s32 $0x800, s5;
	_ =	swait.ge [sflag:s30], $0x2000  }
0x269: {  	s17 =	sshra.s32 s14, $0x2;
	[sflag:s30] =	ssyncset.done $0x0  }
0x26a: {  	s14 =	sadd.s32 $0x2800, s17;
	[sflag:s30] =	ssyncadd.s32 $0xFFFFE000  }
0x26b: {  	[spmem:s2] =	stream.indirect.scatter.add.f32 [tilespmem:s28], [sflag:$0x2], $0x40, s14, s29, $0xb8;
	[tilespmem:$0x1B540] =	vst v63  }
0x26c: {  	_ =	swait.ge [sflag:s24], $0x2000  }
0x26d: {  	[sflag:s24] =	ssyncset.done $0x0  }
0x26e: {  	s14 =	sadd.s32 $0x200, s17;
	[sflag:s24] =	ssyncadd.s32 $0xFFFFE000  }
0x26f: {  	[tilespmem:s28], [sflag:$0x1] =	stream.indirect.gather [hbm4b:s12+s29], $0x40, s14, s29, $0xb8;
	[tilespmem:$0x1B540] =	vst v63  }
0x270: {  	_ =	swait.ge [sflag:s30], $0x2000  }
0x271: {  	[sflag:s30] =	ssyncset.done $0x0  }
0x272: {  	s14 =	sadd.s32 $0x2880, s17;
	[sflag:s30] =	ssyncadd.s32 $0xFFFFE000  }
0x273: {  	[spmem:s2] =	stream.indirect.scatter.add.f32 [tilespmem:s4], [sflag:$0x2], $0x40, s14, s29, $0xb8;
	[tilespmem:$0x1B540] =	vst v63  }
0x274: {  	_ =	swait.ge [sflag:s24], $0x2000  }
0x275: {  	[sflag:s24] =	ssyncset.done $0x0  }
0x276: {  	s14 =	sadd.s32 $0x280, s17;
	[sflag:s24] =	ssyncadd.s32 $0xFFFFE000  }
0x277: {  	[tilespmem:s4], [sflag:$0x1] =	stream.indirect.gather [hbm4b:s12+s29], $0x40, s14, s29, $0xb8;
	[tilespmem:$0x1B540] =	vst v63  }
0x278: {  	_ =	swait.ge [sflag:s30], $0x2000  }
0x279: {  	[sflag:s30] =	ssyncset.done $0x0  }
0x27a: {  	s14 =	sadd.s32 $0x2900, s17;
	[sflag:s30] =	ssyncadd.s32 $0xFFFFE000  }
0x27b: {  	[spmem:s2] =	stream.indirect.scatter.add.f32 [tilespmem:s6], [sflag:$0x2], $0x40, s14, s29, $0xb8;
	[tilespmem:$0x1B540] =	vst v63  }
0x27c: {  	_ =	swait.ge [sflag:s24], $0x2000  }
0x27d: {  	[sflag:s24] =	ssyncset.done $0x0  }
0x27e: {  	s14 =	sadd.s32 $0x300, s17;
	[sflag:s24] =	ssyncadd.s32 $0xFFFFE000  }
0x27f: {  	[tilespmem:s6], [sflag:$0x1] =	stream.indirect.gather [hbm4b:s12+s29], $0x40, s14, s29, $0xb8;
	[tilespmem:$0x1B540] =	vst v63  }
0x280: {  	_ =	swait.ge [sflag:s30], $0x2000  }
0x281: {  	[sflag:s30] =	ssyncset.done $0x0  }
.Ltmp12:
0x282: {  	s14 =	sadd.s32 $0x2980, s17;
	[sflag:s30] =	ssyncadd.s32 $0xFFFFE000;
	(pc) =	sbr.rel @p0 .LBB2_26-.Ltmp12, $4  }
0x283: {  	[spmem:s2] =	stream.indirect.scatter.add.f32 [tilespmem:s9], [sflag:$0x2], $0x40, s14, s29, $0xb8;
	[tilespmem:$0x1B540] =	vst v63  }
0x284: {  	_ =	swait.ge [sflag:s24], $0x2000  }
0x285: {  	[sflag:s24] =	ssyncset.done $0x0  }
0x286: {  	s14 =	sadd.s32 $0x380, s17;
	[sflag:s24] =	ssyncadd.s32 $0xFFFFE000  }
0x287: {  	[tilespmem:s9], [sflag:$0x1] =	stream.indirect.gather [hbm4b:s12+s29], $0x40, s14, s29, $0xb8;
	[tilespmem:$0x1B540] =	vst v63  }
0x288: {  	_ =	swait.ge [sflag:s30], $0x2000  }
0x289: {  	[sflag:s30] =	ssyncset.done $0x0  }
0x28a: {  	s5 =	simm.s32 $0x4E00;
	[sflag:s30] =	ssyncadd.s32 $0xFFFFE000  }
0x28b: {  	[spmem:s2] =	stream.indirect.scatter.add.f32 [tilespmem:s28], [sflag:$0x2], $0x40, s5, s29, $0xb8;
	[tilespmem:$0x1B540] =	vst v63  }
0x28c: {  	_ =	swait.ge [sflag:s24], $0x2000  }
0x28d: {  	[sflag:s24] =	ssyncset.done $0x0  }
0x28e: {  	[sflag:s24] =	ssyncadd.s32 $0xFFFFE000  }
0x28f: {  	_ =	swait.ge [sflag:s30], $0x2000  }
0x290: {  	[sflag:s30] =	ssyncset.done $0x0  }
0x291: {  	s21 =	simm.s32 $0x4E80;
	[sflag:s30] =	ssyncadd.s32 $0xFFFFE000  }
0x292: {  	[spmem:s2] =	stream.indirect.scatter.add.f32 [tilespmem:s4], [sflag:$0x2], $0x40, s21, s29, $0xb8;
	[tilespmem:$0x1B540] =	vst v63  }
0x293: {  	_ =	swait.ge [sflag:s24], $0x2000  }
0x294: {  	[sflag:s24] =	ssyncset.done $0x0  }
0x295: {  	[sflag:s24] =	ssyncadd.s32 $0xFFFFE000  }
0x296: {  	_ =	swait.ge [sflag:s30], $0x2000  }
0x297: {  	[sflag:s30] =	ssyncset.done $0x0  }
0x298: {  	s22 =	simm.s32 $0x4F00;
	[sflag:s30] =	ssyncadd.s32 $0xFFFFE000  }
0x299: {  	[spmem:s2] =	stream.indirect.scatter.add.f32 [tilespmem:s6], [sflag:$0x2], $0x40, s22, s29, $0xb8;
	[tilespmem:$0x1B540] =	vst v63  }
0x29a: {  	_ =	swait.ge [sflag:s24], $0x2000  }
0x29b: {  	[sflag:s24] =	ssyncset.done $0x0  }
0x29c: {  	[sflag:s24] =	ssyncadd.s32 $0xFFFFE000  }
0x29d: {  	_ =	swait.ge [sflag:s30], $0x2000  }
0x29e: {  	[sflag:s30] =	ssyncset.done $0x0  }
0x29f: {  	s23 =	simm.s32 $0x4F80;
	[sflag:s30] =	ssyncadd.s32 $0xFFFFE000  }
0x2a0: {  	[spmem:s2] =	stream.indirect.scatter.add.f32 [tilespmem:s9], [sflag:$0x2], $0x40, s23, s29, $0xb8;
	[tilespmem:$0x1B540] =	vst v63  }
0x2a1: {  	_ =	swait.ge [sflag:s24], $0x2000  }
0x2a2: {  	[sflag:s24] =	ssyncset.done $0x0  }
0x2a3: {  	[sflag:s24] =	ssyncadd.s32 $0xFFFFE000  }
0x2a4: {  	s17 =	simm.s32 $0x0;
	s21 =	simm.s32 $0x0;
	[bflag:$0x0] =	sbarrier.arrive $0xFFFF  }
.LBB2_28:
0x2a5: {  	s5 =	sshll.u32 s21, $0x6  }
0x2a6: {  	s22 =	sadd.s32 s7, s5  }
0x2a7: {  	s5 =	sshll.u32 s22, $0x6  }
0x2a8: {  	s5 =	sand.u32 $0x3FFFFFC0, s5  }
0x2a9: {  	s14 =	sadd.s32 $0x0, s17;
	s5 =	sadd.s32 s5, s2  }
0x2aa: {  	[tilespmem:s31], [sflag:$0x2] =	stream.linear.gather [spmem:s5], $0x1000, $0x38;
	[tilespmem:$0x1B540] =	vst v63  }
0x2ab: {  	v0 =	vmov s14;
	_ =	swait.ge [sflag:s24], $0x1000  }
0x2ac: {  	[sflag:s24] =	ssyncset.done $0x0  }
0x2ad: {  	s18 =	simm.s32 $0xD020;
	[sflag:s24] =	ssyncadd.s32 $0xFFFFF000  }
0x2ae: {  	v2 =	vld [tilespmem:s18+$0xFFFFFFF0]  }
0x2af: {  	v3 =	vld [tilespmem:s18+$0x10]  }
0x2b0: {  	v5 =	vld.idx.msk [tilespmem:v0+s0+$0x0], $0xffff  }
0x2b1: {  	v0 =	vld [tilespmem:s18+$0xFFFFFFE0]  }
0x2b2: {  	v6 =	vld [tilespmem:s18+$0x0];
	_ =	sdelay $0x3  }
0x2b3: {  	s19 =	sadd.s32 $0x1, s17;
	v1 =	vmul.f32 v0, v5;
	v4 =	vmul.f32 v3, v5  }
0x2b4: {  	s23 =	simm.s32 $0x2;
	s14 =	simm.s32 $0xD020;
	v0 =	vmov s19;
	v3 =	vmul.f32 v2, v5;
	v2 =	vmul.f32 v6, v5  }
.LBB2_29:
0x2b5: {  	p0 =	sne.s32 s23, $0x3F  }
0x2b6: {  	[tilespmem:s18+$0x10] =	vst v4;
	s14 =	sadd.s32 $0x40, s14;
	s19 =	smov.u32 s23;
	s23 =	sadd.s32 $0x1, s23  }
0x2b7: {  	[tilespmem:s18+$0xFFFFFFE0] =	vst v1  }
0x2b8: {  	v5 =	vld [tilespmem:s14+$0xFFFFFFF0];
	[tilespmem:s18+$0xFFFFFFF0] =	vst v3  }
0x2b9: {  	v3 =	vld [tilespmem:s14+$0x10];
	[tilespmem:s18+$0x0] =	vst v2;
	s18 =	smov.u32 s14  }
0x2ba: {  	v2 =	vld.idx.msk [tilespmem:v0+s0+$0x0], $0xffff  }
0x2bb: {  	v0 =	vld [tilespmem:s14+$0xFFFFFFE0]  }
0x2bc: {  	v6 =	vld [tilespmem:s14+$0x0]  }
.Ltmp13:
0x2bd: {  	(pc) =	sbr.rel @p0 .LBB2_29-.Ltmp13, $3  }
0x2be: {  	_ =	sdelay $0x1  }
0x2bf: {  	s19 =	sadd.s32 s19, s17;
	v4 =	vmul.f32 v3, v2;
	v1 =	vmul.f32 v0, v2  }
0x2c0: {  	v3 =	vmul.f32 v5, v2;
	v0 =	vmov s19;
	v2 =	vmul.f32 v6, v2  }
0x2c1: {  	[tilespmem:s18+$0x10] =	vst v4  }
0x2c2: {  	s14 =	sadd.s32 $0x40, s14;
	[tilespmem:s18+$0xFFFFFFE0] =	vst v1  }
0x2c3: {  	v1 =	vld [tilespmem:s14+$0xFFFFFFF0];
	[tilespmem:s18+$0xFFFFFFF0] =	vst v3  }
0x2c4: {  	v3 =	vld [tilespmem:s14+$0x10];
	[tilespmem:s18+$0x0] =	vst v2  }
0x2c5: {  	v0 =	vld.idx.msk [tilespmem:v0+s0+$0x0], $0xffff  }
0x2c6: {  	v2 =	vld [tilespmem:s14+$0xFFFFFFE0];
	_ =	sdelay $0x1  }
0x2c7: {  	v4 =	vld [tilespmem:s14+$0x0];
	_ =	sdelay $0x1  }
0x2c8: {  	v3 =	vmul.f32 v3, v0  }
0x2c9: {  	v2 =	vmul.f32 v2, v0  }
0x2ca: {  	v1 =	vmul.f32 v1, v0;
	[tilespmem:s14+$0x10] =	vst v3  }
0x2cb: {  	v0 =	vmul.f32 v4, v0;
	[tilespmem:s14+$0xFFFFFFE0] =	vst v2  }
0x2cc: {  	s22 =	sshll.u32 s22, $0x3;
	[tilespmem:s14+$0xFFFFFFF0] =	vst v1  }
0x2cd: {  	s23 =	sadd.s32 s12, s22;
	[tilespmem:s14+$0x0] =	vst v0  }
0x2ce: {  	[hbm4b:s23+s3] =	stream.linear.scatter [tilespmem:s31], [sflag:$0x2], $0x1000, $0x38;
	[tilespmem:$0x1B540] =	vst v63  }
0x2cf: {  	s21 =	sadd.s32 $0x1, s21;
	_ =	swait.ge [sflag:s24], $0x1000  }
0x2d0: {  	p0 =	sne.s32 s21, $0xA;
	[sflag:s24] =	ssyncset.done $0x0  }
.Ltmp14:
0x2d1: {  	[sflag:s24] =	ssyncadd.s32 $0xFFFFF000;
	(pc) =	sbr.rel @p0 .LBB2_28-.Ltmp14, $4  }
0x2d2: {  	[spmem:s5] =	stream.linear.scatter [tilespmem:s25], [sflag:$0x2], $0x1000, $0x38;
	[tilespmem:$0x1B540] =	vst v63  }
0x2d3: {  	_ =	swait.ge [sflag:s24], $0x1000  }
0x2d4: {  	[sflag:s24] =	ssyncset.done $0x0  }
0x2d5: {  	s17 =	sadd.s32 $0x40, s17;
	[sflag:s24] =	ssyncadd.s32 $0xFFFFF000  }
0x2d6: {  	[bflag:$0x0] =	sbarrier.arrive $0xFFFF  }
0x2d7: {  	[tilespmem:s28], [sflag:$0x1] =	stream.indirect.gather [hbm4b:s12+s29], $0x40, s16, s29, $0xb8;
	[tilespmem:$0x1B540] =	vst v63  }
0x2d8: {  	s5 =	simm.s32 $0x2880  }
0x2d9: {  	[tilespmem:s4], [sflag:$0x1] =	stream.indirect.gather [hbm4b:s12+s29], $0x40, s5, s29, $0xb8;
	[tilespmem:$0x1B540] =	vst v63  }
0x2da: {  	s22 =	simm.s32 $0x2900  }
0x2db: {  	[tilespmem:s6], [sflag:$0x1] =	stream.indirect.gather [hbm4b:s12+s29], $0x40, s22, s29, $0xb8;
	[tilespmem:$0x1B540] =	vst v63  }
0x2dc: {  	s23 =	simm.s32 $0x2980  }
0x2dd: {  	[tilespmem:s9], [sflag:$0x1] =	stream.indirect.gather [hbm4b:s12+s29], $0x40, s23, s29, $0xb8;
	[tilespmem:$0x1B540] =	vst v63  }
0x2de: {  	_ =	swait.ge [sflag:s30], $0x2000  }
0x2df: {  	[sflag:s30] =	ssyncset.done $0x0  }
0x2e0: {  	s14 =	simm.s32 $0x0;
	[sflag:s30] =	ssyncadd.s32 $0xFFFFE000  }
0x2e1: {  	[spmem:s2] =	stream.indirect.scatter.add.f32 [tilespmem:s28], [sflag:$0x2], $0x40, s14, s29, $0xb8;
	[tilespmem:$0x1B540] =	vst v63  }
0x2e2: {  	_ =	swait.ge [sflag:s24], $0x2000  }
0x2e3: {  	[sflag:s24] =	ssyncset.done $0x0  }
0x2e4: {  	s17 =	simm.s32 $0x2A00;
	[sflag:s24] =	ssyncadd.s32 $0xFFFFE000  }
0x2e5: {  	[tilespmem:s28], [sflag:$0x1] =	stream.indirect.gather [hbm4b:s12+s29], $0x40, s17, s29, $0xb8;
	[tilespmem:$0x1B540] =	vst v63  }
0x2e6: {  	_ =	swait.ge [sflag:s30], $0x2000  }
0x2e7: {  	[sflag:s30] =	ssyncset.done $0x0  }
0x2e8: {  	s18 =	simm.s32 $0x80;
	[sflag:s30] =	ssyncadd.s32 $0xFFFFE000  }
0x2e9: {  	[spmem:s2] =	stream.indirect.scatter.add.f32 [tilespmem:s4], [sflag:$0x2], $0x40, s18, s29, $0xb8;
	[tilespmem:$0x1B540] =	vst v63  }
0x2ea: {  	_ =	swait.ge [sflag:s24], $0x2000  }
0x2eb: {  	[sflag:s24] =	ssyncset.done $0x0  }
0x2ec: {  	s19 =	simm.s32 $0x2A80;
	[sflag:s24] =	ssyncadd.s32 $0xFFFFE000  }
0x2ed: {  	[tilespmem:s4], [sflag:$0x1] =	stream.indirect.gather [hbm4b:s12+s29], $0x40, s19, s29, $0xb8;
	[tilespmem:$0x1B540] =	vst v63  }
0x2ee: {  	_ =	swait.ge [sflag:s30], $0x2000  }
0x2ef: {  	[sflag:s30] =	ssyncset.done $0x0  }
0x2f0: {  	s21 =	simm.s32 $0x100;
	[sflag:s30] =	ssyncadd.s32 $0xFFFFE000  }
0x2f1: {  	[spmem:s2] =	stream.indirect.scatter.add.f32 [tilespmem:s6], [sflag:$0x2], $0x40, s21, s29, $0xb8;
	[tilespmem:$0x1B540] =	vst v63  }
0x2f2: {  	_ =	swait.ge [sflag:s24], $0x2000  }
0x2f3: {  	[sflag:s24] =	ssyncset.done $0x0  }
0x2f4: {  	s22 =	simm.s32 $0x2B00;
	[sflag:s24] =	ssyncadd.s32 $0xFFFFE000  }
0x2f5: {  	[tilespmem:s6], [sflag:$0x1] =	stream.indirect.gather [hbm4b:s12+s29], $0x40, s22, s29, $0xb8;
	[tilespmem:$0x1B540] =	vst v63  }
0x2f6: {  	_ =	swait.ge [sflag:s30], $0x2000  }
0x2f7: {  	[sflag:s30] =	ssyncset.done $0x0  }
0x2f8: {  	s23 =	simm.s32 $0x180;
	[sflag:s30] =	ssyncadd.s32 $0xFFFFE000  }
0x2f9: {  	[spmem:s2] =	stream.indirect.scatter.add.f32 [tilespmem:s9], [sflag:$0x2], $0x40, s23, s29, $0xb8;
	[tilespmem:$0x1B540] =	vst v63  }
0x2fa: {  	_ =	swait.ge [sflag:s24], $0x2000  }
0x2fb: {  	[sflag:s24] =	ssyncset.done $0x0  }
0x2fc: {  	s5 =	simm.s32 $0x800;
	s14 =	simm.s32 $0x2B80;
	[sflag:s24] =	ssyncadd.s32 $0xFFFFE000  }
.LBB2_32:
0x2fd: {  	[tilespmem:s9], [sflag:$0x1] =	stream.indirect.gather [hbm4b:s12+s29], $0x40, s14, s29, $0xb8;
	[tilespmem:$0x1B540] =	vst v63  }
0x2fe: {  	s14 =	smov.u32 s5  }
0x2ff: {  	p0 =	sne.s32 s5, $0x9000;
	s5 =	sadd.s32 $0x800, s5;
	_ =	swait.ge [sflag:s30], $0x2000  }
0x300: {  	[sflag:s30] =	ssyncset.done $0x0  }
0x301: {  	s17 =	sshra.s32 s14, $0x2;
	[sflag:s30] =	ssyncadd.s32 $0xFFFFE000  }
0x302: {  	[spmem:s2] =	stream.indirect.scatter.add.f32 [tilespmem:s28], [sflag:$0x2], $0x40, s17, s29, $0xb8;
	[tilespmem:$0x1B540] =	vst v63  }
0x303: {  	_ =	swait.ge [sflag:s24], $0x2000  }
0x304: {  	[sflag:s24] =	ssyncset.done $0x0  }
0x305: {  	s14 =	sadd.s32 $0x2A00, s17;
	[sflag:s24] =	ssyncadd.s32 $0xFFFFE000  }
0x306: {  	[tilespmem:s28], [sflag:$0x1] =	stream.indirect.gather [hbm4b:s12+s29], $0x40, s14, s29, $0xb8;
	[tilespmem:$0x1B540] =	vst v63  }
0x307: {  	_ =	swait.ge [sflag:s30], $0x2000  }
0x308: {  	[sflag:s30] =	ssyncset.done $0x0  }
0x309: {  	s14 =	sadd.s32 $0x80, s17;
	[sflag:s30] =	ssyncadd.s32 $0xFFFFE000  }
0x30a: {  	[spmem:s2] =	stream.indirect.scatter.add.f32 [tilespmem:s4], [sflag:$0x2], $0x40, s14, s29, $0xb8;
	[tilespmem:$0x1B540] =	vst v63  }
0x30b: {  	_ =	swait.ge [sflag:s24], $0x2000  }
0x30c: {  	[sflag:s24] =	ssyncset.done $0x0  }
0x30d: {  	s14 =	sadd.s32 $0x2A80, s17;
	[sflag:s24] =	ssyncadd.s32 $0xFFFFE000  }
0x30e: {  	[tilespmem:s4], [sflag:$0x1] =	stream.indirect.gather [hbm4b:s12+s29], $0x40, s14, s29, $0xb8;
	[tilespmem:$0x1B540] =	vst v63  }
0x30f: {  	_ =	swait.ge [sflag:s30], $0x2000  }
0x310: {  	[sflag:s30] =	ssyncset.done $0x0  }
0x311: {  	s14 =	sadd.s32 $0x100, s17;
	[sflag:s30] =	ssyncadd.s32 $0xFFFFE000  }
0x312: {  	[spmem:s2] =	stream.indirect.scatter.add.f32 [tilespmem:s6], [sflag:$0x2], $0x40, s14, s29, $0xb8;
	[tilespmem:$0x1B540] =	vst v63  }
0x313: {  	_ =	swait.ge [sflag:s24], $0x2000  }
0x314: {  	[sflag:s24] =	ssyncset.done $0x0  }
0x315: {  	s14 =	sadd.s32 $0x2B00, s17;
	[sflag:s24] =	ssyncadd.s32 $0xFFFFE000  }
0x316: {  	[tilespmem:s6], [sflag:$0x1] =	stream.indirect.gather [hbm4b:s12+s29], $0x40, s14, s29, $0xb8;
	[tilespmem:$0x1B540] =	vst v63  }
0x317: {  	_ =	swait.ge [sflag:s30], $0x2000  }
0x318: {  	[sflag:s30] =	ssyncset.done $0x0  }
.Ltmp15:
0x319: {  	s14 =	sadd.s32 $0x180, s17;
	[sflag:s30] =	ssyncadd.s32 $0xFFFFE000;
	(pc) =	sbr.rel @p0 .LBB2_32-.Ltmp15, $4  }
0x31a: {  	[spmem:s2] =	stream.indirect.scatter.add.f32 [tilespmem:s9], [sflag:$0x2], $0x40, s14, s29, $0xb8;
	[tilespmem:$0x1B540] =	vst v63  }
0x31b: {  	_ =	swait.ge [sflag:s24], $0x2000  }
0x31c: {  	[sflag:s24] =	ssyncset.done $0x0  }
0x31d: {  	s14 =	sadd.s32 $0x2B80, s17;
	[sflag:s24] =	ssyncadd.s32 $0xFFFFE000  }
0x31e: {  	[tilespmem:s9], [sflag:$0x1] =	stream.indirect.gather [hbm4b:s12+s29], $0x40, s14, s29, $0xb8;
	[tilespmem:$0x1B540] =	vst v63  }
0x31f: {  	_ =	swait.ge [sflag:s30], $0x2000  }
0x320: {  	[sflag:s30] =	ssyncset.done $0x0  }
0x321: {  	s5 =	simm.s32 $0x2600;
	[sflag:s30] =	ssyncadd.s32 $0xFFFFE000  }
0x322: {  	[spmem:s2] =	stream.indirect.scatter.add.f32 [tilespmem:s28], [sflag:$0x2], $0x40, s5, s29, $0xb8;
	[tilespmem:$0x1B540] =	vst v63  }
0x323: {  	_ =	swait.ge [sflag:s24], $0x2000  }
0x324: {  	[sflag:s24] =	ssyncset.done $0x0  }
0x325: {  	[sflag:s24] =	ssyncadd.s32 $0xFFFFE000  }
0x326: {  	_ =	swait.ge [sflag:s30], $0x2000  }
0x327: {  	[sflag:s30] =	ssyncset.done $0x0  }
0x328: {  	s23 =	simm.s32 $0x2680;
	[sflag:s30] =	ssyncadd.s32 $0xFFFFE000  }
0x329: {  	[spmem:s2] =	stream.indirect.scatter.add.f32 [tilespmem:s4], [sflag:$0x2], $0x40, s23, s29, $0xb8;
	[tilespmem:$0x1B540] =	vst v63  }
0x32a: {  	_ =	swait.ge [sflag:s24], $0x2000  }
0x32b: {  	[sflag:s24] =	ssyncset.done $0x0  }
0x32c: {  	[sflag:s24] =	ssyncadd.s32 $0xFFFFE000  }
0x32d: {  	_ =	swait.ge [sflag:s30], $0x2000  }
0x32e: {  	[sflag:s30] =	ssyncset.done $0x0  }
0x32f: {  	[sflag:s30] =	ssyncadd.s32 $0xFFFFE000  }
0x330: {  	[spmem:s2] =	stream.indirect.scatter.add.f32 [tilespmem:s6], [sflag:$0x2], $0x40, s15, s29, $0xb8;
	[tilespmem:$0x1B540] =	vst v63  }
0x331: {  	_ =	swait.ge [sflag:s24], $0x2000  }
0x332: {  	[sflag:s24] =	ssyncset.done $0x0  }
0x333: {  	[sflag:s24] =	ssyncadd.s32 $0xFFFFE000  }
0x334: {  	_ =	swait.ge [sflag:s30], $0x2000  }
0x335: {  	[sflag:s30] =	ssyncset.done $0x0  }
0x336: {  	[sflag:s30] =	ssyncadd.s32 $0xFFFFE000  }
0x337: {  	[spmem:s2] =	stream.indirect.scatter.add.f32 [tilespmem:s9], [sflag:$0x2], $0x40, s20, s29, $0xb8;
	[tilespmem:$0x1B540] =	vst v63  }
0x338: {  	_ =	swait.ge [sflag:s24], $0x2000  }
0x339: {  	[sflag:s24] =	ssyncset.done $0x0  }
0x33a: {  	[sflag:s24] =	ssyncadd.s32 $0xFFFFE000  }
0x33b: {  	s17 =	simm.s32 $0x0;
	s21 =	simm.s32 $0x0;
	[bflag:$0x0] =	sbarrier.arrive $0xFFFF  }
.LBB2_34:
0x33c: {  	s5 =	sshll.u32 s21, $0x6  }
0x33d: {  	s22 =	sadd.s32 s7, s5  }
0x33e: {  	s5 =	sshll.u32 s22, $0x6  }
0x33f: {  	s5 =	sand.u32 $0x3FFFFFC0, s5  }
0x340: {  	s14 =	sadd.s32 $0x0, s17;
	s5 =	sadd.s32 s5, s2  }
0x341: {  	[tilespmem:s31], [sflag:$0x2] =	stream.linear.gather [spmem:s5], $0x1000, $0x38;
	[tilespmem:$0x1B540] =	vst v63  }
0x342: {  	v0 =	vmov s14;
	_ =	swait.ge [sflag:s24], $0x1000  }
0x343: {  	[sflag:s24] =	ssyncset.done $0x0  }
0x344: {  	s18 =	simm.s32 $0xD020;
	[sflag:s24] =	ssyncadd.s32 $0xFFFFF000  }
0x345: {  	v2 =	vld [tilespmem:s18+$0xFFFFFFF0]  }
0x346: {  	v3 =	vld [tilespmem:s18+$0x10]  }
0x347: {  	v5 =	vld.idx.msk [tilespmem:v0+s1+$0x0], $0xffff  }
0x348: {  	v0 =	vld [tilespmem:s18+$0xFFFFFFE0]  }
0x349: {  	v6 =	vld [tilespmem:s18+$0x0];
	_ =	sdelay $0x3  }
0x34a: {  	s19 =	sadd.s32 $0x1, s17;
	v1 =	vmul.f32 v0, v5;
	v4 =	vmul.f32 v3, v5  }
0x34b: {  	s23 =	simm.s32 $0x2;
	s14 =	simm.s32 $0xD020;
	v0 =	vmov s19;
	v3 =	vmul.f32 v2, v5;
	v2 =	vmul.f32 v6, v5  }
.LBB2_35:
0x34c: {  	p0 =	sne.s32 s23, $0x3F  }
0x34d: {  	[tilespmem:s18+$0x10] =	vst v4;
	s14 =	sadd.s32 $0x40, s14;
	s19 =	smov.u32 s23;
	s23 =	sadd.s32 $0x1, s23  }
0x34e: {  	[tilespmem:s18+$0xFFFFFFE0] =	vst v1  }
0x34f: {  	v5 =	vld [tilespmem:s14+$0xFFFFFFF0];
	[tilespmem:s18+$0xFFFFFFF0] =	vst v3  }
0x350: {  	v3 =	vld [tilespmem:s14+$0x10];
	[tilespmem:s18+$0x0] =	vst v2;
	s18 =	smov.u32 s14  }
0x351: {  	v2 =	vld.idx.msk [tilespmem:v0+s1+$0x0], $0xffff  }
0x352: {  	v0 =	vld [tilespmem:s14+$0xFFFFFFE0]  }
0x353: {  	v6 =	vld [tilespmem:s14+$0x0]  }
.Ltmp16:
0x354: {  	(pc) =	sbr.rel @p0 .LBB2_35-.Ltmp16, $3  }
0x355: {  	_ =	sdelay $0x1  }
0x356: {  	s19 =	sadd.s32 s19, s17;
	v4 =	vmul.f32 v3, v2;
	v1 =	vmul.f32 v0, v2  }
0x357: {  	v3 =	vmul.f32 v5, v2;
	v0 =	vmov s19;
	v2 =	vmul.f32 v6, v2  }
0x358: {  	[tilespmem:s18+$0x10] =	vst v4  }
0x359: {  	s14 =	sadd.s32 $0x40, s14;
	[tilespmem:s18+$0xFFFFFFE0] =	vst v1  }
0x35a: {  	v1 =	vld [tilespmem:s14+$0xFFFFFFF0];
	[tilespmem:s18+$0xFFFFFFF0] =	vst v3  }
0x35b: {  	v3 =	vld [tilespmem:s14+$0x10];
	[tilespmem:s18+$0x0] =	vst v2  }
0x35c: {  	v0 =	vld.idx.msk [tilespmem:v0+s1+$0x0], $0xffff  }
0x35d: {  	v2 =	vld [tilespmem:s14+$0xFFFFFFE0];
	_ =	sdelay $0x1  }
0x35e: {  	v4 =	vld [tilespmem:s14+$0x0];
	_ =	sdelay $0x1  }
0x35f: {  	v3 =	vmul.f32 v3, v0  }
0x360: {  	v2 =	vmul.f32 v2, v0  }
0x361: {  	v1 =	vmul.f32 v1, v0;
	[tilespmem:s14+$0x10] =	vst v3  }
0x362: {  	v0 =	vmul.f32 v4, v0;
	[tilespmem:s14+$0xFFFFFFE0] =	vst v2  }
0x363: {  	s22 =	sshll.u32 s22, $0x3;
	[tilespmem:s14+$0xFFFFFFF0] =	vst v1  }
0x364: {  	s23 =	sadd.s32 s22, s13;
	[tilespmem:s14+$0x0] =	vst v0  }
0x365: {  	[hbm4b:s23+s3] =	stream.linear.scatter [tilespmem:s31], [sflag:$0x2], $0x1000, $0x38;
	[tilespmem:$0x1B540] =	vst v63  }
0x366: {  	s21 =	sadd.s32 $0x1, s21;
	_ =	swait.ge [sflag:s24], $0x1000  }
0x367: {  	p0 =	sne.s32 s21, $0xA;
	[sflag:s24] =	ssyncset.done $0x0  }
.Ltmp17:
0x368: {  	[sflag:s24] =	ssyncadd.s32 $0xFFFFF000;
	(pc) =	sbr.rel @p0 .LBB2_34-.Ltmp17, $4  }
0x369: {  	[spmem:s5] =	stream.linear.scatter [tilespmem:s25], [sflag:$0x2], $0x1000, $0x38;
	[tilespmem:$0x1B540] =	vst v63  }
0x36a: {  	_ =	swait.ge [sflag:s24], $0x1000  }
0x36b: {  	[sflag:s24] =	ssyncset.done $0x0  }
0x36c: {  	s17 =	sadd.s32 $0x40, s17;
	[sflag:s24] =	ssyncadd.s32 $0xFFFFF000  }
0x36d: {  	s8 =	sadd.s32 $0x1, s8;
	s5 =	rddreg [dreg:$0x9]  }
0x36e: {  	p0 =	sne.s32 s8, s5  }
.Ltmp18:
0x36f: {  	_ = 	snop;
	(pc) =	sbr.rel @p0 .LBB2_1-.Ltmp18, $1  }
0x370: {  	_ =	sdelay $0x3  }
0x371: {  	_ =	sfence.sel $0x180000  }
0x372: {  	[bflag:$0x0] =	sbarrier.arrive $0xFFFF  }
0x373: {  	_ =	strace $0x90000047  }
0x374: {  	s0 =	stileid.u32;
	[bflag:$0x2] =	sbarrier.arrive $0xFFFF  }
0x375: {  	p0 =	sne.s32 s0, $0x0;
	s0 =	rddreg [dreg:$0x3]  }
0x376: {  	s0 =	sadd.s32 @!p0 $0x100000, s0  }
0x377: {  	[sflag:s0] =	ssyncadd.tile.s32 @!p0 $0x1;
	_ =	shalt  }
.Lfunc_end2:
_tile_overlayer_lowered:
.L_overlay_start_2:
0x378: {  	(tag) =	ssettag $0x2  }
0x379: {  	s0 =	rddreg [dreg:$0x0];
	s2 =	stileid.u32  }
0x37a: {  	s1 =	rddreg [dreg:$0x1];
	p0 =	sne.s32 s2, $0x0  }
0x37b: {  	s3 =	rddreg [dreg:$0x2];
	[bflag:$0x3] =	sbarrier.arrive $0xFFFF;
	s2 =	simm.s32 @!p0 $0x1C02  }
0x37c: {  	[timem:s3], [sflag:s2] =	dma.local @!p0 [hbm:s0], s1  }
0x37d: {  	s0 =	simm.s32 @!p0 $0x2  }
0x37e: {  	_ =	swait.ge @!p0 [sflag:s0], s1  }
0x37f: {  	s1 =	ssub.s32 @!p0 $0x0, s1;
	[sflag:s0] =	ssyncset.done @!p0 $0x0  }
0x380: {  	[sflag:s0] =	ssyncadd.s32 @!p0 s1  }
0x381: {  	[bflag:$0x3] =	sbarrier.arrive $0xFFFF  }
0x382: {  	_ =	shalt  }

</sc_bundles>
